<compile_context>
chip_gen: v7x
topology: tpu7x:2x2x1
jax: 0.10.2.dev20260603
libtpu: 0.0.44.dev20260713+nightly
codegen_flags: <defaults>
</compile_context>

<pallas_src>
import functools

import jax
import jax.numpy as jnp
from jax import lax
from jax.experimental import pallas as pl
from jax.experimental.pallas import tpu as pltpu
from jax.experimental.pallas import tpu_sc as plsc

EMB = 128
NUM_LAYER = 3
N = 10000
NPAD = 10240
E = 320000
NV = 2000
G = 256
ATOM_F = 40

NC, NS = 2, 16
NW = NC * NS
EPW = E // NW
CH = 40
NCH = EPW // CH
IBLK = 25
NIB = NCH // IBLK
CHC = 80
NCHC = EPW // CHC
CBLK = 25
NCB = NCHC // CBLK
RPS = NPAD // NS



def _sc_aggregate_body(h_hbm, src_hbm, dst_hbm, zero_hbm, out_hbm,
                       src_v, dst_v, rows0, rows1, acc_sh, sem0, sem1):
    c = lax.axis_index("c")
    s = lax.axis_index("s")
    w = s * NC + c
    pltpu.sync_copy(zero_hbm.at[pl.ds(s * RPS, RPS)], acc_sh.at[pl.ds(s * RPS, RPS)])
    plsc.subcore_barrier()

    rows = (rows0, rows1)
    sems = (sem0, sem1)

    def outer(ib, carry):
        pltpu.sync_copy(src_hbm.at[w, ib], src_v)
        pltpu.sync_copy(dst_hbm.at[w, ib], dst_v)
        pltpu.async_copy(h_hbm.at[src_v.at[0]], rows0, sem0)

        def pair(jj, carry2):
            for b in range(2):
                j = jj * 2 + b
                pltpu.async_copy(h_hbm.at[src_v.at[j + 1]], rows[1 - b], sems[1 - b])
                pltpu.make_async_copy(h_hbm.at[src_v.at[j]], rows[b], sems[b]).wait()
                pltpu.sync_copy(rows[b], acc_sh.at[dst_v.at[j]], add=True)
            return carry2

        lax.fori_loop(0, IBLK // 2, pair, 0)
        j = IBLK - 1
        pltpu.make_async_copy(h_hbm.at[src_v.at[j]], rows[j % 2], sems[j % 2]).wait()
        pltpu.sync_copy(rows[j % 2], acc_sh.at[dst_v.at[j]], add=True)
        return carry

    lax.fori_loop(0, NIB, outer, 0)

    plsc.subcore_barrier()
    pltpu.sync_copy(acc_sh.at[pl.ds(s * RPS, RPS)], out_hbm.at[c, pl.ds(s * RPS, RPS)])


@functools.cache
def _sc_kernels():
    mesh = plsc.VectorSubcoreMesh(
        core_axis_name="c", subcore_axis_name="s", num_cores=NC, num_subcores=NS)
    aggregate = pl.kernel(
        _sc_aggregate_body,
        out_type=jax.ShapeDtypeStruct((NC, NPAD, EMB), jnp.float32),
        mesh=mesh,
        scratch_types=[
            pltpu.VMEM((IBLK, CH), jnp.int32),
            pltpu.VMEM((IBLK, CH), jnp.int32),
            pltpu.VMEM((CH, EMB), jnp.float32),
            pltpu.VMEM((CH, EMB), jnp.float32),
            pltpu.VMEM_SHARED((NPAD, EMB), jnp.float32),
            pltpu.SemaphoreType.DMA,
            pltpu.SemaphoreType.DMA,
        ],
    )
    return (aggregate,)


def _gnn_aggregate(table, src4, dst4, zeros_emb):
    return _sc_kernels()[0](table, src4, dst4, zeros_emb)



_RB = 2048


def _dot(a, b, ca=1, cb=0, prec=None):
    return lax.dot_general(a, b, (((ca,), (cb,)), ((), ())),
                           precision=prec,
                           preferred_element_type=jnp.float32)


_HI = lax.Precision.HIGHEST


def _embed_body(x_ref, w_ref, b_ref, o_ref):
    o_ref[...] = jnp.maximum(_dot(x_ref[...], w_ref[...]) + b_ref[...], 0.0)


def _embed(x_pad, w, b):
    return pl.pallas_call(
        _embed_body,
        grid=(NPAD // _RB,),
        in_specs=[
            pl.BlockSpec((_RB, ATOM_F), lambda i: (i, 0)),
            pl.BlockSpec((ATOM_F, EMB), lambda i: (0, 0)),
            pl.BlockSpec((1, EMB), lambda i: (0, 0)),
        ],
        out_specs=pl.BlockSpec((_RB, EMB), lambda i: (i, 0)),
        out_shape=jax.ShapeDtypeStruct((NPAD, EMB), jnp.float32),
    )(x_pad, w, b)


def _solvent_body(x_ref, w1_ref, b1_ref, w2_ref, b2_ref, o_ref):
    h = jnp.maximum(_dot(x_ref[...], w1_ref[...]) + b1_ref[...], 0.0)
    o_ref[...] = _dot(h, w2_ref[...]) + b2_ref[...]


def _solvent_mlp(x, w1, b1, w2, b2):
    return pl.pallas_call(
        _solvent_body,
        out_shape=jax.ShapeDtypeStruct((NV, EMB), jnp.float32),
    )(x, w1, b1, w2, b2)


def _layer_body(p_ref, h_ref, c0_ref, c1_ref, combo_ref, sc_ref,
                w1_ref, b1_ref, w2_ref, b2_ref, o_ref, ssum_ref, ssq_ref):
    i = pl.program_id(0)
    counts = c0_ref[...] + c1_ref[...]
    p = p_ref[...]
    aggr = (p[0] + p[1] + h_ref[...]
            + _dot(counts, combo_ref[...], prec=_HI) + sc_ref[...])
    hid = jnp.maximum(_dot(aggr, w1_ref[...]) + b1_ref[...], 0.0)
    h2 = _dot(hid, w2_ref[...]) + b2_ref[...]
    o_ref[...] = h2
    row = i * _RB + lax.broadcasted_iota(jnp.int32, (_RB, 1), 0)
    h2m = jnp.where(row < N, h2, 0.0)

    @pl.when(i == 0)
    def _():
        ssum_ref[...] = jnp.zeros_like(ssum_ref)
        ssq_ref[...] = jnp.zeros_like(ssq_ref)

    ssum_ref[...] += jnp.broadcast_to(jnp.sum(h2m, axis=0, keepdims=True), (8, EMB))
    ssq_ref[...] += jnp.broadcast_to(jnp.sum(h2m * h2m, axis=0, keepdims=True), (8, EMB))


def _gin_layer(parts, h, c0, c1, combo, selfc, w1, b1, w2, b2):
    nb = NPAD // _RB
    return pl.pallas_call(
        _layer_body,
        grid=(nb,),
        in_specs=[
            pl.BlockSpec((NC, _RB, EMB), lambda i: (0, i, 0)),
            pl.BlockSpec((_RB, EMB), lambda i: (i, 0)),
            pl.BlockSpec((_RB, EMB), lambda i: (i, 0)),
            pl.BlockSpec((_RB, EMB), lambda i: (i, 0)),
            pl.BlockSpec((EMB, EMB), lambda i: (0, 0)),
            pl.BlockSpec((1, EMB), lambda i: (0, 0)),
            pl.BlockSpec((EMB, 2 * EMB), lambda i: (0, 0)),
            pl.BlockSpec((1, 2 * EMB), lambda i: (0, 0)),
            pl.BlockSpec((2 * EMB, EMB), lambda i: (0, 0)),
            pl.BlockSpec((1, EMB), lambda i: (0, 0)),
        ],
        out_specs=[
            pl.BlockSpec((_RB, EMB), lambda i: (i, 0)),
            pl.BlockSpec((8, EMB), lambda i: (0, 0)),
            pl.BlockSpec((8, EMB), lambda i: (0, 0)),
        ],
        out_shape=[
            jax.ShapeDtypeStruct((NPAD, EMB), jnp.float32),
            jax.ShapeDtypeStruct((8, EMB), jnp.float32),
            jax.ShapeDtypeStruct((8, EMB), jnp.float32),
        ],
    )(parts, h, c0, c1, combo, selfc, w1, b1, w2, b2)


def _norm_body_relu(x_ref, mu_ref, s_ref, g_ref, b_ref, o_ref):
    r = (x_ref[...] - mu_ref[...]) / s_ref[...] * g_ref[...] + b_ref[...]
    o_ref[...] = jnp.maximum(r, 0.0)


def _norm_body_id(x_ref, mu_ref, s_ref, g_ref, b_ref, o_ref):
    o_ref[...] = (x_ref[...] - mu_ref[...]) / s_ref[...] * g_ref[...] + b_ref[...]


def _bn_apply(h2, mu, s, g, b, relu):
    return pl.pallas_call(
        _norm_body_relu if relu else _norm_body_id,
        grid=(NPAD // _RB,),
        in_specs=[
            pl.BlockSpec((_RB, EMB), lambda i: (i, 0)),
            pl.BlockSpec((1, EMB), lambda i: (0, 0)),
            pl.BlockSpec((1, EMB), lambda i: (0, 0)),
            pl.BlockSpec((1, EMB), lambda i: (0, 0)),
            pl.BlockSpec((1, EMB), lambda i: (0, 0)),
        ],
        out_specs=pl.BlockSpec((_RB, EMB), lambda i: (i, 0)),
        out_shape=jax.ShapeDtypeStruct((NPAD, EMB), jnp.float32),
    )(h2, mu, s, g, b)


_IB = 1024


def _inter_body(s_ref, ls_ref, lv_ref, v_ref, batch_ref,
                svp_ref, spool_ref):
    i = pl.program_id(0)
    s_blk = s_ref[...]
    v = v_ref[...]
    len_blk = _dot(ls_ref[...], lv_ref[...], ca=0, cb=0)
    m = jnp.tanh(_dot(s_blk, v, ca=1, cb=1)) * len_blk
    sp_blk = _dot(m, v)
    svp_c = _dot(m, s_blk, ca=0, cb=0)
    seg = batch_ref[0, 0, :]
    oh = (lax.broadcasted_iota(jnp.int32, (G, _IB), 0)
          == seg[None, :]).astype(jnp.float32)
    spool_c = jnp.concatenate([_dot(oh, s_blk, prec=_HI),
                               _dot(oh, sp_blk, prec=_HI)], axis=1)

    @pl.when(i == 0)
    def _():
        svp_ref[...] = jnp.zeros_like(svp_ref)
        spool_ref[...] = jnp.zeros_like(spool_ref)

    svp_ref[...] += svp_c
    spool_ref[...] += spool_c


def _interaction(h, ls_pad, lv, vrep, batch3):
    return pl.pallas_call(
        _inter_body,
        grid=(NPAD // _IB,),
        in_specs=[
            pl.BlockSpec((_IB, EMB), lambda i: (i, 0)),
            pl.BlockSpec((G, _IB), lambda i: (0, i)),
            pl.BlockSpec((G, NV), lambda i: (0, 0)),
            pl.BlockSpec((NV, EMB), lambda i: (0, 0)),
            pl.BlockSpec((1, 1, _IB), lambda i: (i, 0, 0)),
        ],
        out_specs=[
            pl.BlockSpec((NV, EMB), lambda i: (0, 0)),
            pl.BlockSpec((G, 2 * EMB), lambda i: (0, 0)),
        ],
        out_shape=[
            jax.ShapeDtypeStruct((NV, EMB), jnp.float32),
            jax.ShapeDtypeStruct((G, 2 * EMB), jnp.float32),
        ],
    )(h, ls_pad, lv, vrep, batch3)


def _final_body(spool_ref, vrep_ref, svp_ref, vb_ref,
                w0_ref, b0_ref, w1_ref, b1_ref, w2_ref, b2_ref, w3_ref, b3_ref,
                o_ref):
    vb = vb_ref[0, 0, :]
    oh = (lax.broadcasted_iota(jnp.int32, (G, NV), 0)
          == vb[None, :]).astype(jnp.float32)
    vpool = jnp.concatenate([_dot(oh, vrep_ref[...], prec=_HI),
                             _dot(oh, svp_ref[...], prec=_HI)], axis=1)
    spool = spool_ref[...]
    x = jnp.concatenate([spool, vpool, spool * vpool], axis=1)
    x = jnp.maximum(_dot(x, w0_ref[...]) + b0_ref[...], 0.0)
    x = jnp.maximum(_dot(x, w1_ref[...]) + b1_ref[...], 0.0)
    x = jnp.maximum(_dot(x, w2_ref[...]) + b2_ref[...], 0.0)
    o_ref[...] = _dot(x, w3_ref[...]) + b3_ref[...]


def _final(spool, vrep, svp, vb3, ro):
    args = [spool, vrep, svp, vb3]
    for p in ro:
        args.append(p['W'])
        args.append(p['b'].reshape(1, -1))
    return pl.pallas_call(
        _final_body,
        out_shape=jax.ShapeDtypeStruct((G, 1), jnp.float32),
    )(*args)



def kernel(solute_x, solute_edge_index, solute_edge_attr, solute_batch,
           solute_length_matrix, solvent_x, solvent_batch,
           solvent_length_matrix, params):
    f32 = jnp.float32
    src4 = solute_edge_index[0].reshape(NW, NIB, IBLK, CH)
    dst4 = solute_edge_index[1].reshape(NW, NIB, IBLK, CH)
    cid = (solute_edge_attr[:, 0] * 3 + solute_edge_attr[:, 1]).astype(jnp.int32)
    cid4 = (cid + 16 * (jnp.arange(E, dtype=jnp.int32) % 128)).reshape(
        NW, NIB, IBLK, CH)
    zeros_emb = jnp.zeros((NPAD, EMB), f32)
    eye_tab = jnp.tile(jnp.eye(16, EMB, dtype=f32), (128, 1))

    x_pad = jnp.concatenate(
        [solute_x, jnp.zeros((NPAD - N, ATOM_F), f32)], axis=0)
    batch_pad = jnp.concatenate(
        [solute_batch, jnp.full((NPAD - N,), G, jnp.int32)])
    batch3 = batch_pad.reshape(NPAD // _IB, 1, _IB)
    ls_pad = jnp.concatenate(
        [solute_length_matrix, jnp.zeros((G, NPAD - N), f32)], axis=1)
    vb3 = solvent_batch.reshape(1, 1, NV)

    cparts = _gnn_aggregate(eye_tab, cid4, dst4, zeros_emb)
    c0, c1 = cparts[0], cparts[1]

    h = _embed(x_pad, params['emb']['W'], params['emb']['b'].reshape(1, EMB))
    vrep = _solvent_mlp(solvent_x,
                        params['solv1']['W'], params['solv1']['b'].reshape(1, EMB),
                        params['solv2']['W'], params['solv2']['b'].reshape(1, EMB))

    for l, p in enumerate(params['layers']):
        combo = (p['ee1'][:3][:, None, :] + p['ee2'][None, :3, :]).reshape(9, EMB)
        combo = jnp.concatenate([combo, jnp.zeros((EMB - 9, EMB), f32)], axis=0)
        selfc = (p['ee1'][4] + p['ee2'][0]).reshape(1, EMB)
        parts = _gnn_aggregate(h, src4, dst4, zeros_emb)
        h2, ssum, ssq = _gin_layer(
            parts, h, c0, c1, combo, selfc,
            p['mlp1']['W'], p['mlp1']['b'].reshape(1, -1),
            p['mlp2']['W'], p['mlp2']['b'].reshape(1, -1))
        mu = ssum[0] / N
        var = ssq[0] / N - mu * mu
        s = jnp.sqrt(var + 1e-5)
        h = _bn_apply(h2, mu.reshape(1, EMB), s.reshape(1, EMB),
                      p['bn_g'].reshape(1, EMB), p['bn_b'].reshape(1, EMB),
                      relu=(l < NUM_LAYER - 1))

    svp, spool = _interaction(h, ls_pad, solvent_length_matrix, vrep, batch3)
    return _final(spool, vrep, svp, vb3, params['readout'])

# --- scband reference (transcript-rebuilt; emitter-appended) ---
"""Pipeline reference for scband-gnn-1-interaction-solubility-46024869544460 (READ-ONLY COPY).

The authoritative reference and input builder live on the scoring server;
editing this copy changes nothing except your own understanding.
"""

import jax, jax.numpy as jnp
import numpy as np

EMB = 128
NUM_LAYER = 3
N_SOLUTE = 10000
E_SOLUTE = 320000
N_SOLVENT = 2000
G = 256
ATOM_F = 40


def setup_inputs(seed: int = 0) -> dict:
    key = jax.random.key(seed)
    ks = jax.random.split(key, 64)
    it = iter(range(64))

    def nk():
        return ks[next(it)]

    inp = {}
    inp['solute_x'] = jax.random.normal(nk(), (N_SOLUTE, ATOM_F), jnp.float32)
    inp['solute_edge_index'] = jax.random.randint(nk(), (2, E_SOLUTE), 0, N_SOLUTE, jnp.int32)
    inp['solute_edge_attr'] = jax.random.randint(nk(), (E_SOLUTE, 2), 0, 3, jnp.int32)
    inp['solute_batch'] = jnp.sort(jax.random.randint(nk(), (N_SOLUTE,), 0, G, jnp.int32))
    inp['solute_length_matrix'] = jax.random.uniform(nk(), (G, N_SOLUTE), jnp.float32)
    inp['solvent_x'] = jax.random.normal(nk(), (N_SOLVENT, ATOM_F), jnp.float32)
    inp['solvent_batch'] = jnp.sort(jax.random.randint(nk(), (N_SOLVENT,), 0, G, jnp.int32))
    inp['solvent_length_matrix'] = jax.random.uniform(nk(), (G, N_SOLVENT), jnp.float32)

    def lin(k, fin, fout):
        return {'W': jax.random.normal(k, (fin, fout), jnp.float32) / np.sqrt(fin),
                'b': jnp.zeros((fout,), jnp.float32)}

    params = {}
    params['emb'] = lin(nk(), ATOM_F, EMB)
    layers = []
    for _ in range(NUM_LAYER):
        layers.append({
            'mlp1': lin(nk(), EMB, 2 * EMB),
            'mlp2': lin(nk(), 2 * EMB, EMB),
            'ee1': jax.random.normal(nk(), (6, EMB), jnp.float32) * 0.1,
            'ee2': jax.random.normal(nk(), (3, EMB), jnp.float32) * 0.1,
            'bn_g': jnp.ones((EMB,), jnp.float32),
            'bn_b': jnp.zeros((EMB,), jnp.float32),
        })
    params['layers'] = layers
    params['solv1'] = lin(nk(), ATOM_F, EMB)
    params['solv2'] = lin(nk(), EMB, EMB)
    ro_dims = [(6 * EMB, EMB), (EMB, EMB // 2), (EMB // 2, EMB // 4), (EMB // 4, 1)]
    params['readout'] = [lin(nk(), a, b) for (a, b) in ro_dims]
    inp['params'] = params
    return inp


def _forward(solute_x, solute_length_matrix, solvent_x, solvent_length_matrix, params,
             edge_index, edge_attr, s_batch, v_batch):
    src = edge_index[0]
    dst = edge_index[1]
    # solute GNN (GIN with edge-type embeddings, self-loops, add aggregation)
    h = jnp.maximum(solute_x @ params['emb']['W'] + params['emb']['b'], 0.0)
    for l, p in enumerate(params['layers']):
        ee = p['ee1'][edge_attr[:, 0]] + p['ee2'][edge_attr[:, 1]]
        msg = h[src] + ee
        aggr = jax.ops.segment_sum(msg, dst, num_segments=N_SOLUTE)
        aggr = aggr + h + (p['ee1'][4] + p['ee2'][0])  # self-loop messages
        hid = jnp.maximum(aggr @ p['mlp1']['W'] + p['mlp1']['b'], 0.0)
        h2 = hid @ p['mlp2']['W'] + p['mlp2']['b']
        mu = jnp.mean(h2, axis=0)
        var = jnp.var(h2, axis=0)
        h2 = (h2 - mu) / jnp.sqrt(var + 1e-5) * p['bn_g'] + p['bn_b']
        h = h2 if l == NUM_LAYER - 1 else jnp.maximum(h2, 0.0)
    solute_rep = h
    # solvent = 'water' path: plain MLP
    sv = jnp.maximum(solvent_x @ params['solv1']['W'] + params['solv1']['b'], 0.0)
    solvent_rep = sv @ params['solv2']['W'] + params['solv2']['b']
    # interaction ('dot')
    len_map = solute_length_matrix.T @ solvent_length_matrix
    imap = solute_rep @ solvent_rep.T
    imap = jnp.tanh(imap)
    imap = len_map * imap
    solvent_prime = imap.T @ solute_rep
    solute_prime = imap @ solvent_rep
    solute_cat = jnp.concatenate([solute_rep, solute_prime], axis=1)
    solvent_cat = jnp.concatenate([solvent_rep, solvent_prime], axis=1)
    s_pool = jax.ops.segment_sum(solute_cat, s_batch, num_segments=G)
    v_pool = jax.ops.segment_sum(solvent_cat, v_batch, num_segments=G)
    final = jnp.concatenate([s_pool, v_pool, s_pool * v_pool], axis=1)
    n_ro = len(params['readout'])
    for j, rp in enumerate(params['readout']):
        final = final @ rp['W'] + rp['b']
        if j < n_ro - 1:
            final = jnp.maximum(final, 0.0)
    return final


def reference(solute_x, solute_edge_index, solute_edge_attr, solute_batch, solute_length_matrix,
              solvent_x, solvent_batch, solvent_length_matrix, params):
    return _forward(solute_x, solute_length_matrix, solvent_x, solvent_length_matrix, params,
                    solute_edge_index, solute_edge_attr, solute_batch, solvent_batch)

if __name__ == "__main__":
    import jax
    _d = setup_inputs()
    print(jax.jit(kernel)(*tuple(_d.values())))

</pallas_src>

<mosaic_0001>
#map = affine_map<(d0, d1) -> (0, 0)>
#map1 = affine_map<(d0, d1) -> (0, 0, 0, 0)>
#map2 = affine_map<(d0, d1) -> (0, 0, 0)>
module attributes {stable_mosaic.version = 14 : i64} {
  func.func @_sc_aggregate_body(%arg0: i32, %arg1: i32, %arg2: memref<2048x128xf32, #tpu.memory_space<hbm>>, %arg3: memref<32x10x25x40xi32, #tpu.memory_space<hbm>>, %arg4: memref<32x10x25x40xi32, #tpu.memory_space<hbm>>, %arg5: memref<10240x128xf32, #tpu.memory_space<hbm>>, %arg6: memref<2x10240x128xf32, #tpu.memory_space<hbm>>, %arg7: memref<25x40xi32, #tpu.memory_space<vmem>>, %arg8: memref<25x40xi32, #tpu.memory_space<vmem>>, %arg9: memref<40x128xf32, #tpu.memory_space<vmem>>, %arg10: memref<40x128xf32, #tpu.memory_space<vmem>>, %arg11: memref<10240x128xf32, #tpu.memory_space<vmem_shared>>, %arg12: memref<!tpu.dma_semaphore, #tpu.memory_space<semaphore_mem>>, %arg13: memref<!tpu.dma_semaphore, #tpu.memory_space<semaphore_mem>>) attributes {dimension_semantics = [#tpu.dimension_semantics<core_parallel>, #tpu.dimension_semantics<subcore_parallel>], iteration_bounds = array<i64: 2, 16>, scalar_prefetch = 0 : i64, scratch_operands = 7 : i64, tpu.core_type = #tpu.core_type<sc_vector_subcore>, window_params = [{transform_indices = #map}, {transform_indices = #map1}, {transform_indices = #map1}, {transform_indices = #map}, {transform_indices = #map2}]} {
    %mul3A = arith.constant 2 : i32
    %mul3A_0 = arith.muli %arg1, %mul3A : i32
    %add3A = arith.addi %mul3A_0, %arg0 : i32
    %mul3A_1 = arith.constant 640 : i32
    %mul3A_2 = arith.muli %arg1, %mul3A_1 : i32
    %mul3A_3 = arith.constant 640 : i32
    %mul3A_4 = arith.muli %arg1, %mul3A_3 : i32
    "tpu.region"() ({
      %run_scoped3A = tpu.sem_alloc : memref<!tpu.dma_semaphore, #tpu.memory_space<semaphore_mem>>
      %dma_start3A = arith.constant 0 : i32
      %dma_start3A_15 = tpu.memref_slice %arg11[%mul3A_4, %dma_start3A] : memref<10240x128xf32, #tpu.memory_space<vmem_shared>> -> memref<640x128xf32, #tpu.memory_space<vmem_shared>>
      %dma_start3A_16 = arith.constant 0 : i32
      %dma_start3A_17 = tpu.memref_slice %arg5[%mul3A_2, %dma_start3A_16] : memref<10240x128xf32, #tpu.memory_space<hbm>> -> memref<640x128xf32, #tpu.memory_space<hbm>>
      tpu.enqueue_dma source(%dma_start3A_17 : memref<640x128xf32, #tpu.memory_space<hbm>>) target(%dma_start3A_15 : memref<640x128xf32, #tpu.memory_space<vmem_shared>>) target_semaphore(%run_scoped3A : memref<!tpu.dma_semaphore, #tpu.memory_space<semaphore_mem>>)
      %dma_wait3A = arith.constant 0 : i32
      %dma_wait3A_18 = tpu.memref_slice %arg11[%mul3A_4, %dma_wait3A] : memref<10240x128xf32, #tpu.memory_space<vmem_shared>> -> memref<640x128xf32, #tpu.memory_space<vmem_shared>>
      %dma_wait3A_19 = arith.constant 0 : i32
      %dma_wait3A_20 = tpu.memref_slice %arg5[%mul3A_2, %dma_wait3A_19] : memref<10240x128xf32, #tpu.memory_space<hbm>> -> memref<640x128xf32, #tpu.memory_space<hbm>>
      tpu.wait_dma2 semaphore(%run_scoped3A : memref<!tpu.dma_semaphore, #tpu.memory_space<semaphore_mem>>) src(%dma_wait3A_20 : memref<640x128xf32, #tpu.memory_space<hbm>>) dst(%dma_wait3A_18 : memref<640x128xf32, #tpu.memory_space<vmem_shared>>)
      tpu.yield
    }) : () -> ()
    %barrier3A = arith.constant 0 : index
    tpu.barrier barrier_id(%barrier3A)
    %scan3A = arith.constant 0 : i32
    %scan3A_5 = arith.constant 0 : i32
    %scan3A_6 = arith.constant 10 : i32
    %scan3A_7 = arith.addi %scan3A_5, %scan3A_6 : i32
    %scan3A_8 = arith.constant 1 : i32
    scf.for %scan3A_15 = %scan3A_5 to %scan3A_7 step %scan3A_8  : i32 {
      "tpu.region"() ({
        %run_scoped3A_34 = tpu.sem_alloc : memref<!tpu.dma_semaphore, #tpu.memory_space<semaphore_mem>>
        %dma_start3A_35 = arith.constant 0 : i32
        %dma_start3A_36 = arith.constant 0 : i32
        %dma_start3A_37 = tpu.memref_slice %arg3[%add3A, %scan3A_15, %dma_start3A_35, %dma_start3A_36] : memref<32x10x25x40xi32, #tpu.memory_space<hbm>> -> memref<1x1x25x40xi32, #tpu.memory_space<hbm>>
        %dma_start3A_38 = tpu.memref_squeeze %dma_start3A_37 : memref<1x1x25x40xi32, #tpu.memory_space<hbm>> -> memref<25x40xi32, #tpu.memory_space<hbm>>
        %dma_start3A_39 = arith.constant 0 : i32
        %dma_start3A_40 = arith.constant 0 : i32
        %dma_start3A_41 = tpu.memref_slice %arg3[%add3A, %scan3A_15, %dma_start3A_39, %dma_start3A_40] : memref<32x10x25x40xi32, #tpu.memory_space<hbm>> -> memref<1x1x25x40xi32, #tpu.memory_space<hbm>>
        %dma_start3A_42 = tpu.memref_squeeze %dma_start3A_41 : memref<1x1x25x40xi32, #tpu.memory_space<hbm>> -> memref<25x40xi32, #tpu.memory_space<hbm>>
        tpu.enqueue_dma source(%dma_start3A_42 : memref<25x40xi32, #tpu.memory_space<hbm>>) target(%arg7 : memref<25x40xi32, #tpu.memory_space<vmem>>) target_semaphore(%run_scoped3A_34 : memref<!tpu.dma_semaphore, #tpu.memory_space<semaphore_mem>>)
        %dma_wait3A_43 = arith.constant 0 : i32
        %dma_wait3A_44 = arith.constant 0 : i32
        %dma_wait3A_45 = tpu.memref_slice %arg3[%add3A, %scan3A_15, %dma_wait3A_43, %dma_wait3A_44] : memref<32x10x25x40xi32, #tpu.memory_space<hbm>> -> memref<1x1x25x40xi32, #tpu.memory_space<hbm>>
        %dma_wait3A_46 = tpu.memref_squeeze %dma_wait3A_45 : memref<1x1x25x40xi32, #tpu.memory_space<hbm>> -> memref<25x40xi32, #tpu.memory_space<hbm>>
        %dma_wait3A_47 = arith.constant 0 : i32
        %dma_wait3A_48 = arith.constant 0 : i32
        %dma_wait3A_49 = tpu.memref_slice %arg3[%add3A, %scan3A_15, %dma_wait3A_47, %dma_wait3A_48] : memref<32x10x25x40xi32, #tpu.memory_space<hbm>> -> memref<1x1x25x40xi32, #tpu.memory_space<hbm>>
        %dma_wait3A_50 = tpu.memref_squeeze %dma_wait3A_49 : memref<1x1x25x40xi32, #tpu.memory_space<hbm>> -> memref<25x40xi32, #tpu.memory_space<hbm>>
        tpu.wait_dma2 semaphore(%run_scoped3A_34 : memref<!tpu.dma_semaphore, #tpu.memory_space<semaphore_mem>>) src(%dma_wait3A_50 : memref<25x40xi32, #tpu.memory_space<hbm>>) dst(%arg7 : memref<25x40xi32, #tpu.memory_space<vmem>>)
        tpu.yield
      }) : () -> ()
      "tpu.region"() ({
        %run_scoped3A_34 = tpu.sem_alloc : memref<!tpu.dma_semaphore, #tpu.memory_space<semaphore_mem>>
        %dma_start3A_35 = arith.constant 0 : i32
        %dma_start3A_36 = arith.constant 0 : i32
        %dma_start3A_37 = tpu.memref_slice %arg4[%add3A, %scan3A_15, %dma_start3A_35, %dma_start3A_36] : memref<32x10x25x40xi32, #tpu.memory_space<hbm>> -> memref<1x1x25x40xi32, #tpu.memory_space<hbm>>
        %dma_start3A_38 = tpu.memref_squeeze %dma_start3A_37 : memref<1x1x25x40xi32, #tpu.memory_space<hbm>> -> memref<25x40xi32, #tpu.memory_space<hbm>>
        %dma_start3A_39 = arith.constant 0 : i32
        %dma_start3A_40 = arith.constant 0 : i32
        %dma_start3A_41 = tpu.memref_slice %arg4[%add3A, %scan3A_15, %dma_start3A_39, %dma_start3A_40] : memref<32x10x25x40xi32, #tpu.memory_space<hbm>> -> memref<1x1x25x40xi32, #tpu.memory_space<hbm>>
        %dma_start3A_42 = tpu.memref_squeeze %dma_start3A_41 : memref<1x1x25x40xi32, #tpu.memory_space<hbm>> -> memref<25x40xi32, #tpu.memory_space<hbm>>
        tpu.enqueue_dma source(%dma_start3A_42 : memref<25x40xi32, #tpu.memory_space<hbm>>) target(%arg8 : memref<25x40xi32, #tpu.memory_space<vmem>>) target_semaphore(%run_scoped3A_34 : memref<!tpu.dma_semaphore, #tpu.memory_space<semaphore_mem>>)
        %dma_wait3A_43 = arith.constant 0 : i32
        %dma_wait3A_44 = arith.constant 0 : i32
        %dma_wait3A_45 = tpu.memref_slice %arg4[%add3A, %scan3A_15, %dma_wait3A_43, %dma_wait3A_44] : memref<32x10x25x40xi32, #tpu.memory_space<hbm>> -> memref<1x1x25x40xi32, #tpu.memory_space<hbm>>
        %dma_wait3A_46 = tpu.memref_squeeze %dma_wait3A_45 : memref<1x1x25x40xi32, #tpu.memory_space<hbm>> -> memref<25x40xi32, #tpu.memory_space<hbm>>
        %dma_wait3A_47 = arith.constant 0 : i32
        %dma_wait3A_48 = arith.constant 0 : i32
        %dma_wait3A_49 = tpu.memref_slice %arg4[%add3A, %scan3A_15, %dma_wait3A_47, %dma_wait3A_48] : memref<32x10x25x40xi32, #tpu.memory_space<hbm>> -> memref<1x1x25x40xi32, #tpu.memory_space<hbm>>
        %dma_wait3A_50 = tpu.memref_squeeze %dma_wait3A_49 : memref<1x1x25x40xi32, #tpu.memory_space<hbm>> -> memref<25x40xi32, #tpu.memory_space<hbm>>
        tpu.wait_dma2 semaphore(%run_scoped3A_34 : memref<!tpu.dma_semaphore, #tpu.memory_space<semaphore_mem>>) src(%dma_wait3A_50 : memref<25x40xi32, #tpu.memory_space<hbm>>) dst(%arg8 : memref<25x40xi32, #tpu.memory_space<vmem>>)
        tpu.yield
      }) : () -> ()
      %dma_start3A = arith.constant 0 : i32
      %dma_start3A_16 = arith.constant 0 : i32
      %dma_start3A_17 = tpu.memref_slice %arg7[%dma_start3A, %dma_start3A_16] : memref<25x40xi32, #tpu.memory_space<vmem>> -> memref<1x40xi32, #tpu.memory_space<vmem>>
      %dma_start3A_18 = tpu.memref_squeeze %dma_start3A_17 : memref<1x40xi32, #tpu.memory_space<vmem>> -> memref<40xi32, #tpu.memory_space<vmem>>
      %dma_start3A_19 = arith.constant 0 : i32
      %dma_start3A_20 = arith.constant 0 : i32
      %dma_start3A_21 = tpu.memref_slice %arg2[%dma_start3A_19, %dma_start3A_20] : memref<2048x128xf32, #tpu.memory_space<hbm>> -> memref<2048x128xf32, #tpu.memory_space<hbm>>
      tpu.enqueue_indirect_dma source(%dma_start3A_21 : memref<2048x128xf32, #tpu.memory_space<hbm>>) target(%arg9 : memref<40x128xf32, #tpu.memory_space<vmem>>) offsets(%dma_start3A_18 : memref<40xi32, #tpu.memory_space<vmem>>) semaphore(%arg12 : memref<!tpu.dma_semaphore, #tpu.memory_space<semaphore_mem>>)
      %scan3A_22 = arith.constant 0 : i32
      %scan3A_23 = arith.constant 0 : i32
      %scan3A_24 = arith.constant 12 : i32
      %scan3A_25 = arith.addi %scan3A_23, %scan3A_24 : i32
      %scan3A_26 = arith.constant 1 : i32
      scf.for %scan3A_34 = %scan3A_23 to %scan3A_25 step %scan3A_26  : i32 {
        %mul3A_35 = arith.constant 2 : i32
        %mul3A_36 = arith.muli %scan3A_34, %mul3A_35 : i32
        %add3A_37 = arith.constant 0 : i32
        %add3A_38 = arith.addi %mul3A_36, %add3A_37 : i32
        %add3A_39 = arith.constant 1 : i32
        %add3A_40 = arith.addi %add3A_38, %add3A_39 : i32
        %dma_start3A_41 = arith.constant 0 : i32
        %dma_start3A_42 = tpu.memref_slice %arg7[%add3A_40, %dma_start3A_41] : memref<25x40xi32, #tpu.memory_space<vmem>> -> memref<1x40xi32, #tpu.memory_space<vmem>>
        %dma_start3A_43 = tpu.memref_squeeze %dma_start3A_42 : memref<1x40xi32, #tpu.memory_space<vmem>> -> memref<40xi32, #tpu.memory_space<vmem>>
        %dma_start3A_44 = arith.constant 0 : i32
        %dma_start3A_45 = arith.constant 0 : i32
        %dma_start3A_46 = tpu.memref_slice %arg2[%dma_start3A_44, %dma_start3A_45] : memref<2048x128xf32, #tpu.memory_space<hbm>> -> memref<2048x128xf32, #tpu.memory_space<hbm>>
        tpu.enqueue_indirect_dma source(%dma_start3A_46 : memref<2048x128xf32, #tpu.memory_space<hbm>>) target(%arg10 : memref<40x128xf32, #tpu.memory_space<vmem>>) offsets(%dma_start3A_43 : memref<40xi32, #tpu.memory_space<vmem>>) semaphore(%arg13 : memref<!tpu.dma_semaphore, #tpu.memory_space<semaphore_mem>>)
        %dma_wait3A_47 = arith.constant 0 : i32
        %dma_wait3A_48 = tpu.memref_slice %arg7[%add3A_38, %dma_wait3A_47] : memref<25x40xi32, #tpu.memory_space<vmem>> -> memref<1x40xi32, #tpu.memory_space<vmem>>
        %dma_wait3A_49 = tpu.memref_squeeze %dma_wait3A_48 : memref<1x40xi32, #tpu.memory_space<vmem>> -> memref<40xi32, #tpu.memory_space<vmem>>
        %dma_wait3A_50 = arith.constant 0 : i32
        %dma_wait3A_51 = arith.constant 0 : i32
        %dma_wait3A_52 = tpu.memref_slice %arg2[%dma_wait3A_50, %dma_wait3A_51] : memref<2048x128xf32, #tpu.memory_space<hbm>> -> memref<2048x128xf32, #tpu.memory_space<hbm>>
        tpu.wait_indirect_dma semaphore(%arg12 : memref<!tpu.dma_semaphore, #tpu.memory_space<semaphore_mem>>) src(%dma_wait3A_52 : memref<2048x128xf32, #tpu.memory_space<hbm>>) dst(%arg9 : memref<40x128xf32, #tpu.memory_space<vmem>>)
        "tpu.region"() ({
          %run_scoped3A_71 = tpu.sem_alloc : memref<!tpu.dma_semaphore, #tpu.memory_space<semaphore_mem>>
          %dma_start3A_72 = arith.constant 0 : i32
          %dma_start3A_73 = tpu.memref_slice %arg8[%add3A_38, %dma_start3A_72] : memref<25x40xi32, #tpu.memory_space<vmem>> -> memref<1x40xi32, #tpu.memory_space<vmem>>
          %dma_start3A_74 = tpu.memref_squeeze %dma_start3A_73 : memref<1x40xi32, #tpu.memory_space<vmem>> -> memref<40xi32, #tpu.memory_space<vmem>>
          %dma_start3A_75 = arith.constant 0 : i32
          %dma_start3A_76 = arith.constant 0 : i32
          %dma_start3A_77 = tpu.memref_slice %arg11[%dma_start3A_75, %dma_start3A_76] : memref<10240x128xf32, #tpu.memory_space<vmem_shared>> -> memref<10240x128xf32, #tpu.memory_space<vmem_shared>>
          tpu.enqueue_indirect_dma source(%arg9 : memref<40x128xf32, #tpu.memory_space<vmem>>) target(%dma_start3A_77 : memref<10240x128xf32, #tpu.memory_space<vmem_shared>>) offsets(%dma_start3A_74 : memref<40xi32, #tpu.memory_space<vmem>>) semaphore(%run_scoped3A_71 : memref<!tpu.dma_semaphore, #tpu.memory_space<semaphore_mem>>) {add = true}
          %dma_wait3A_78 = arith.constant 0 : i32
          %dma_wait3A_79 = tpu.memref_slice %arg8[%add3A_38, %dma_wait3A_78] : memref<25x40xi32, #tpu.memory_space<vmem>> -> memref<1x40xi32, #tpu.memory_space<vmem>>
          %dma_wait3A_80 = tpu.memref_squeeze %dma_wait3A_79 : memref<1x40xi32, #tpu.memory_space<vmem>> -> memref<40xi32, #tpu.memory_space<vmem>>
          %dma_wait3A_81 = arith.constant 0 : i32
          %dma_wait3A_82 = arith.constant 0 : i32
          %dma_wait3A_83 = tpu.memref_slice %arg11[%dma_wait3A_81, %dma_wait3A_82] : memref<10240x128xf32, #tpu.memory_space<vmem_shared>> -> memref<10240x128xf32, #tpu.memory_space<vmem_shared>>
          tpu.wait_indirect_dma semaphore(%run_scoped3A_71 : memref<!tpu.dma_semaphore, #tpu.memory_space<semaphore_mem>>) src(%arg9 : memref<40x128xf32, #tpu.memory_space<vmem>>) dst(%dma_wait3A_83 : memref<10240x128xf32, #tpu.memory_space<vmem_shared>>)
          tpu.yield
        }) : () -> ()
        %mul3A_53 = arith.constant 2 : i32
        %mul3A_54 = arith.muli %scan3A_34, %mul3A_53 : i32
        %add3A_55 = arith.constant 1 : i32
        %add3A_56 = arith.addi %mul3A_54, %add3A_55 : i32
        %add3A_57 = arith.constant 1 : i32
        %add3A_58 = arith.addi %add3A_56, %add3A_57 : i32
        %dma_start3A_59 = arith.constant 0 : i32
        %dma_start3A_60 = tpu.memref_slice %arg7[%add3A_58, %dma_start3A_59] : memref<25x40xi32, #tpu.memory_space<vmem>> -> memref<1x40xi32, #tpu.memory_space<vmem>>
        %dma_start3A_61 = tpu.memref_squeeze %dma_start3A_60 : memref<1x40xi32, #tpu.memory_space<vmem>> -> memref<40xi32, #tpu.memory_space<vmem>>
        %dma_start3A_62 = arith.constant 0 : i32
        %dma_start3A_63 = arith.constant 0 : i32
        %dma_start3A_64 = tpu.memref_slice %arg2[%dma_start3A_62, %dma_start3A_63] : memref<2048x128xf32, #tpu.memory_space<hbm>> -> memref<2048x128xf32, #tpu.memory_space<hbm>>
        tpu.enqueue_indirect_dma source(%dma_start3A_64 : memref<2048x128xf32, #tpu.memory_space<hbm>>) target(%arg9 : memref<40x128xf32, #tpu.memory_space<vmem>>) offsets(%dma_start3A_61 : memref<40xi32, #tpu.memory_space<vmem>>) semaphore(%arg12 : memref<!tpu.dma_semaphore, #tpu.memory_space<semaphore_mem>>)
        %dma_wait3A_65 = arith.constant 0 : i32
        %dma_wait3A_66 = tpu.memref_slice %arg7[%add3A_56, %dma_wait3A_65] : memref<25x40xi32, #tpu.memory_space<vmem>> -> memref<1x40xi32, #tpu.memory_space<vmem>>
        %dma_wait3A_67 = tpu.memref_squeeze %dma_wait3A_66 : memref<1x40xi32, #tpu.memory_space<vmem>> -> memref<40xi32, #tpu.memory_space<vmem>>
        %dma_wait3A_68 = arith.constant 0 : i32
        %dma_wait3A_69 = arith.constant 0 : i32
        %dma_wait3A_70 = tpu.memref_slice %arg2[%dma_wait3A_68, %dma_wait3A_69] : memref<2048x128xf32, #tpu.memory_space<hbm>> -> memref<2048x128xf32, #tpu.memory_space<hbm>>
        tpu.wait_indirect_dma semaphore(%arg13 : memref<!tpu.dma_semaphore, #tpu.memory_space<semaphore_mem>>) src(%dma_wait3A_70 : memref<2048x128xf32, #tpu.memory_space<hbm>>) dst(%arg10 : memref<40x128xf32, #tpu.memory_space<vmem>>)
        "tpu.region"() ({
          %run_scoped3A_71 = tpu.sem_alloc : memref<!tpu.dma_semaphore, #tpu.memory_space<semaphore_mem>>
          %dma_start3A_72 = arith.constant 0 : i32
          %dma_start3A_73 = tpu.memref_slice %arg8[%add3A_56, %dma_start3A_72] : memref<25x40xi32, #tpu.memory_space<vmem>> -> memref<1x40xi32, #tpu.memory_space<vmem>>
          %dma_start3A_74 = tpu.memref_squeeze %dma_start3A_73 : memref<1x40xi32, #tpu.memory_space<vmem>> -> memref<40xi32, #tpu.memory_space<vmem>>
          %dma_start3A_75 = arith.constant 0 : i32
          %dma_start3A_76 = arith.constant 0 : i32
          %dma_start3A_77 = tpu.memref_slice %arg11[%dma_start3A_75, %dma_start3A_76] : memref<10240x128xf32, #tpu.memory_space<vmem_shared>> -> memref<10240x128xf32, #tpu.memory_space<vmem_shared>>
          tpu.enqueue_indirect_dma source(%arg10 : memref<40x128xf32, #tpu.memory_space<vmem>>) target(%dma_start3A_77 : memref<10240x128xf32, #tpu.memory_space<vmem_shared>>) offsets(%dma_start3A_74 : memref<40xi32, #tpu.memory_space<vmem>>) semaphore(%run_scoped3A_71 : memref<!tpu.dma_semaphore, #tpu.memory_space<semaphore_mem>>) {add = true}
          %dma_wait3A_78 = arith.constant 0 : i32
          %dma_wait3A_79 = tpu.memref_slice %arg8[%add3A_56, %dma_wait3A_78] : memref<25x40xi32, #tpu.memory_space<vmem>> -> memref<1x40xi32, #tpu.memory_space<vmem>>
          %dma_wait3A_80 = tpu.memref_squeeze %dma_wait3A_79 : memref<1x40xi32, #tpu.memory_space<vmem>> -> memref<40xi32, #tpu.memory_space<vmem>>
          %dma_wait3A_81 = arith.constant 0 : i32
          %dma_wait3A_82 = arith.constant 0 : i32
          %dma_wait3A_83 = tpu.memref_slice %arg11[%dma_wait3A_81, %dma_wait3A_82] : memref<10240x128xf32, #tpu.memory_space<vmem_shared>> -> memref<10240x128xf32, #tpu.memory_space<vmem_shared>>
          tpu.wait_indirect_dma semaphore(%run_scoped3A_71 : memref<!tpu.dma_semaphore, #tpu.memory_space<semaphore_mem>>) src(%arg10 : memref<40x128xf32, #tpu.memory_space<vmem>>) dst(%dma_wait3A_83 : memref<10240x128xf32, #tpu.memory_space<vmem_shared>>)
          tpu.yield
        }) : () -> ()
      }
      %scan3A_27 = arith.constant 12 : i32
      %dma_wait3A = arith.constant 24 : i32
      %dma_wait3A_28 = arith.constant 0 : i32
      %dma_wait3A_29 = tpu.memref_slice %arg7[%dma_wait3A, %dma_wait3A_28] : memref<25x40xi32, #tpu.memory_space<vmem>> -> memref<1x40xi32, #tpu.memory_space<vmem>>
      %dma_wait3A_30 = tpu.memref_squeeze %dma_wait3A_29 : memref<1x40xi32, #tpu.memory_space<vmem>> -> memref<40xi32, #tpu.memory_space<vmem>>
      %dma_wait3A_31 = arith.constant 0 : i32
      %dma_wait3A_32 = arith.constant 0 : i32
      %dma_wait3A_33 = tpu.memref_slice %arg2[%dma_wait3A_31, %dma_wait3A_32] : memref<2048x128xf32, #tpu.memory_space<hbm>> -> memref<2048x128xf32, #tpu.memory_space<hbm>>
      tpu.wait_indirect_dma semaphore(%arg12 : memref<!tpu.dma_semaphore, #tpu.memory_space<semaphore_mem>>) src(%dma_wait3A_33 : memref<2048x128xf32, #tpu.memory_space<hbm>>) dst(%arg9 : memref<40x128xf32, #tpu.memory_space<vmem>>)
      %run_scoped3A = arith.constant 24 : i32
      "tpu.region"() ({
        %run_scoped3A_34 = tpu.sem_alloc : memref<!tpu.dma_semaphore, #tpu.memory_space<semaphore_mem>>
        %dma_start3A_35 = arith.constant 0 : i32
        %dma_start3A_36 = tpu.memref_slice %arg8[%run_scoped3A, %dma_start3A_35] : memref<25x40xi32, #tpu.memory_space<vmem>> -> memref<1x40xi32, #tpu.memory_space<vmem>>
        %dma_start3A_37 = tpu.memref_squeeze %dma_start3A_36 : memref<1x40xi32, #tpu.memory_space<vmem>> -> memref<40xi32, #tpu.memory_space<vmem>>
        %dma_start3A_38 = arith.constant 0 : i32
        %dma_start3A_39 = arith.constant 0 : i32
        %dma_start3A_40 = tpu.memref_slice %arg11[%dma_start3A_38, %dma_start3A_39] : memref<10240x128xf32, #tpu.memory_space<vmem_shared>> -> memref<10240x128xf32, #tpu.memory_space<vmem_shared>>
        tpu.enqueue_indirect_dma source(%arg9 : memref<40x128xf32, #tpu.memory_space<vmem>>) target(%dma_start3A_40 : memref<10240x128xf32, #tpu.memory_space<vmem_shared>>) offsets(%dma_start3A_37 : memref<40xi32, #tpu.memory_space<vmem>>) semaphore(%run_scoped3A_34 : memref<!tpu.dma_semaphore, #tpu.memory_space<semaphore_mem>>) {add = true}
        %dma_wait3A_41 = arith.constant 0 : i32
        %dma_wait3A_42 = tpu.memref_slice %arg8[%run_scoped3A, %dma_wait3A_41] : memref<25x40xi32, #tpu.memory_space<vmem>> -> memref<1x40xi32, #tpu.memory_space<vmem>>
        %dma_wait3A_43 = tpu.memref_squeeze %dma_wait3A_42 : memref<1x40xi32, #tpu.memory_space<vmem>> -> memref<40xi32, #tpu.memory_space<vmem>>
        %dma_wait3A_44 = arith.constant 0 : i32
        %dma_wait3A_45 = arith.constant 0 : i32
        %dma_wait3A_46 = tpu.memref_slice %arg11[%dma_wait3A_44, %dma_wait3A_45] : memref<10240x128xf32, #tpu.memory_space<vmem_shared>> -> memref<10240x128xf32, #tpu.memory_space<vmem_shared>>
        tpu.wait_indirect_dma semaphore(%run_scoped3A_34 : memref<!tpu.dma_semaphore, #tpu.memory_space<semaphore_mem>>) src(%arg9 : memref<40x128xf32, #tpu.memory_space<vmem>>) dst(%dma_wait3A_46 : memref<10240x128xf32, #tpu.memory_space<vmem_shared>>)
        tpu.yield
      }) : () -> ()
    }
    %scan3A_9 = arith.constant 10 : i32
    %barrier3A_10 = arith.constant 0 : index
    tpu.barrier barrier_id(%barrier3A_10)
    %mul3A_11 = arith.constant 640 : i32
    %mul3A_12 = arith.muli %arg1, %mul3A_11 : i32
    %mul3A_13 = arith.constant 640 : i32
    %mul3A_14 = arith.muli %arg1, %mul3A_13 : i32
    "tpu.region"() ({
      %run_scoped3A = tpu.sem_alloc : memref<!tpu.dma_semaphore, #tpu.memory_space<semaphore_mem>>
      %dma_start3A = arith.constant 0 : i32
      %dma_start3A_15 = tpu.memref_slice %arg6[%arg0, %mul3A_14, %dma_start3A] : memref<2x10240x128xf32, #tpu.memory_space<hbm>> -> memref<1x640x128xf32, #tpu.memory_space<hbm>>
      %dma_start3A_16 = tpu.memref_squeeze %dma_start3A_15 : memref<1x640x128xf32, #tpu.memory_space<hbm>> -> memref<640x128xf32, #tpu.memory_space<hbm>>
      %dma_start3A_17 = arith.constant 0 : i32
      %dma_start3A_18 = tpu.memref_slice %arg11[%mul3A_12, %dma_start3A_17] : memref<10240x128xf32, #tpu.memory_space<vmem_shared>> -> memref<640x128xf32, #tpu.memory_space<vmem_shared>>
      tpu.enqueue_dma source(%dma_start3A_18 : memref<640x128xf32, #tpu.memory_space<vmem_shared>>) target(%dma_start3A_16 : memref<640x128xf32, #tpu.memory_space<hbm>>) target_semaphore(%run_scoped3A : memref<!tpu.dma_semaphore, #tpu.memory_space<semaphore_mem>>)
      %dma_wait3A = arith.constant 0 : i32
      %dma_wait3A_19 = tpu.memref_slice %arg6[%arg0, %mul3A_14, %dma_wait3A] : memref<2x10240x128xf32, #tpu.memory_space<hbm>> -> memref<1x640x128xf32, #tpu.memory_space<hbm>>
      %dma_wait3A_20 = tpu.memref_squeeze %dma_wait3A_19 : memref<1x640x128xf32, #tpu.memory_space<hbm>> -> memref<640x128xf32, #tpu.memory_space<hbm>>
      %dma_wait3A_21 = arith.constant 0 : i32
      %dma_wait3A_22 = tpu.memref_slice %arg11[%mul3A_12, %dma_wait3A_21] : memref<10240x128xf32, #tpu.memory_space<vmem_shared>> -> memref<640x128xf32, #tpu.memory_space<vmem_shared>>
      tpu.wait_dma2 semaphore(%run_scoped3A : memref<!tpu.dma_semaphore, #tpu.memory_space<semaphore_mem>>) src(%dma_wait3A_22 : memref<640x128xf32, #tpu.memory_space<vmem_shared>>) dst(%dma_wait3A_20 : memref<640x128xf32, #tpu.memory_space<hbm>>)
      tpu.yield
    }) : () -> ()
    return
  }
}

#map = affine_map<(d0, d1) -> (0, 0)>
#map1 = affine_map<(d0, d1) -> (0, 0, 0, 0)>
#map2 = affine_map<(d0, d1) -> (0, 0, 0)>
module attributes {stable_mosaic.version = 14 : i64} {
  func.func @_sc_aggregate_body(%arg0: i32, %arg1: i32, %arg2: memref<10240x128xf32, #tpu.memory_space<hbm>>, %arg3: memref<32x10x25x40xi32, #tpu.memory_space<hbm>>, %arg4: memref<32x10x25x40xi32, #tpu.memory_space<hbm>>, %arg5: memref<10240x128xf32, #tpu.memory_space<hbm>>, %arg6: memref<2x10240x128xf32, #tpu.memory_space<hbm>>, %arg7: memref<25x40xi32, #tpu.memory_space<vmem>>, %arg8: memref<25x40xi32, #tpu.memory_space<vmem>>, %arg9: memref<40x128xf32, #tpu.memory_space<vmem>>, %arg10: memref<40x128xf32, #tpu.memory_space<vmem>>, %arg11: memref<10240x128xf32, #tpu.memory_space<vmem_shared>>, %arg12: memref<!tpu.dma_semaphore, #tpu.memory_space<semaphore_mem>>, %arg13: memref<!tpu.dma_semaphore, #tpu.memory_space<semaphore_mem>>) attributes {dimension_semantics = [#tpu.dimension_semantics<core_parallel>, #tpu.dimension_semantics<subcore_parallel>], iteration_bounds = array<i64: 2, 16>, scalar_prefetch = 0 : i64, scratch_operands = 7 : i64, tpu.core_type = #tpu.core_type<sc_vector_subcore>, window_params = [{transform_indices = #map}, {transform_indices = #map1}, {transform_indices = #map1}, {transform_indices = #map}, {transform_indices = #map2}]} {
    %mul3A = arith.constant 2 : i32
    %mul3A_0 = arith.muli %arg1, %mul3A : i32
    %add3A = arith.addi %mul3A_0, %arg0 : i32
    %mul3A_1 = arith.constant 640 : i32
    %mul3A_2 = arith.muli %arg1, %mul3A_1 : i32
    %mul3A_3 = arith.constant 640 : i32
    %mul3A_4 = arith.muli %arg1, %mul3A_3 : i32
    "tpu.region"() ({
      %run_scoped3A = tpu.sem_alloc : memref<!tpu.dma_semaphore, #tpu.memory_space<semaphore_mem>>
      %dma_start3A = arith.constant 0 : i32
      %dma_start3A_15 = tpu.memref_slice %arg11[%mul3A_4, %dma_start3A] : memref<10240x128xf32, #tpu.memory_space<vmem_shared>> -> memref<640x128xf32, #tpu.memory_space<vmem_shared>>
      %dma_start3A_16 = arith.constant 0 : i32
      %dma_start3A_17 = tpu.memref_slice %arg5[%mul3A_2, %dma_start3A_16] : memref<10240x128xf32, #tpu.memory_space<hbm>> -> memref<640x128xf32, #tpu.memory_space<hbm>>
      tpu.enqueue_dma source(%dma_start3A_17 : memref<640x128xf32, #tpu.memory_space<hbm>>) target(%dma_start3A_15 : memref<640x128xf32, #tpu.memory_space<vmem_shared>>) target_semaphore(%run_scoped3A : memref<!tpu.dma_semaphore, #tpu.memory_space<semaphore_mem>>)
      %dma_wait3A = arith.constant 0 : i32
      %dma_wait3A_18 = tpu.memref_slice %arg11[%mul3A_4, %dma_wait3A] : memref<10240x128xf32, #tpu.memory_space<vmem_shared>> -> memref<640x128xf32, #tpu.memory_space<vmem_shared>>
      %dma_wait3A_19 = arith.constant 0 : i32
      %dma_wait3A_20 = tpu.memref_slice %arg5[%mul3A_2, %dma_wait3A_19] : memref<10240x128xf32, #tpu.memory_space<hbm>> -> memref<640x128xf32, #tpu.memory_space<hbm>>
      tpu.wait_dma2 semaphore(%run_scoped3A : memref<!tpu.dma_semaphore, #tpu.memory_space<semaphore_mem>>) src(%dma_wait3A_20 : memref<640x128xf32, #tpu.memory_space<hbm>>) dst(%dma_wait3A_18 : memref<640x128xf32, #tpu.memory_space<vmem_shared>>)
      tpu.yield
    }) : () -> ()
    %barrier3A = arith.constant 0 : index
    tpu.barrier barrier_id(%barrier3A)
    %scan3A = arith.constant 0 : i32
    %scan3A_5 = arith.constant 0 : i32
    %scan3A_6 = arith.constant 10 : i32
    %scan3A_7 = arith.addi %scan3A_5, %scan3A_6 : i32
    %scan3A_8 = arith.constant 1 : i32
    scf.for %scan3A_15 = %scan3A_5 to %scan3A_7 step %scan3A_8  : i32 {
      "tpu.region"() ({
        %run_scoped3A_34 = tpu.sem_alloc : memref<!tpu.dma_semaphore, #tpu.memory_space<semaphore_mem>>
        %dma_start3A_35 = arith.constant 0 : i32
        %dma_start3A_36 = arith.constant 0 : i32
        %dma_start3A_37 = tpu.memref_slice %arg3[%add3A, %scan3A_15, %dma_start3A_35, %dma_start3A_36] : memref<32x10x25x40xi32, #tpu.memory_space<hbm>> -> memref<1x1x25x40xi32, #tpu.memory_space<hbm>>
        %dma_start3A_38 = tpu.memref_squeeze %dma_start3A_37 : memref<1x1x25x40xi32, #tpu.memory_space<hbm>> -> memref<25x40xi32, #tpu.memory_space<hbm>>
        %dma_start3A_39 = arith.constant 0 : i32
        %dma_start3A_40 = arith.constant 0 : i32
        %dma_start3A_41 = tpu.memref_slice %arg3[%add3A, %scan3A_15, %dma_start3A_39, %dma_start3A_40] : memref<32x10x25x40xi32, #tpu.memory_space<hbm>> -> memref<1x1x25x40xi32, #tpu.memory_space<hbm>>
        %dma_start3A_42 = tpu.memref_squeeze %dma_start3A_41 : memref<1x1x25x40xi32, #tpu.memory_space<hbm>> -> memref<25x40xi32, #tpu.memory_space<hbm>>
        tpu.enqueue_dma source(%dma_start3A_42 : memref<25x40xi32, #tpu.memory_space<hbm>>) target(%arg7 : memref<25x40xi32, #tpu.memory_space<vmem>>) target_semaphore(%run_scoped3A_34 : memref<!tpu.dma_semaphore, #tpu.memory_space<semaphore_mem>>)
        %dma_wait3A_43 = arith.constant 0 : i32
        %dma_wait3A_44 = arith.constant 0 : i32
        %dma_wait3A_45 = tpu.memref_slice %arg3[%add3A, %scan3A_15, %dma_wait3A_43, %dma_wait3A_44] : memref<32x10x25x40xi32, #tpu.memory_space<hbm>> -> memref<1x1x25x40xi32, #tpu.memory_space<hbm>>
        %dma_wait3A_46 = tpu.memref_squeeze %dma_wait3A_45 : memref<1x1x25x40xi32, #tpu.memory_space<hbm>> -> memref<25x40xi32, #tpu.memory_space<hbm>>
        %dma_wait3A_47 = arith.constant 0 : i32
        %dma_wait3A_48 = arith.constant 0 : i32
        %dma_wait3A_49 = tpu.memref_slice %arg3[%add3A, %scan3A_15, %dma_wait3A_47, %dma_wait3A_48] : memref<32x10x25x40xi32, #tpu.memory_space<hbm>> -> memref<1x1x25x40xi32, #tpu.memory_space<hbm>>
        %dma_wait3A_50 = tpu.memref_squeeze %dma_wait3A_49 : memref<1x1x25x40xi32, #tpu.memory_space<hbm>> -> memref<25x40xi32, #tpu.memory_space<hbm>>
        tpu.wait_dma2 semaphore(%run_scoped3A_34 : memref<!tpu.dma_semaphore, #tpu.memory_space<semaphore_mem>>) src(%dma_wait3A_50 : memref<25x40xi32, #tpu.memory_space<hbm>>) dst(%arg7 : memref<25x40xi32, #tpu.memory_space<vmem>>)
        tpu.yield
      }) : () -> ()
      "tpu.region"() ({
        %run_scoped3A_34 = tpu.sem_alloc : memref<!tpu.dma_semaphore, #tpu.memory_space<semaphore_mem>>
        %dma_start3A_35 = arith.constant 0 : i32
        %dma_start3A_36 = arith.constant 0 : i32
        %dma_start3A_37 = tpu.memref_slice %arg4[%add3A, %scan3A_15, %dma_start3A_35, %dma_start3A_36] : memref<32x10x25x40xi32, #tpu.memory_space<hbm>> -> memref<1x1x25x40xi32, #tpu.memory_space<hbm>>
        %dma_start3A_38 = tpu.memref_squeeze %dma_start3A_37 : memref<1x1x25x40xi32, #tpu.memory_space<hbm>> -> memref<25x40xi32, #tpu.memory_space<hbm>>
        %dma_start3A_39 = arith.constant 0 : i32
        %dma_start3A_40 = arith.constant 0 : i32
        %dma_start3A_41 = tpu.memref_slice %arg4[%add3A, %scan3A_15, %dma_start3A_39, %dma_start3A_40] : memref<32x10x25x40xi32, #tpu.memory_space<hbm>> -> memref<1x1x25x40xi32, #tpu.memory_space<hbm>>
        %dma_start3A_42 = tpu.memref_squeeze %dma_start3A_41 : memref<1x1x25x40xi32, #tpu.memory_space<hbm>> -> memref<25x40xi32, #tpu.memory_space<hbm>>
        tpu.enqueue_dma source(%dma_start3A_42 : memref<25x40xi32, #tpu.memory_space<hbm>>) target(%arg8 : memref<25x40xi32, #tpu.memory_space<vmem>>) target_semaphore(%run_scoped3A_34 : memref<!tpu.dma_semaphore, #tpu.memory_space<semaphore_mem>>)
        %dma_wait3A_43 = arith.constant 0 : i32
        %dma_wait3A_44 = arith.constant 0 : i32
        %dma_wait3A_45 = tpu.memref_slice %arg4[%add3A, %scan3A_15, %dma_wait3A_43, %dma_wait3A_44] : memref<32x10x25x40xi32, #tpu.memory_space<hbm>> -> memref<1x1x25x40xi32, #tpu.memory_space<hbm>>
        %dma_wait3A_46 = tpu.memref_squeeze %dma_wait3A_45 : memref<1x1x25x40xi32, #tpu.memory_space<hbm>> -> memref<25x40xi32, #tpu.memory_space<hbm>>
        %dma_wait3A_47 = arith.constant 0 : i32
        %dma_wait3A_48 = arith.constant 0 : i32
        %dma_wait3A_49 = tpu.memref_slice %arg4[%add3A, %scan3A_15, %dma_wait3A_47, %dma_wait3A_48] : memref<32x10x25x40xi32, #tpu.memory_space<hbm>> -> memref<1x1x25x40xi32, #tpu.memory_space<hbm>>
        %dma_wait3A_50 = tpu.memref_squeeze %dma_wait3A_49 : memref<1x1x25x40xi32, #tpu.memory_space<hbm>> -> memref<25x40xi32, #tpu.memory_space<hbm>>
        tpu.wait_dma2 semaphore(%run_scoped3A_34 : memref<!tpu.dma_semaphore, #tpu.memory_space<semaphore_mem>>) src(%dma_wait3A_50 : memref<25x40xi32, #tpu.memory_space<hbm>>) dst(%arg8 : memref<25x40xi32, #tpu.memory_space<vmem>>)
        tpu.yield
      }) : () -> ()
      %dma_start3A = arith.constant 0 : i32
      %dma_start3A_16 = arith.constant 0 : i32
      %dma_start3A_17 = tpu.memref_slice %arg7[%dma_start3A, %dma_start3A_16] : memref<25x40xi32, #tpu.memory_space<vmem>> -> memref<1x40xi32, #tpu.memory_space<vmem>>
      %dma_start3A_18 = tpu.memref_squeeze %dma_start3A_17 : memref<1x40xi32, #tpu.memory_space<vmem>> -> memref<40xi32, #tpu.memory_space<vmem>>
      %dma_start3A_19 = arith.constant 0 : i32
      %dma_start3A_20 = arith.constant 0 : i32
      %dma_start3A_21 = tpu.memref_slice %arg2[%dma_start3A_19, %dma_start3A_20] : memref<10240x128xf32, #tpu.memory_space<hbm>> -> memref<10240x128xf32, #tpu.memory_space<hbm>>
      tpu.enqueue_indirect_dma source(%dma_start3A_21 : memref<10240x128xf32, #tpu.memory_space<hbm>>) target(%arg9 : memref<40x128xf32, #tpu.memory_space<vmem>>) offsets(%dma_start3A_18 : memref<40xi32, #tpu.memory_space<vmem>>) semaphore(%arg12 : memref<!tpu.dma_semaphore, #tpu.memory_space<semaphore_mem>>)
      %scan3A_22 = arith.constant 0 : i32
      %scan3A_23 = arith.constant 0 : i32
      %scan3A_24 = arith.constant 12 : i32
      %scan3A_25 = arith.addi %scan3A_23, %scan3A_24 : i32
      %scan3A_26 = arith.constant 1 : i32
      scf.for %scan3A_34 = %scan3A_23 to %scan3A_25 step %scan3A_26  : i32 {
        %mul3A_35 = arith.constant 2 : i32
        %mul3A_36 = arith.muli %scan3A_34, %mul3A_35 : i32
        %add3A_37 = arith.constant 0 : i32
        %add3A_38 = arith.addi %mul3A_36, %add3A_37 : i32
        %add3A_39 = arith.constant 1 : i32
        %add3A_40 = arith.addi %add3A_38, %add3A_39 : i32
        %dma_start3A_41 = arith.constant 0 : i32
        %dma_start3A_42 = tpu.memref_slice %arg7[%add3A_40, %dma_start3A_41] : memref<25x40xi32, #tpu.memory_space<vmem>> -> memref<1x40xi32, #tpu.memory_space<vmem>>
        %dma_start3A_43 = tpu.memref_squeeze %dma_start3A_42 : memref<1x40xi32, #tpu.memory_space<vmem>> -> memref<40xi32, #tpu.memory_space<vmem>>
        %dma_start3A_44 = arith.constant 0 : i32
        %dma_start3A_45 = arith.constant 0 : i32
        %dma_start3A_46 = tpu.memref_slice %arg2[%dma_start3A_44, %dma_start3A_45] : memref<10240x128xf32, #tpu.memory_space<hbm>> -> memref<10240x128xf32, #tpu.memory_space<hbm>>
        tpu.enqueue_indirect_dma source(%dma_start3A_46 : memref<10240x128xf32, #tpu.memory_space<hbm>>) target(%arg10 : memref<40x128xf32, #tpu.memory_space<vmem>>) offsets(%dma_start3A_43 : memref<40xi32, #tpu.memory_space<vmem>>) semaphore(%arg13 : memref<!tpu.dma_semaphore, #tpu.memory_space<semaphore_mem>>)
        %dma_wait3A_47 = arith.constant 0 : i32
        %dma_wait3A_48 = tpu.memref_slice %arg7[%add3A_38, %dma_wait3A_47] : memref<25x40xi32, #tpu.memory_space<vmem>> -> memref<1x40xi32, #tpu.memory_space<vmem>>
        %dma_wait3A_49 = tpu.memref_squeeze %dma_wait3A_48 : memref<1x40xi32, #tpu.memory_space<vmem>> -> memref<40xi32, #tpu.memory_space<vmem>>
        %dma_wait3A_50 = arith.constant 0 : i32
        %dma_wait3A_51 = arith.constant 0 : i32
        %dma_wait3A_52 = tpu.memref_slice %arg2[%dma_wait3A_50, %dma_wait3A_51] : memref<10240x128xf32, #tpu.memory_space<hbm>> -> memref<10240x128xf32, #tpu.memory_space<hbm>>
        tpu.wait_indirect_dma semaphore(%arg12 : memref<!tpu.dma_semaphore, #tpu.memory_space<semaphore_mem>>) src(%dma_wait3A_52 : memref<10240x128xf32, #tpu.memory_space<hbm>>) dst(%arg9 : memref<40x128xf32, #tpu.memory_space<vmem>>)
        "tpu.region"() ({
          %run_scoped3A_71 = tpu.sem_alloc : memref<!tpu.dma_semaphore, #tpu.memory_space<semaphore_mem>>
          %dma_start3A_72 = arith.constant 0 : i32
          %dma_start3A_73 = tpu.memref_slice %arg8[%add3A_38, %dma_start3A_72] : memref<25x40xi32, #tpu.memory_space<vmem>> -> memref<1x40xi32, #tpu.memory_space<vmem>>
          %dma_start3A_74 = tpu.memref_squeeze %dma_start3A_73 : memref<1x40xi32, #tpu.memory_space<vmem>> -> memref<40xi32, #tpu.memory_space<vmem>>
          %dma_start3A_75 = arith.constant 0 : i32
          %dma_start3A_76 = arith.constant 0 : i32
          %dma_start3A_77 = tpu.memref_slice %arg11[%dma_start3A_75, %dma_start3A_76] : memref<10240x128xf32, #tpu.memory_space<vmem_shared>> -> memref<10240x128xf32, #tpu.memory_space<vmem_shared>>
          tpu.enqueue_indirect_dma source(%arg9 : memref<40x128xf32, #tpu.memory_space<vmem>>) target(%dma_start3A_77 : memref<10240x128xf32, #tpu.memory_space<vmem_shared>>) offsets(%dma_start3A_74 : memref<40xi32, #tpu.memory_space<vmem>>) semaphore(%run_scoped3A_71 : memref<!tpu.dma_semaphore, #tpu.memory_space<semaphore_mem>>) {add = true}
          %dma_wait3A_78 = arith.constant 0 : i32
          %dma_wait3A_79 = tpu.memref_slice %arg8[%add3A_38, %dma_wait3A_78] : memref<25x40xi32, #tpu.memory_space<vmem>> -> memref<1x40xi32, #tpu.memory_space<vmem>>
          %dma_wait3A_80 = tpu.memref_squeeze %dma_wait3A_79 : memref<1x40xi32, #tpu.memory_space<vmem>> -> memref<40xi32, #tpu.memory_space<vmem>>
          %dma_wait3A_81 = arith.constant 0 : i32
          %dma_wait3A_82 = arith.constant 0 : i32
          %dma_wait3A_83 = tpu.memref_slice %arg11[%dma_wait3A_81, %dma_wait3A_82] : memref<10240x128xf32, #tpu.memory_space<vmem_shared>> -> memref<10240x128xf32, #tpu.memory_space<vmem_shared>>
          tpu.wait_indirect_dma semaphore(%run_scoped3A_71 : memref<!tpu.dma_semaphore, #tpu.memory_space<semaphore_mem>>) src(%arg9 : memref<40x128xf32, #tpu.memory_space<vmem>>) dst(%dma_wait3A_83 : memref<10240x128xf32, #tpu.memory_space<vmem_shared>>)
          tpu.yield
        }) : () -> ()
        %mul3A_53 = arith.constant 2 : i32
        %mul3A_54 = arith.muli %scan3A_34, %mul3A_53 : i32
        %add3A_55 = arith.constant 1 : i32
        %add3A_56 = arith.addi %mul3A_54, %add3A_55 : i32
        %add3A_57 = arith.constant 1 : i32
        %add3A_58 = arith.addi %add3A_56, %add3A_57 : i32
        %dma_start3A_59 = arith.constant 0 : i32
        %dma_start3A_60 = tpu.memref_slice %arg7[%add3A_58, %dma_start3A_59] : memref<25x40xi32, #tpu.memory_space<vmem>> -> memref<1x40xi32, #tpu.memory_space<vmem>>
        %dma_start3A_61 = tpu.memref_squeeze %dma_start3A_60 : memref<1x40xi32, #tpu.memory_space<vmem>> -> memref<40xi32, #tpu.memory_space<vmem>>
        %dma_start3A_62 = arith.constant 0 : i32
        %dma_start3A_63 = arith.constant 0 : i32
        %dma_start3A_64 = tpu.memref_slice %arg2[%dma_start3A_62, %dma_start3A_63] : memref<10240x128xf32, #tpu.memory_space<hbm>> -> memref<10240x128xf32, #tpu.memory_space<hbm>>
        tpu.enqueue_indirect_dma source(%dma_start3A_64 : memref<10240x128xf32, #tpu.memory_space<hbm>>) target(%arg9 : memref<40x128xf32, #tpu.memory_space<vmem>>) offsets(%dma_start3A_61 : memref<40xi32, #tpu.memory_space<vmem>>) semaphore(%arg12 : memref<!tpu.dma_semaphore, #tpu.memory_space<semaphore_mem>>)
        %dma_wait3A_65 = arith.constant 0 : i32
        %dma_wait3A_66 = tpu.memref_slice %arg7[%add3A_56, %dma_wait3A_65] : memref<25x40xi32, #tpu.memory_space<vmem>> -> memref<1x40xi32, #tpu.memory_space<vmem>>
        %dma_wait3A_67 = tpu.memref_squeeze %dma_wait3A_66 : memref<1x40xi32, #tpu.memory_space<vmem>> -> memref<40xi32, #tpu.memory_space<vmem>>
        %dma_wait3A_68 = arith.constant 0 : i32
        %dma_wait3A_69 = arith.constant 0 : i32
        %dma_wait3A_70 = tpu.memref_slice %arg2[%dma_wait3A_68, %dma_wait3A_69] : memref<10240x128xf32, #tpu.memory_space<hbm>> -> memref<10240x128xf32, #tpu.memory_space<hbm>>
        tpu.wait_indirect_dma semaphore(%arg13 : memref<!tpu.dma_semaphore, #tpu.memory_space<semaphore_mem>>) src(%dma_wait3A_70 : memref<10240x128xf32, #tpu.memory_space<hbm>>) dst(%arg10 : memref<40x128xf32, #tpu.memory_space<vmem>>)
        "tpu.region"() ({
          %run_scoped3A_71 = tpu.sem_alloc : memref<!tpu.dma_semaphore, #tpu.memory_space<semaphore_mem>>
          %dma_start3A_72 = arith.constant 0 : i32
          %dma_start3A_73 = tpu.memref_slice %arg8[%add3A_56, %dma_start3A_72] : memref<25x40xi32, #tpu.memory_space<vmem>> -> memref<1x40xi32, #tpu.memory_space<vmem>>
          %dma_start3A_74 = tpu.memref_squeeze %dma_start3A_73 : memref<1x40xi32, #tpu.memory_space<vmem>> -> memref<40xi32, #tpu.memory_space<vmem>>
          %dma_start3A_75 = arith.constant 0 : i32
          %dma_start3A_76 = arith.constant 0 : i32
          %dma_start3A_77 = tpu.memref_slice %arg11[%dma_start3A_75, %dma_start3A_76] : memref<10240x128xf32, #tpu.memory_space<vmem_shared>> -> memref<10240x128xf32, #tpu.memory_space<vmem_shared>>
          tpu.enqueue_indirect_dma source(%arg10 : memref<40x128xf32, #tpu.memory_space<vmem>>) target(%dma_start3A_77 : memref<10240x128xf32, #tpu.memory_space<vmem_shared>>) offsets(%dma_start3A_74 : memref<40xi32, #tpu.memory_space<vmem>>) semaphore(%run_scoped3A_71 : memref<!tpu.dma_semaphore, #tpu.memory_space<semaphore_mem>>) {add = true}
          %dma_wait3A_78 = arith.constant 0 : i32
          %dma_wait3A_79 = tpu.memref_slice %arg8[%add3A_56, %dma_wait3A_78] : memref<25x40xi32, #tpu.memory_space<vmem>> -> memref<1x40xi32, #tpu.memory_space<vmem>>
          %dma_wait3A_80 = tpu.memref_squeeze %dma_wait3A_79 : memref<1x40xi32, #tpu.memory_space<vmem>> -> memref<40xi32, #tpu.memory_space<vmem>>
          %dma_wait3A_81 = arith.constant 0 : i32
          %dma_wait3A_82 = arith.constant 0 : i32
          %dma_wait3A_83 = tpu.memref_slice %arg11[%dma_wait3A_81, %dma_wait3A_82] : memref<10240x128xf32, #tpu.memory_space<vmem_shared>> -> memref<10240x128xf32, #tpu.memory_space<vmem_shared>>
          tpu.wait_indirect_dma semaphore(%run_scoped3A_71 : memref<!tpu.dma_semaphore, #tpu.memory_space<semaphore_mem>>) src(%arg10 : memref<40x128xf32, #tpu.memory_space<vmem>>) dst(%dma_wait3A_83 : memref<10240x128xf32, #tpu.memory_space<vmem_shared>>)
          tpu.yield
        }) : () -> ()
      }
      %scan3A_27 = arith.constant 12 : i32
      %dma_wait3A = arith.constant 24 : i32
      %dma_wait3A_28 = arith.constant 0 : i32
      %dma_wait3A_29 = tpu.memref_slice %arg7[%dma_wait3A, %dma_wait3A_28] : memref<25x40xi32, #tpu.memory_space<vmem>> -> memref<1x40xi32, #tpu.memory_space<vmem>>
      %dma_wait3A_30 = tpu.memref_squeeze %dma_wait3A_29 : memref<1x40xi32, #tpu.memory_space<vmem>> -> memref<40xi32, #tpu.memory_space<vmem>>
      %dma_wait3A_31 = arith.constant 0 : i32
      %dma_wait3A_32 = arith.constant 0 : i32
      %dma_wait3A_33 = tpu.memref_slice %arg2[%dma_wait3A_31, %dma_wait3A_32] : memref<10240x128xf32, #tpu.memory_space<hbm>> -> memref<10240x128xf32, #tpu.memory_space<hbm>>
      tpu.wait_indirect_dma semaphore(%arg12 : memref<!tpu.dma_semaphore, #tpu.memory_space<semaphore_mem>>) src(%dma_wait3A_33 : memref<10240x128xf32, #tpu.memory_space<hbm>>) dst(%arg9 : memref<40x128xf32, #tpu.memory_space<vmem>>)
      %run_scoped3A = arith.constant 24 : i32
      "tpu.region"() ({
        %run_scoped3A_34 = tpu.sem_alloc : memref<!tpu.dma_semaphore, #tpu.memory_space<semaphore_mem>>
        %dma_start3A_35 = arith.constant 0 : i32
        %dma_start3A_36 = tpu.memref_slice %arg8[%run_scoped3A, %dma_start3A_35] : memref<25x40xi32, #tpu.memory_space<vmem>> -> memref<1x40xi32, #tpu.memory_space<vmem>>
        %dma_start3A_37 = tpu.memref_squeeze %dma_start3A_36 : memref<1x40xi32, #tpu.memory_space<vmem>> -> memref<40xi32, #tpu.memory_space<vmem>>
        %dma_start3A_38 = arith.constant 0 : i32
        %dma_start3A_39 = arith.constant 0 : i32
        %dma_start3A_40 = tpu.memref_slice %arg11[%dma_start3A_38, %dma_start3A_39] : memref<10240x128xf32, #tpu.memory_space<vmem_shared>> -> memref<10240x128xf32, #tpu.memory_space<vmem_shared>>
        tpu.enqueue_indirect_dma source(%arg9 : memref<40x128xf32, #tpu.memory_space<vmem>>) target(%dma_start3A_40 : memref<10240x128xf32, #tpu.memory_space<vmem_shared>>) offsets(%dma_start3A_37 : memref<40xi32, #tpu.memory_space<vmem>>) semaphore(%run_scoped3A_34 : memref<!tpu.dma_semaphore, #tpu.memory_space<semaphore_mem>>) {add = true}
        %dma_wait3A_41 = arith.constant 0 : i32
        %dma_wait3A_42 = tpu.memref_slice %arg8[%run_scoped3A, %dma_wait3A_41] : memref<25x40xi32, #tpu.memory_space<vmem>> -> memref<1x40xi32, #tpu.memory_space<vmem>>
        %dma_wait3A_43 = tpu.memref_squeeze %dma_wait3A_42 : memref<1x40xi32, #tpu.memory_space<vmem>> -> memref<40xi32, #tpu.memory_space<vmem>>
        %dma_wait3A_44 = arith.constant 0 : i32
        %dma_wait3A_45 = arith.constant 0 : i32
        %dma_wait3A_46 = tpu.memref_slice %arg11[%dma_wait3A_44, %dma_wait3A_45] : memref<10240x128xf32, #tpu.memory_space<vmem_shared>> -> memref<10240x128xf32, #tpu.memory_space<vmem_shared>>
        tpu.wait_indirect_dma semaphore(%run_scoped3A_34 : memref<!tpu.dma_semaphore, #tpu.memory_space<semaphore_mem>>) src(%arg9 : memref<40x128xf32, #tpu.memory_space<vmem>>) dst(%dma_wait3A_46 : memref<10240x128xf32, #tpu.memory_space<vmem_shared>>)
        tpu.yield
      }) : () -> ()
    }
    %scan3A_9 = arith.constant 10 : i32
    %barrier3A_10 = arith.constant 0 : index
    tpu.barrier barrier_id(%barrier3A_10)
    %mul3A_11 = arith.constant 640 : i32
    %mul3A_12 = arith.muli %arg1, %mul3A_11 : i32
    %mul3A_13 = arith.constant 640 : i32
    %mul3A_14 = arith.muli %arg1, %mul3A_13 : i32
    "tpu.region"() ({
      %run_scoped3A = tpu.sem_alloc : memref<!tpu.dma_semaphore, #tpu.memory_space<semaphore_mem>>
      %dma_start3A = arith.constant 0 : i32
      %dma_start3A_15 = tpu.memref_slice %arg6[%arg0, %mul3A_14, %dma_start3A] : memref<2x10240x128xf32, #tpu.memory_space<hbm>> -> memref<1x640x128xf32, #tpu.memory_space<hbm>>
      %dma_start3A_16 = tpu.memref_squeeze %dma_start3A_15 : memref<1x640x128xf32, #tpu.memory_space<hbm>> -> memref<640x128xf32, #tpu.memory_space<hbm>>
      %dma_start3A_17 = arith.constant 0 : i32
      %dma_start3A_18 = tpu.memref_slice %arg11[%mul3A_12, %dma_start3A_17] : memref<10240x128xf32, #tpu.memory_space<vmem_shared>> -> memref<640x128xf32, #tpu.memory_space<vmem_shared>>
      tpu.enqueue_dma source(%dma_start3A_18 : memref<640x128xf32, #tpu.memory_space<vmem_shared>>) target(%dma_start3A_16 : memref<640x128xf32, #tpu.memory_space<hbm>>) target_semaphore(%run_scoped3A : memref<!tpu.dma_semaphore, #tpu.memory_space<semaphore_mem>>)
      %dma_wait3A = arith.constant 0 : i32
      %dma_wait3A_19 = tpu.memref_slice %arg6[%arg0, %mul3A_14, %dma_wait3A] : memref<2x10240x128xf32, #tpu.memory_space<hbm>> -> memref<1x640x128xf32, #tpu.memory_space<hbm>>
      %dma_wait3A_20 = tpu.memref_squeeze %dma_wait3A_19 : memref<1x640x128xf32, #tpu.memory_space<hbm>> -> memref<640x128xf32, #tpu.memory_space<hbm>>
      %dma_wait3A_21 = arith.constant 0 : i32
      %dma_wait3A_22 = tpu.memref_slice %arg11[%mul3A_12, %dma_wait3A_21] : memref<10240x128xf32, #tpu.memory_space<vmem_shared>> -> memref<640x128xf32, #tpu.memory_space<vmem_shared>>
      tpu.wait_dma2 semaphore(%run_scoped3A : memref<!tpu.dma_semaphore, #tpu.memory_space<semaphore_mem>>) src(%dma_wait3A_22 : memref<640x128xf32, #tpu.memory_space<vmem_shared>>) dst(%dma_wait3A_20 : memref<640x128xf32, #tpu.memory_space<hbm>>)
      tpu.yield
    }) : () -> ()
    return
  }
}

#map = affine_map<(d0, d1) -> (0, 0)>
#map1 = affine_map<(d0, d1) -> (0, 0, 0, 0)>
#map2 = affine_map<(d0, d1) -> (0, 0, 0)>
module attributes {stable_mosaic.version = 14 : i64} {
  func.func @_sc_aggregate_body(%arg0: i32, %arg1: i32, %arg2: memref<10240x128xf32, #tpu.memory_space<hbm>>, %arg3: memref<32x10x25x40xi32, #tpu.memory_space<hbm>>, %arg4: memref<32x10x25x40xi32, #tpu.memory_space<hbm>>, %arg5: memref<10240x128xf32, #tpu.memory_space<hbm>>, %arg6: memref<2x10240x128xf32, #tpu.memory_space<hbm>>, %arg7: memref<25x40xi32, #tpu.memory_space<vmem>>, %arg8: memref<25x40xi32, #tpu.memory_space<vmem>>, %arg9: memref<40x128xf32, #tpu.memory_space<vmem>>, %arg10: memref<40x128xf32, #tpu.memory_space<vmem>>, %arg11: memref<10240x128xf32, #tpu.memory_space<vmem_shared>>, %arg12: memref<!tpu.dma_semaphore, #tpu.memory_space<semaphore_mem>>, %arg13: memref<!tpu.dma_semaphore, #tpu.memory_space<semaphore_mem>>) attributes {dimension_semantics = [#tpu.dimension_semantics<core_parallel>, #tpu.dimension_semantics<subcore_parallel>], iteration_bounds = array<i64: 2, 16>, scalar_prefetch = 0 : i64, scratch_operands = 7 : i64, tpu.core_type = #tpu.core_type<sc_vector_subcore>, window_params = [{transform_indices = #map}, {transform_indices = #map1}, {transform_indices = #map1}, {transform_indices = #map}, {transform_indices = #map2}]} {
    %mul3A = arith.constant 2 : i32
    %mul3A_0 = arith.muli %arg1, %mul3A : i32
    %add3A = arith.addi %mul3A_0, %arg0 : i32
    %mul3A_1 = arith.constant 640 : i32
    %mul3A_2 = arith.muli %arg1, %mul3A_1 : i32
    %mul3A_3 = arith.constant 640 : i32
    %mul3A_4 = arith.muli %arg1, %mul3A_3 : i32
    "tpu.region"() ({
      %run_scoped3A = tpu.sem_alloc : memref<!tpu.dma_semaphore, #tpu.memory_space<semaphore_mem>>
      %dma_start3A = arith.constant 0 : i32
      %dma_start3A_15 = tpu.memref_slice %arg11[%mul3A_4, %dma_start3A] : memref<10240x128xf32, #tpu.memory_space<vmem_shared>> -> memref<640x128xf32, #tpu.memory_space<vmem_shared>>
      %dma_start3A_16 = arith.constant 0 : i32
      %dma_start3A_17 = tpu.memref_slice %arg5[%mul3A_2, %dma_start3A_16] : memref<10240x128xf32, #tpu.memory_space<hbm>> -> memref<640x128xf32, #tpu.memory_space<hbm>>
      tpu.enqueue_dma source(%dma_start3A_17 : memref<640x128xf32, #tpu.memory_space<hbm>>) target(%dma_start3A_15 : memref<640x128xf32, #tpu.memory_space<vmem_shared>>) target_semaphore(%run_scoped3A : memref<!tpu.dma_semaphore, #tpu.memory_space<semaphore_mem>>)
      %dma_wait3A = arith.constant 0 : i32
      %dma_wait3A_18 = tpu.memref_slice %arg11[%mul3A_4, %dma_wait3A] : memref<10240x128xf32, #tpu.memory_space<vmem_shared>> -> memref<640x128xf32, #tpu.memory_space<vmem_shared>>
      %dma_wait3A_19 = arith.constant 0 : i32
      %dma_wait3A_20 = tpu.memref_slice %arg5[%mul3A_2, %dma_wait3A_19] : memref<10240x128xf32, #tpu.memory_space<hbm>> -> memref<640x128xf32, #tpu.memory_space<hbm>>
      tpu.wait_dma2 semaphore(%run_scoped3A : memref<!tpu.dma_semaphore, #tpu.memory_space<semaphore_mem>>) src(%dma_wait3A_20 : memref<640x128xf32, #tpu.memory_space<hbm>>) dst(%dma_wait3A_18 : memref<640x128xf32, #tpu.memory_space<vmem_shared>>)
      tpu.yield
    }) : () -> ()
    %barrier3A = arith.constant 0 : index
    tpu.barrier barrier_id(%barrier3A)
    %scan3A = arith.constant 0 : i32
    %scan3A_5 = arith.constant 0 : i32
    %scan3A_6 = arith.constant 10 : i32
    %scan3A_7 = arith.addi %scan3A_5, %scan3A_6 : i32
    %scan3A_8 = arith.constant 1 : i32
    scf.for %scan3A_15 = %scan3A_5 to %scan3A_7 step %scan3A_8  : i32 {
      "tpu.region"() ({
        %run_scoped3A_34 = tpu.sem_alloc : memref<!tpu.dma_semaphore, #tpu.memory_space<semaphore_mem>>
        %dma_start3A_35 = arith.constant 0 : i32
        %dma_start3A_36 = arith.constant 0 : i32
        %dma_start3A_37 = tpu.memref_slice %arg3[%add3A, %scan3A_15, %dma_start3A_35, %dma_start3A_36] : memref<32x10x25x40xi32, #tpu.memory_space<hbm>> -> memref<1x1x25x40xi32, #tpu.memory_space<hbm>>
        %dma_start3A_38 = tpu.memref_squeeze %dma_start3A_37 : memref<1x1x25x40xi32, #tpu.memory_space<hbm>> -> memref<25x40xi32, #tpu.memory_space<hbm>>
        %dma_start3A_39 = arith.constant 0 : i32
        %dma_start3A_40 = arith.constant 0 : i32
        %dma_start3A_41 = tpu.memref_slice %arg3[%add3A, %scan3A_15, %dma_start3A_39, %dma_start3A_40] : memref<32x10x25x40xi32, #tpu.memory_space<hbm>> -> memref<1x1x25x40xi32, #tpu.memory_space<hbm>>
        %dma_start3A_42 = tpu.memref_squeeze %dma_start3A_41 : memref<1x1x25x40xi32, #tpu.memory_space<hbm>> -> memref<25x40xi32, #tpu.memory_space<hbm>>
        tpu.enqueue_dma source(%dma_start3A_42 : memref<25x40xi32, #tpu.memory_space<hbm>>) target(%arg7 : memref<25x40xi32, #tpu.memory_space<vmem>>) target_semaphore(%run_scoped3A_34 : memref<!tpu.dma_semaphore, #tpu.memory_space<semaphore_mem>>)
        %dma_wait3A_43 = arith.constant 0 : i32
        %dma_wait3A_44 = arith.constant 0 : i32
        %dma_wait3A_45 = tpu.memref_slice %arg3[%add3A, %scan3A_15, %dma_wait3A_43, %dma_wait3A_44] : memref<32x10x25x40xi32, #tpu.memory_space<hbm>> -> memref<1x1x25x40xi32, #tpu.memory_space<hbm>>
        %dma_wait3A_46 = tpu.memref_squeeze %dma_wait3A_45 : memref<1x1x25x40xi32, #tpu.memory_space<hbm>> -> memref<25x40xi32, #tpu.memory_space<hbm>>
        %dma_wait3A_47 = arith.constant 0 : i32
        %dma_wait3A_48 = arith.constant 0 : i32
        %dma_wait3A_49 = tpu.memref_slice %arg3[%add3A, %scan3A_15, %dma_wait3A_47, %dma_wait3A_48] : memref<32x10x25x40xi32, #tpu.memory_space<hbm>> -> memref<1x1x25x40xi32, #tpu.memory_space<hbm>>
        %dma_wait3A_50 = tpu.memref_squeeze %dma_wait3A_49 : memref<1x1x25x40xi32, #tpu.memory_space<hbm>> -> memref<25x40xi32, #tpu.memory_space<hbm>>
        tpu.wait_dma2 semaphore(%run_scoped3A_34 : memref<!tpu.dma_semaphore, #tpu.memory_space<semaphore_mem>>) src(%dma_wait3A_50 : memref<25x40xi32, #tpu.memory_space<hbm>>) dst(%arg7 : memref<25x40xi32, #tpu.memory_space<vmem>>)
        tpu.yield
      }) : () -> ()
      "tpu.region"() ({
        %run_scoped3A_34 = tpu.sem_alloc : memref<!tpu.dma_semaphore, #tpu.memory_space<semaphore_mem>>
        %dma_start3A_35 = arith.constant 0 : i32
        %dma_start3A_36 = arith.constant 0 : i32
        %dma_start3A_37 = tpu.memref_slice %arg4[%add3A, %scan3A_15, %dma_start3A_35, %dma_start3A_36] : memref<32x10x25x40xi32, #tpu.memory_space<hbm>> -> memref<1x1x25x40xi32, #tpu.memory_space<hbm>>
        %dma_start3A_38 = tpu.memref_squeeze %dma_start3A_37 : memref<1x1x25x40xi32, #tpu.memory_space<hbm>> -> memref<25x40xi32, #tpu.memory_space<hbm>>
        %dma_start3A_39 = arith.constant 0 : i32
        %dma_start3A_40 = arith.constant 0 : i32
        %dma_start3A_41 = tpu.memref_slice %arg4[%add3A, %scan3A_15, %dma_start3A_39, %dma_start3A_40] : memref<32x10x25x40xi32, #tpu.memory_space<hbm>> -> memref<1x1x25x40xi32, #tpu.memory_space<hbm>>
        %dma_start3A_42 = tpu.memref_squeeze %dma_start3A_41 : memref<1x1x25x40xi32, #tpu.memory_space<hbm>> -> memref<25x40xi32, #tpu.memory_space<hbm>>
        tpu.enqueue_dma source(%dma_start3A_42 : memref<25x40xi32, #tpu.memory_space<hbm>>) target(%arg8 : memref<25x40xi32, #tpu.memory_space<vmem>>) target_semaphore(%run_scoped3A_34 : memref<!tpu.dma_semaphore, #tpu.memory_space<semaphore_mem>>)
        %dma_wait3A_43 = arith.constant 0 : i32
        %dma_wait3A_44 = arith.constant 0 : i32
        %dma_wait3A_45 = tpu.memref_slice %arg4[%add3A, %scan3A_15, %dma_wait3A_43, %dma_wait3A_44] : memref<32x10x25x40xi32, #tpu.memory_space<hbm>> -> memref<1x1x25x40xi32, #tpu.memory_space<hbm>>
        %dma_wait3A_46 = tpu.memref_squeeze %dma_wait3A_45 : memref<1x1x25x40xi32, #tpu.memory_space<hbm>> -> memref<25x40xi32, #tpu.memory_space<hbm>>
        %dma_wait3A_47 = arith.constant 0 : i32
        %dma_wait3A_48 = arith.constant 0 : i32
        %dma_wait3A_49 = tpu.memref_slice %arg4[%add3A, %scan3A_15, %dma_wait3A_47, %dma_wait3A_48] : memref<32x10x25x40xi32, #tpu.memory_space<hbm>> -> memref<1x1x25x40xi32, #tpu.memory_space<hbm>>
        %dma_wait3A_50 = tpu.memref_squeeze %dma_wait3A_49 : memref<1x1x25x40xi32, #tpu.memory_space<hbm>> -> memref<25x40xi32, #tpu.memory_space<hbm>>
        tpu.wait_dma2 semaphore(%run_scoped3A_34 : memref<!tpu.dma_semaphore, #tpu.memory_space<semaphore_mem>>) src(%dma_wait3A_50 : memref<25x40xi32, #tpu.memory_space<hbm>>) dst(%arg8 : memref<25x40xi32, #tpu.memory_space<vmem>>)
        tpu.yield
      }) : () -> ()
      %dma_start3A = arith.constant 0 : i32
      %dma_start3A_16 = arith.constant 0 : i32
      %dma_start3A_17 = tpu.memref_slice %arg7[%dma_start3A, %dma_start3A_16] : memref<25x40xi32, #tpu.memory_space<vmem>> -> memref<1x40xi32, #tpu.memory_space<vmem>>
      %dma_start3A_18 = tpu.memref_squeeze %dma_start3A_17 : memref<1x40xi32, #tpu.memory_space<vmem>> -> memref<40xi32, #tpu.memory_space<vmem>>
      %dma_start3A_19 = arith.constant 0 : i32
      %dma_start3A_20 = arith.constant 0 : i32
      %dma_start3A_21 = tpu.memref_slice %arg2[%dma_start3A_19, %dma_start3A_20] : memref<10240x128xf32, #tpu.memory_space<hbm>> -> memref<10240x128xf32, #tpu.memory_space<hbm>>
      tpu.enqueue_indirect_dma source(%dma_start3A_21 : memref<10240x128xf32, #tpu.memory_space<hbm>>) target(%arg9 : memref<40x128xf32, #tpu.memory_space<vmem>>) offsets(%dma_start3A_18 : memref<40xi32, #tpu.memory_space<vmem>>) semaphore(%arg12 : memref<!tpu.dma_semaphore, #tpu.memory_space<semaphore_mem>>)
      %scan3A_22 = arith.constant 0 : i32
      %scan3A_23 = arith.constant 0 : i32
      %scan3A_24 = arith.constant 12 : i32
      %scan3A_25 = arith.addi %scan3A_23, %scan3A_24 : i32
      %scan3A_26 = arith.constant 1 : i32
      scf.for %scan3A_34 = %scan3A_23 to %scan3A_25 step %scan3A_26  : i32 {
        %mul3A_35 = arith.constant 2 : i32
        %mul3A_36 = arith.muli %scan3A_34, %mul3A_35 : i32
        %add3A_37 = arith.constant 0 : i32
        %add3A_38 = arith.addi %mul3A_36, %add3A_37 : i32
        %add3A_39 = arith.constant 1 : i32
        %add3A_40 = arith.addi %add3A_38, %add3A_39 : i32
        %dma_start3A_41 = arith.constant 0 : i32
        %dma_start3A_42 = tpu.memref_slice %arg7[%add3A_40, %dma_start3A_41] : memref<25x40xi32, #tpu.memory_space<vmem>> -> memref<1x40xi32, #tpu.memory_space<vmem>>
        %dma_start3A_43 = tpu.memref_squeeze %dma_start3A_42 : memref<1x40xi32, #tpu.memory_space<vmem>> -> memref<40xi32, #tpu.memory_space<vmem>>
        %dma_start3A_44 = arith.constant 0 : i32
        %dma_start3A_45 = arith.constant 0 : i32
        %dma_start3A_46 = tpu.memref_slice %arg2[%dma_start3A_44, %dma_start3A_45] : memref<10240x128xf32, #tpu.memory_space<hbm>> -> memref<10240x128xf32, #tpu.memory_space<hbm>>
        tpu.enqueue_indirect_dma source(%dma_start3A_46 : memref<10240x128xf32, #tpu.memory_space<hbm>>) target(%arg10 : memref<40x128xf32, #tpu.memory_space<vmem>>) offsets(%dma_start3A_43 : memref<40xi32, #tpu.memory_space<vmem>>) semaphore(%arg13 : memref<!tpu.dma_semaphore, #tpu.memory_space<semaphore_mem>>)
        %dma_wait3A_47 = arith.constant 0 : i32
        %dma_wait3A_48 = tpu.memref_slice %arg7[%add3A_38, %dma_wait3A_47] : memref<25x40xi32, #tpu.memory_space<vmem>> -> memref<1x40xi32, #tpu.memory_space<vmem>>
        %dma_wait3A_49 = tpu.memref_squeeze %dma_wait3A_48 : memref<1x40xi32, #tpu.memory_space<vmem>> -> memref<40xi32, #tpu.memory_space<vmem>>
        %dma_wait3A_50 = arith.constant 0 : i32
        %dma_wait3A_51 = arith.constant 0 : i32
        %dma_wait3A_52 = tpu.memref_slice %arg2[%dma_wait3A_50, %dma_wait3A_51] : memref<10240x128xf32, #tpu.memory_space<hbm>> -> memref<10240x128xf32, #tpu.memory_space<hbm>>
        tpu.wait_indirect_dma semaphore(%arg12 : memref<!tpu.dma_semaphore, #tpu.memory_space<semaphore_mem>>) src(%dma_wait3A_52 : memref<10240x128xf32, #tpu.memory_space<hbm>>) dst(%arg9 : memref<40x128xf32, #tpu.memory_space<vmem>>)
        "tpu.region"() ({
          %run_scoped3A_71 = tpu.sem_alloc : memref<!tpu.dma_semaphore, #tpu.memory_space<semaphore_mem>>
          %dma_start3A_72 = arith.constant 0 : i32
          %dma_start3A_73 = tpu.memref_slice %arg8[%add3A_38, %dma_start3A_72] : memref<25x40xi32, #tpu.memory_space<vmem>> -> memref<1x40xi32, #tpu.memory_space<vmem>>
          %dma_start3A_74 = tpu.memref_squeeze %dma_start3A_73 : memref<1x40xi32, #tpu.memory_space<vmem>> -> memref<40xi32, #tpu.memory_space<vmem>>
          %dma_start3A_75 = arith.constant 0 : i32
          %dma_start3A_76 = arith.constant 0 : i32
          %dma_start3A_77 = tpu.memref_slice %arg11[%dma_start3A_75, %dma_start3A_76] : memref<10240x128xf32, #tpu.memory_space<vmem_shared>> -> memref<10240x128xf32, #tpu.memory_space<vmem_shared>>
          tpu.enqueue_indirect_dma source(%arg9 : memref<40x128xf32, #tpu.memory_space<vmem>>) target(%dma_start3A_77 : memref<10240x128xf32, #tpu.memory_space<vmem_shared>>) offsets(%dma_start3A_74 : memref<40xi32, #tpu.memory_space<vmem>>) semaphore(%run_scoped3A_71 : memref<!tpu.dma_semaphore, #tpu.memory_space<semaphore_mem>>) {add = true}
          %dma_wait3A_78 = arith.constant 0 : i32
          %dma_wait3A_79 = tpu.memref_slice %arg8[%add3A_38, %dma_wait3A_78] : memref<25x40xi32, #tpu.memory_space<vmem>> -> memref<1x40xi32, #tpu.memory_space<vmem>>
          %dma_wait3A_80 = tpu.memref_squeeze %dma_wait3A_79 : memref<1x40xi32, #tpu.memory_space<vmem>> -> memref<40xi32, #tpu.memory_space<vmem>>
          %dma_wait3A_81 = arith.constant 0 : i32
          %dma_wait3A_82 = arith.constant 0 : i32
          %dma_wait3A_83 = tpu.memref_slice %arg11[%dma_wait3A_81, %dma_wait3A_82] : memref<10240x128xf32, #tpu.memory_space<vmem_shared>> -> memref<10240x128xf32, #tpu.memory_space<vmem_shared>>
          tpu.wait_indirect_dma semaphore(%run_scoped3A_71 : memref<!tpu.dma_semaphore, #tpu.memory_space<semaphore_mem>>) src(%arg9 : memref<40x128xf32, #tpu.memory_space<vmem>>) dst(%dma_wait3A_83 : memref<10240x128xf32, #tpu.memory_space<vmem_shared>>)
          tpu.yield
        }) : () -> ()
        %mul3A_53 = arith.constant 2 : i32
        %mul3A_54 = arith.muli %scan3A_34, %mul3A_53 : i32
        %add3A_55 = arith.constant 1 : i32
        %add3A_56 = arith.addi %mul3A_54, %add3A_55 : i32
        %add3A_57 = arith.constant 1 : i32
        %add3A_58 = arith.addi %add3A_56, %add3A_57 : i32
        %dma_start3A_59 = arith.constant 0 : i32
        %dma_start3A_60 = tpu.memref_slice %arg7[%add3A_58, %dma_start3A_59] : memref<25x40xi32, #tpu.memory_space<vmem>> -> memref<1x40xi32, #tpu.memory_space<vmem>>
        %dma_start3A_61 = tpu.memref_squeeze %dma_start3A_60 : memref<1x40xi32, #tpu.memory_space<vmem>> -> memref<40xi32, #tpu.memory_space<vmem>>
        %dma_start3A_62 = arith.constant 0 : i32
        %dma_start3A_63 = arith.constant 0 : i32
        %dma_start3A_64 = tpu.memref_slice %arg2[%dma_start3A_62, %dma_start3A_63] : memref<10240x128xf32, #tpu.memory_space<hbm>> -> memref<10240x128xf32, #tpu.memory_space<hbm>>
        tpu.enqueue_indirect_dma source(%dma_start3A_64 : memref<10240x128xf32, #tpu.memory_space<hbm>>) target(%arg9 : memref<40x128xf32, #tpu.memory_space<vmem>>) offsets(%dma_start3A_61 : memref<40xi32, #tpu.memory_space<vmem>>) semaphore(%arg12 : memref<!tpu.dma_semaphore, #tpu.memory_space<semaphore_mem>>)
        %dma_wait3A_65 = arith.constant 0 : i32
        %dma_wait3A_66 = tpu.memref_slice %arg7[%add3A_56, %dma_wait3A_65] : memref<25x40xi32, #tpu.memory_space<vmem>> -> memref<1x40xi32, #tpu.memory_space<vmem>>
        %dma_wait3A_67 = tpu.memref_squeeze %dma_wait3A_66 : memref<1x40xi32, #tpu.memory_space<vmem>> -> memref<40xi32, #tpu.memory_space<vmem>>
        %dma_wait3A_68 = arith.constant 0 : i32
        %dma_wait3A_69 = arith.constant 0 : i32
        %dma_wait3A_70 = tpu.memref_slice %arg2[%dma_wait3A_68, %dma_wait3A_69] : memref<10240x128xf32, #tpu.memory_space<hbm>> -> memref<10240x128xf32, #tpu.memory_space<hbm>>
        tpu.wait_indirect_dma semaphore(%arg13 : memref<!tpu.dma_semaphore, #tpu.memory_space<semaphore_mem>>) src(%dma_wait3A_70 : memref<10240x128xf32, #tpu.memory_space<hbm>>) dst(%arg10 : memref<40x128xf32, #tpu.memory_space<vmem>>)
        "tpu.region"() ({
          %run_scoped3A_71 = tpu.sem_alloc : memref<!tpu.dma_semaphore, #tpu.memory_space<semaphore_mem>>
          %dma_start3A_72 = arith.constant 0 : i32
          %dma_start3A_73 = tpu.memref_slice %arg8[%add3A_56, %dma_start3A_72] : memref<25x40xi32, #tpu.memory_space<vmem>> -> memref<1x40xi32, #tpu.memory_space<vmem>>
          %dma_start3A_74 = tpu.memref_squeeze %dma_start3A_73 : memref<1x40xi32, #tpu.memory_space<vmem>> -> memref<40xi32, #tpu.memory_space<vmem>>
          %dma_start3A_75 = arith.constant 0 : i32
          %dma_start3A_76 = arith.constant 0 : i32
          %dma_start3A_77 = tpu.memref_slice %arg11[%dma_start3A_75, %dma_start3A_76] : memref<10240x128xf32, #tpu.memory_space<vmem_shared>> -> memref<10240x128xf32, #tpu.memory_space<vmem_shared>>
          tpu.enqueue_indirect_dma source(%arg10 : memref<40x128xf32, #tpu.memory_space<vmem>>) target(%dma_start3A_77 : memref<10240x128xf32, #tpu.memory_space<vmem_shared>>) offsets(%dma_start3A_74 : memref<40xi32, #tpu.memory_space<vmem>>) semaphore(%run_scoped3A_71 : memref<!tpu.dma_semaphore, #tpu.memory_space<semaphore_mem>>) {add = true}
          %dma_wait3A_78 = arith.constant 0 : i32
          %dma_wait3A_79 = tpu.memref_slice %arg8[%add3A_56, %dma_wait3A_78] : memref<25x40xi32, #tpu.memory_space<vmem>> -> memref<1x40xi32, #tpu.memory_space<vmem>>
          %dma_wait3A_80 = tpu.memref_squeeze %dma_wait3A_79 : memref<1x40xi32, #tpu.memory_space<vmem>> -> memref<40xi32, #tpu.memory_space<vmem>>
          %dma_wait3A_81 = arith.constant 0 : i32
          %dma_wait3A_82 = arith.constant 0 : i32
          %dma_wait3A_83 = tpu.memref_slice %arg11[%dma_wait3A_81, %dma_wait3A_82] : memref<10240x128xf32, #tpu.memory_space<vmem_shared>> -> memref<10240x128xf32, #tpu.memory_space<vmem_shared>>
          tpu.wait_indirect_dma semaphore(%run_scoped3A_71 : memref<!tpu.dma_semaphore, #tpu.memory_space<semaphore_mem>>) src(%arg10 : memref<40x128xf32, #tpu.memory_space<vmem>>) dst(%dma_wait3A_83 : memref<10240x128xf32, #tpu.memory_space<vmem_shared>>)
          tpu.yield
        }) : () -> ()
      }
      %scan3A_27 = arith.constant 12 : i32
      %dma_wait3A = arith.constant 24 : i32
      %dma_wait3A_28 = arith.constant 0 : i32
      %dma_wait3A_29 = tpu.memref_slice %arg7[%dma_wait3A, %dma_wait3A_28] : memref<25x40xi32, #tpu.memory_space<vmem>> -> memref<1x40xi32, #tpu.memory_space<vmem>>
      %dma_wait3A_30 = tpu.memref_squeeze %dma_wait3A_29 : memref<1x40xi32, #tpu.memory_space<vmem>> -> memref<40xi32, #tpu.memory_space<vmem>>
      %dma_wait3A_31 = arith.constant 0 : i32
      %dma_wait3A_32 = arith.constant 0 : i32
      %dma_wait3A_33 = tpu.memref_slice %arg2[%dma_wait3A_31, %dma_wait3A_32] : memref<10240x128xf32, #tpu.memory_space<hbm>> -> memref<10240x128xf32, #tpu.memory_space<hbm>>
      tpu.wait_indirect_dma semaphore(%arg12 : memref<!tpu.dma_semaphore, #tpu.memory_space<semaphore_mem>>) src(%dma_wait3A_33 : memref<10240x128xf32, #tpu.memory_space<hbm>>) dst(%arg9 : memref<40x128xf32, #tpu.memory_space<vmem>>)
      %run_scoped3A = arith.constant 24 : i32
      "tpu.region"() ({
        %run_scoped3A_34 = tpu.sem_alloc : memref<!tpu.dma_semaphore, #tpu.memory_space<semaphore_mem>>
        %dma_start3A_35 = arith.constant 0 : i32
        %dma_start3A_36 = tpu.memref_slice %arg8[%run_scoped3A, %dma_start3A_35] : memref<25x40xi32, #tpu.memory_space<vmem>> -> memref<1x40xi32, #tpu.memory_space<vmem>>
        %dma_start3A_37 = tpu.memref_squeeze %dma_start3A_36 : memref<1x40xi32, #tpu.memory_space<vmem>> -> memref<40xi32, #tpu.memory_space<vmem>>
        %dma_start3A_38 = arith.constant 0 : i32
        %dma_start3A_39 = arith.constant 0 : i32
        %dma_start3A_40 = tpu.memref_slice %arg11[%dma_start3A_38, %dma_start3A_39] : memref<10240x128xf32, #tpu.memory_space<vmem_shared>> -> memref<10240x128xf32, #tpu.memory_space<vmem_shared>>
        tpu.enqueue_indirect_dma source(%arg9 : memref<40x128xf32, #tpu.memory_space<vmem>>) target(%dma_start3A_40 : memref<10240x128xf32, #tpu.memory_space<vmem_shared>>) offsets(%dma_start3A_37 : memref<40xi32, #tpu.memory_space<vmem>>) semaphore(%run_scoped3A_34 : memref<!tpu.dma_semaphore, #tpu.memory_space<semaphore_mem>>) {add = true}
        %dma_wait3A_41 = arith.constant 0 : i32
        %dma_wait3A_42 = tpu.memref_slice %arg8[%run_scoped3A, %dma_wait3A_41] : memref<25x40xi32, #tpu.memory_space<vmem>> -> memref<1x40xi32, #tpu.memory_space<vmem>>
        %dma_wait3A_43 = tpu.memref_squeeze %dma_wait3A_42 : memref<1x40xi32, #tpu.memory_space<vmem>> -> memref<40xi32, #tpu.memory_space<vmem>>
        %dma_wait3A_44 = arith.constant 0 : i32
        %dma_wait3A_45 = arith.constant 0 : i32
        %dma_wait3A_46 = tpu.memref_slice %arg11[%dma_wait3A_44, %dma_wait3A_45] : memref<10240x128xf32, #tpu.memory_space<vmem_shared>> -> memref<10240x128xf32, #tpu.memory_space<vmem_shared>>
        tpu.wait_indirect_dma semaphore(%run_scoped3A_34 : memref<!tpu.dma_semaphore, #tpu.memory_space<semaphore_mem>>) src(%arg9 : memref<40x128xf32, #tpu.memory_space<vmem>>) dst(%dma_wait3A_46 : memref<10240x128xf32, #tpu.memory_space<vmem_shared>>)
        tpu.yield
      }) : () -> ()
    }
    %scan3A_9 = arith.constant 10 : i32
    %barrier3A_10 = arith.constant 0 : index
    tpu.barrier barrier_id(%barrier3A_10)
    %mul3A_11 = arith.constant 640 : i32
    %mul3A_12 = arith.muli %arg1, %mul3A_11 : i32
    %mul3A_13 = arith.constant 640 : i32
    %mul3A_14 = arith.muli %arg1, %mul3A_13 : i32
    "tpu.region"() ({
      %run_scoped3A = tpu.sem_alloc : memref<!tpu.dma_semaphore, #tpu.memory_space<semaphore_mem>>
      %dma_start3A = arith.constant 0 : i32
      %dma_start3A_15 = tpu.memref_slice %arg6[%arg0, %mul3A_14, %dma_start3A] : memref<2x10240x128xf32, #tpu.memory_space<hbm>> -> memref<1x640x128xf32, #tpu.memory_space<hbm>>
      %dma_start3A_16 = tpu.memref_squeeze %dma_start3A_15 : memref<1x640x128xf32, #tpu.memory_space<hbm>> -> memref<640x128xf32, #tpu.memory_space<hbm>>
      %dma_start3A_17 = arith.constant 0 : i32
      %dma_start3A_18 = tpu.memref_slice %arg11[%mul3A_12, %dma_start3A_17] : memref<10240x128xf32, #tpu.memory_space<vmem_shared>> -> memref<640x128xf32, #tpu.memory_space<vmem_shared>>
      tpu.enqueue_dma source(%dma_start3A_18 : memref<640x128xf32, #tpu.memory_space<vmem_shared>>) target(%dma_start3A_16 : memref<640x128xf32, #tpu.memory_space<hbm>>) target_semaphore(%run_scoped3A : memref<!tpu.dma_semaphore, #tpu.memory_space<semaphore_mem>>)
      %dma_wait3A = arith.constant 0 : i32
      %dma_wait3A_19 = tpu.memref_slice %arg6[%arg0, %mul3A_14, %dma_wait3A] : memref<2x10240x128xf32, #tpu.memory_space<hbm>> -> memref<1x640x128xf32, #tpu.memory_space<hbm>>
      %dma_wait3A_20 = tpu.memref_squeeze %dma_wait3A_19 : memref<1x640x128xf32, #tpu.memory_space<hbm>> -> memref<640x128xf32, #tpu.memory_space<hbm>>
      %dma_wait3A_21 = arith.constant 0 : i32
      %dma_wait3A_22 = tpu.memref_slice %arg11[%mul3A_12, %dma_wait3A_21] : memref<10240x128xf32, #tpu.memory_space<vmem_shared>> -> memref<640x128xf32, #tpu.memory_space<vmem_shared>>
      tpu.wait_dma2 semaphore(%run_scoped3A : memref<!tpu.dma_semaphore, #tpu.memory_space<semaphore_mem>>) src(%dma_wait3A_22 : memref<640x128xf32, #tpu.memory_space<vmem_shared>>) dst(%dma_wait3A_20 : memref<640x128xf32, #tpu.memory_space<hbm>>)
      tpu.yield
    }) : () -> ()
    return
  }
}

#map = affine_map<(d0, d1) -> (0, 0)>
#map1 = affine_map<(d0, d1) -> (0, 0, 0, 0)>
#map2 = affine_map<(d0, d1) -> (0, 0, 0)>
module attributes {stable_mosaic.version = 14 : i64} {
  func.func @_sc_aggregate_body(%arg0: i32, %arg1: i32, %arg2: memref<10240x128xf32, #tpu.memory_space<hbm>>, %arg3: memref<32x10x25x40xi32, #tpu.memory_space<hbm>>, %arg4: memref<32x10x25x40xi32, #tpu.memory_space<hbm>>, %arg5: memref<10240x128xf32, #tpu.memory_space<hbm>>, %arg6: memref<2x10240x128xf32, #tpu.memory_space<hbm>>, %arg7: memref<25x40xi32, #tpu.memory_space<vmem>>, %arg8: memref<25x40xi32, #tpu.memory_space<vmem>>, %arg9: memref<40x128xf32, #tpu.memory_space<vmem>>, %arg10: memref<40x128xf32, #tpu.memory_space<vmem>>, %arg11: memref<10240x128xf32, #tpu.memory_space<vmem_shared>>, %arg12: memref<!tpu.dma_semaphore, #tpu.memory_space<semaphore_mem>>, %arg13: memref<!tpu.dma_semaphore, #tpu.memory_space<semaphore_mem>>) attributes {dimension_semantics = [#tpu.dimension_semantics<core_parallel>, #tpu.dimension_semantics<subcore_parallel>], iteration_bounds = array<i64: 2, 16>, scalar_prefetch = 0 : i64, scratch_operands = 7 : i64, tpu.core_type = #tpu.core_type<sc_vector_subcore>, window_params = [{transform_indices = #map}, {transform_indices = #map1}, {transform_indices = #map1}, {transform_indices = #map}, {transform_indices = #map2}]} {
    %mul3A = arith.constant 2 : i32
    %mul3A_0 = arith.muli %arg1, %mul3A : i32
    %add3A = arith.addi %mul3A_0, %arg0 : i32
    %mul3A_1 = arith.constant 640 : i32
    %mul3A_2 = arith.muli %arg1, %mul3A_1 : i32
    %mul3A_3 = arith.constant 640 : i32
    %mul3A_4 = arith.muli %arg1, %mul3A_3 : i32
    "tpu.region"() ({
      %run_scoped3A = tpu.sem_alloc : memref<!tpu.dma_semaphore, #tpu.memory_space<semaphore_mem>>
      %dma_start3A = arith.constant 0 : i32
      %dma_start3A_15 = tpu.memref_slice %arg11[%mul3A_4, %dma_start3A] : memref<10240x128xf32, #tpu.memory_space<vmem_shared>> -> memref<640x128xf32, #tpu.memory_space<vmem_shared>>
      %dma_start3A_16 = arith.constant 0 : i32
      %dma_start3A_17 = tpu.memref_slice %arg5[%mul3A_2, %dma_start3A_16] : memref<10240x128xf32, #tpu.memory_space<hbm>> -> memref<640x128xf32, #tpu.memory_space<hbm>>
      tpu.enqueue_dma source(%dma_start3A_17 : memref<640x128xf32, #tpu.memory_space<hbm>>) target(%dma_start3A_15 : memref<640x128xf32, #tpu.memory_space<vmem_shared>>) target_semaphore(%run_scoped3A : memref<!tpu.dma_semaphore, #tpu.memory_space<semaphore_mem>>)
      %dma_wait3A = arith.constant 0 : i32
      %dma_wait3A_18 = tpu.memref_slice %arg11[%mul3A_4, %dma_wait3A] : memref<10240x128xf32, #tpu.memory_space<vmem_shared>> -> memref<640x128xf32, #tpu.memory_space<vmem_shared>>
      %dma_wait3A_19 = arith.constant 0 : i32
      %dma_wait3A_20 = tpu.memref_slice %arg5[%mul3A_2, %dma_wait3A_19] : memref<10240x128xf32, #tpu.memory_space<hbm>> -> memref<640x128xf32, #tpu.memory_space<hbm>>
      tpu.wait_dma2 semaphore(%run_scoped3A : memref<!tpu.dma_semaphore, #tpu.memory_space<semaphore_mem>>) src(%dma_wait3A_20 : memref<640x128xf32, #tpu.memory_space<hbm>>) dst(%dma_wait3A_18 : memref<640x128xf32, #tpu.memory_space<vmem_shared>>)
      tpu.yield
    }) : () -> ()
    %barrier3A = arith.constant 0 : index
    tpu.barrier barrier_id(%barrier3A)
    %scan3A = arith.constant 0 : i32
    %scan3A_5 = arith.constant 0 : i32
    %scan3A_6 = arith.constant 10 : i32
    %scan3A_7 = arith.addi %scan3A_5, %scan3A_6 : i32
    %scan3A_8 = arith.constant 1 : i32
    scf.for %scan3A_15 = %scan3A_5 to %scan3A_7 step %scan3A_8  : i32 {
      "tpu.region"() ({
        %run_scoped3A_34 = tpu.sem_alloc : memref<!tpu.dma_semaphore, #tpu.memory_space<semaphore_mem>>
        %dma_start3A_35 = arith.constant 0 : i32
        %dma_start3A_36 = arith.constant 0 : i32
        %dma_start3A_37 = tpu.memref_slice %arg3[%add3A, %scan3A_15, %dma_start3A_35, %dma_start3A_36] : memref<32x10x25x40xi32, #tpu.memory_space<hbm>> -> memref<1x1x25x40xi32, #tpu.memory_space<hbm>>
        %dma_start3A_38 = tpu.memref_squeeze %dma_start3A_37 : memref<1x1x25x40xi32, #tpu.memory_space<hbm>> -> memref<25x40xi32, #tpu.memory_space<hbm>>
        %dma_start3A_39 = arith.constant 0 : i32
        %dma_start3A_40 = arith.constant 0 : i32
        %dma_start3A_41 = tpu.memref_slice %arg3[%add3A, %scan3A_15, %dma_start3A_39, %dma_start3A_40] : memref<32x10x25x40xi32, #tpu.memory_space<hbm>> -> memref<1x1x25x40xi32, #tpu.memory_space<hbm>>
        %dma_start3A_42 = tpu.memref_squeeze %dma_start3A_41 : memref<1x1x25x40xi32, #tpu.memory_space<hbm>> -> memref<25x40xi32, #tpu.memory_space<hbm>>
        tpu.enqueue_dma source(%dma_start3A_42 : memref<25x40xi32, #tpu.memory_space<hbm>>) target(%arg7 : memref<25x40xi32, #tpu.memory_space<vmem>>) target_semaphore(%run_scoped3A_34 : memref<!tpu.dma_semaphore, #tpu.memory_space<semaphore_mem>>)
        %dma_wait3A_43 = arith.constant 0 : i32
        %dma_wait3A_44 = arith.constant 0 : i32
        %dma_wait3A_45 = tpu.memref_slice %arg3[%add3A, %scan3A_15, %dma_wait3A_43, %dma_wait3A_44] : memref<32x10x25x40xi32, #tpu.memory_space<hbm>> -> memref<1x1x25x40xi32, #tpu.memory_space<hbm>>
        %dma_wait3A_46 = tpu.memref_squeeze %dma_wait3A_45 : memref<1x1x25x40xi32, #tpu.memory_space<hbm>> -> memref<25x40xi32, #tpu.memory_space<hbm>>
        %dma_wait3A_47 = arith.constant 0 : i32
        %dma_wait3A_48 = arith.constant 0 : i32
        %dma_wait3A_49 = tpu.memref_slice %arg3[%add3A, %scan3A_15, %dma_wait3A_47, %dma_wait3A_48] : memref<32x10x25x40xi32, #tpu.memory_space<hbm>> -> memref<1x1x25x40xi32, #tpu.memory_space<hbm>>
        %dma_wait3A_50 = tpu.memref_squeeze %dma_wait3A_49 : memref<1x1x25x40xi32, #tpu.memory_space<hbm>> -> memref<25x40xi32, #tpu.memory_space<hbm>>
        tpu.wait_dma2 semaphore(%run_scoped3A_34 : memref<!tpu.dma_semaphore, #tpu.memory_space<semaphore_mem>>) src(%dma_wait3A_50 : memref<25x40xi32, #tpu.memory_space<hbm>>) dst(%arg7 : memref<25x40xi32, #tpu.memory_space<vmem>>)
        tpu.yield
      }) : () -> ()
      "tpu.region"() ({
        %run_scoped3A_34 = tpu.sem_alloc : memref<!tpu.dma_semaphore, #tpu.memory_space<semaphore_mem>>
        %dma_start3A_35 = arith.constant 0 : i32
        %dma_start3A_36 = arith.constant 0 : i32
        %dma_start3A_37 = tpu.memref_slice %arg4[%add3A, %scan3A_15, %dma_start3A_35, %dma_start3A_36] : memref<32x10x25x40xi32, #tpu.memory_space<hbm>> -> memref<1x1x25x40xi32, #tpu.memory_space<hbm>>
        %dma_start3A_38 = tpu.memref_squeeze %dma_start3A_37 : memref<1x1x25x40xi32, #tpu.memory_space<hbm>> -> memref<25x40xi32, #tpu.memory_space<hbm>>
        %dma_start3A_39 = arith.constant 0 : i32
        %dma_start3A_40 = arith.constant 0 : i32
        %dma_start3A_41 = tpu.memref_slice %arg4[%add3A, %scan3A_15, %dma_start3A_39, %dma_start3A_40] : memref<32x10x25x40xi32, #tpu.memory_space<hbm>> -> memref<1x1x25x40xi32, #tpu.memory_space<hbm>>
        %dma_start3A_42 = tpu.memref_squeeze %dma_start3A_41 : memref<1x1x25x40xi32, #tpu.memory_space<hbm>> -> memref<25x40xi32, #tpu.memory_space<hbm>>
        tpu.enqueue_dma source(%dma_start3A_42 : memref<25x40xi32, #tpu.memory_space<hbm>>) target(%arg8 : memref<25x40xi32, #tpu.memory_space<vmem>>) target_semaphore(%run_scoped3A_34 : memref<!tpu.dma_semaphore, #tpu.memory_space<semaphore_mem>>)
        %dma_wait3A_43 = arith.constant 0 : i32
        %dma_wait3A_44 = arith.constant 0 : i32
        %dma_wait3A_45 = tpu.memref_slice %arg4[%add3A, %scan3A_15, %dma_wait3A_43, %dma_wait3A_44] : memref<32x10x25x40xi32, #tpu.memory_space<hbm>> -> memref<1x1x25x40xi32, #tpu.memory_space<hbm>>
        %dma_wait3A_46 = tpu.memref_squeeze %dma_wait3A_45 : memref<1x1x25x40xi32, #tpu.memory_space<hbm>> -> memref<25x40xi32, #tpu.memory_space<hbm>>
        %dma_wait3A_47 = arith.constant 0 : i32
        %dma_wait3A_48 = arith.constant 0 : i32
        %dma_wait3A_49 = tpu.memref_slice %arg4[%add3A, %scan3A_15, %dma_wait3A_47, %dma_wait3A_48] : memref<32x10x25x40xi32, #tpu.memory_space<hbm>> -> memref<1x1x25x40xi32, #tpu.memory_space<hbm>>
        %dma_wait3A_50 = tpu.memref_squeeze %dma_wait3A_49 : memref<1x1x25x40xi32, #tpu.memory_space<hbm>> -> memref<25x40xi32, #tpu.memory_space<hbm>>
        tpu.wait_dma2 semaphore(%run_scoped3A_34 : memref<!tpu.dma_semaphore, #tpu.memory_space<semaphore_mem>>) src(%dma_wait3A_50 : memref<25x40xi32, #tpu.memory_space<hbm>>) dst(%arg8 : memref<25x40xi32, #tpu.memory_space<vmem>>)
        tpu.yield
      }) : () -> ()
      %dma_start3A = arith.constant 0 : i32
      %dma_start3A_16 = arith.constant 0 : i32
      %dma_start3A_17 = tpu.memref_slice %arg7[%dma_start3A, %dma_start3A_16] : memref<25x40xi32, #tpu.memory_space<vmem>> -> memref<1x40xi32, #tpu.memory_space<vmem>>
      %dma_start3A_18 = tpu.memref_squeeze %dma_start3A_17 : memref<1x40xi32, #tpu.memory_space<vmem>> -> memref<40xi32, #tpu.memory_space<vmem>>
      %dma_start3A_19 = arith.constant 0 : i32
      %dma_start3A_20 = arith.constant 0 : i32
      %dma_start3A_21 = tpu.memref_slice %arg2[%dma_start3A_19, %dma_start3A_20] : memref<10240x128xf32, #tpu.memory_space<hbm>> -> memref<10240x128xf32, #tpu.memory_space<hbm>>
      tpu.enqueue_indirect_dma source(%dma_start3A_21 : memref<10240x128xf32, #tpu.memory_space<hbm>>) target(%arg9 : memref<40x128xf32, #tpu.memory_space<vmem>>) offsets(%dma_start3A_18 : memref<40xi32, #tpu.memory_space<vmem>>) semaphore(%arg12 : memref<!tpu.dma_semaphore, #tpu.memory_space<semaphore_mem>>)
      %scan3A_22 = arith.constant 0 : i32
      %scan3A_23 = arith.constant 0 : i32
      %scan3A_24 = arith.constant 12 : i32
      %scan3A_25 = arith.addi %scan3A_23, %scan3A_24 : i32
      %scan3A_26 = arith.constant 1 : i32
      scf.for %scan3A_34 = %scan3A_23 to %scan3A_25 step %scan3A_26  : i32 {
        %mul3A_35 = arith.constant 2 : i32
        %mul3A_36 = arith.muli %scan3A_34, %mul3A_35 : i32
        %add3A_37 = arith.constant 0 : i32
        %add3A_38 = arith.addi %mul3A_36, %add3A_37 : i32
        %add3A_39 = arith.constant 1 : i32
        %add3A_40 = arith.addi %add3A_38, %add3A_39 : i32
        %dma_start3A_41 = arith.constant 0 : i32
        %dma_start3A_42 = tpu.memref_slice %arg7[%add3A_40, %dma_start3A_41] : memref<25x40xi32, #tpu.memory_space<vmem>> -> memref<1x40xi32, #tpu.memory_space<vmem>>
        %dma_start3A_43 = tpu.memref_squeeze %dma_start3A_42 : memref<1x40xi32, #tpu.memory_space<vmem>> -> memref<40xi32, #tpu.memory_space<vmem>>
        %dma_start3A_44 = arith.constant 0 : i32
        %dma_start3A_45 = arith.constant 0 : i32
        %dma_start3A_46 = tpu.memref_slice %arg2[%dma_start3A_44, %dma_start3A_45] : memref<10240x128xf32, #tpu.memory_space<hbm>> -> memref<10240x128xf32, #tpu.memory_space<hbm>>
        tpu.enqueue_indirect_dma source(%dma_start3A_46 : memref<10240x128xf32, #tpu.memory_space<hbm>>) target(%arg10 : memref<40x128xf32, #tpu.memory_space<vmem>>) offsets(%dma_start3A_43 : memref<40xi32, #tpu.memory_space<vmem>>) semaphore(%arg13 : memref<!tpu.dma_semaphore, #tpu.memory_space<semaphore_mem>>)
        %dma_wait3A_47 = arith.constant 0 : i32
        %dma_wait3A_48 = tpu.memref_slice %arg7[%add3A_38, %dma_wait3A_47] : memref<25x40xi32, #tpu.memory_space<vmem>> -> memref<1x40xi32, #tpu.memory_space<vmem>>
        %dma_wait3A_49 = tpu.memref_squeeze %dma_wait3A_48 : memref<1x40xi32, #tpu.memory_space<vmem>> -> memref<40xi32, #tpu.memory_space<vmem>>
        %dma_wait3A_50 = arith.constant 0 : i32
        %dma_wait3A_51 = arith.constant 0 : i32
        %dma_wait3A_52 = tpu.memref_slice %arg2[%dma_wait3A_50, %dma_wait3A_51] : memref<10240x128xf32, #tpu.memory_space<hbm>> -> memref<10240x128xf32, #tpu.memory_space<hbm>>
        tpu.wait_indirect_dma semaphore(%arg12 : memref<!tpu.dma_semaphore, #tpu.memory_space<semaphore_mem>>) src(%dma_wait3A_52 : memref<10240x128xf32, #tpu.memory_space<hbm>>) dst(%arg9 : memref<40x128xf32, #tpu.memory_space<vmem>>)
        "tpu.region"() ({
          %run_scoped3A_71 = tpu.sem_alloc : memref<!tpu.dma_semaphore, #tpu.memory_space<semaphore_mem>>
          %dma_start3A_72 = arith.constant 0 : i32
          %dma_start3A_73 = tpu.memref_slice %arg8[%add3A_38, %dma_start3A_72] : memref<25x40xi32, #tpu.memory_space<vmem>> -> memref<1x40xi32, #tpu.memory_space<vmem>>
          %dma_start3A_74 = tpu.memref_squeeze %dma_start3A_73 : memref<1x40xi32, #tpu.memory_space<vmem>> -> memref<40xi32, #tpu.memory_space<vmem>>
          %dma_start3A_75 = arith.constant 0 : i32
          %dma_start3A_76 = arith.constant 0 : i32
          %dma_start3A_77 = tpu.memref_slice %arg11[%dma_start3A_75, %dma_start3A_76] : memref<10240x128xf32, #tpu.memory_space<vmem_shared>> -> memref<10240x128xf32, #tpu.memory_space<vmem_shared>>
          tpu.enqueue_indirect_dma source(%arg9 : memref<40x128xf32, #tpu.memory_space<vmem>>) target(%dma_start3A_77 : memref<10240x128xf32, #tpu.memory_space<vmem_shared>>) offsets(%dma_start3A_74 : memref<40xi32, #tpu.memory_space<vmem>>) semaphore(%run_scoped3A_71 : memref<!tpu.dma_semaphore, #tpu.memory_space<semaphore_mem>>) {add = true}
          %dma_wait3A_78 = arith.constant 0 : i32
          %dma_wait3A_79 = tpu.memref_slice %arg8[%add3A_38, %dma_wait3A_78] : memref<25x40xi32, #tpu.memory_space<vmem>> -> memref<1x40xi32, #tpu.memory_space<vmem>>
          %dma_wait3A_80 = tpu.memref_squeeze %dma_wait3A_79 : memref<1x40xi32, #tpu.memory_space<vmem>> -> memref<40xi32, #tpu.memory_space<vmem>>
          %dma_wait3A_81 = arith.constant 0 : i32
          %dma_wait3A_82 = arith.constant 0 : i32
          %dma_wait3A_83 = tpu.memref_slice %arg11[%dma_wait3A_81, %dma_wait3A_82] : memref<10240x128xf32, #tpu.memory_space<vmem_shared>> -> memref<10240x128xf32, #tpu.memory_space<vmem_shared>>
          tpu.wait_indirect_dma semaphore(%run_scoped3A_71 : memref<!tpu.dma_semaphore, #tpu.memory_space<semaphore_mem>>) src(%arg9 : memref<40x128xf32, #tpu.memory_space<vmem>>) dst(%dma_wait3A_83 : memref<10240x128xf32, #tpu.memory_space<vmem_shared>>)
          tpu.yield
        }) : () -> ()
        %mul3A_53 = arith.constant 2 : i32
        %mul3A_54 = arith.muli %scan3A_34, %mul3A_53 : i32
        %add3A_55 = arith.constant 1 : i32
        %add3A_56 = arith.addi %mul3A_54, %add3A_55 : i32
        %add3A_57 = arith.constant 1 : i32
        %add3A_58 = arith.addi %add3A_56, %add3A_57 : i32
        %dma_start3A_59 = arith.constant 0 : i32
        %dma_start3A_60 = tpu.memref_slice %arg7[%add3A_58, %dma_start3A_59] : memref<25x40xi32, #tpu.memory_space<vmem>> -> memref<1x40xi32, #tpu.memory_space<vmem>>
        %dma_start3A_61 = tpu.memref_squeeze %dma_start3A_60 : memref<1x40xi32, #tpu.memory_space<vmem>> -> memref<40xi32, #tpu.memory_space<vmem>>
        %dma_start3A_62 = arith.constant 0 : i32
        %dma_start3A_63 = arith.constant 0 : i32
        %dma_start3A_64 = tpu.memref_slice %arg2[%dma_start3A_62, %dma_start3A_63] : memref<10240x128xf32, #tpu.memory_space<hbm>> -> memref<10240x128xf32, #tpu.memory_space<hbm>>
        tpu.enqueue_indirect_dma source(%dma_start3A_64 : memref<10240x128xf32, #tpu.memory_space<hbm>>) target(%arg9 : memref<40x128xf32, #tpu.memory_space<vmem>>) offsets(%dma_start3A_61 : memref<40xi32, #tpu.memory_space<vmem>>) semaphore(%arg12 : memref<!tpu.dma_semaphore, #tpu.memory_space<semaphore_mem>>)
        %dma_wait3A_65 = arith.constant 0 : i32
        %dma_wait3A_66 = tpu.memref_slice %arg7[%add3A_56, %dma_wait3A_65] : memref<25x40xi32, #tpu.memory_space<vmem>> -> memref<1x40xi32, #tpu.memory_space<vmem>>
        %dma_wait3A_67 = tpu.memref_squeeze %dma_wait3A_66 : memref<1x40xi32, #tpu.memory_space<vmem>> -> memref<40xi32, #tpu.memory_space<vmem>>
        %dma_wait3A_68 = arith.constant 0 : i32
        %dma_wait3A_69 = arith.constant 0 : i32
        %dma_wait3A_70 = tpu.memref_slice %arg2[%dma_wait3A_68, %dma_wait3A_69] : memref<10240x128xf32, #tpu.memory_space<hbm>> -> memref<10240x128xf32, #tpu.memory_space<hbm>>
        tpu.wait_indirect_dma semaphore(%arg13 : memref<!tpu.dma_semaphore, #tpu.memory_space<semaphore_mem>>) src(%dma_wait3A_70 : memref<10240x128xf32, #tpu.memory_space<hbm>>) dst(%arg10 : memref<40x128xf32, #tpu.memory_space<vmem>>)
        "tpu.region"() ({
          %run_scoped3A_71 = tpu.sem_alloc : memref<!tpu.dma_semaphore, #tpu.memory_space<semaphore_mem>>
          %dma_start3A_72 = arith.constant 0 : i32
          %dma_start3A_73 = tpu.memref_slice %arg8[%add3A_56, %dma_start3A_72] : memref<25x40xi32, #tpu.memory_space<vmem>> -> memref<1x40xi32, #tpu.memory_space<vmem>>
          %dma_start3A_74 = tpu.memref_squeeze %dma_start3A_73 : memref<1x40xi32, #tpu.memory_space<vmem>> -> memref<40xi32, #tpu.memory_space<vmem>>
          %dma_start3A_75 = arith.constant 0 : i32
          %dma_start3A_76 = arith.constant 0 : i32
          %dma_start3A_77 = tpu.memref_slice %arg11[%dma_start3A_75, %dma_start3A_76] : memref<10240x128xf32, #tpu.memory_space<vmem_shared>> -> memref<10240x128xf32, #tpu.memory_space<vmem_shared>>
          tpu.enqueue_indirect_dma source(%arg10 : memref<40x128xf32, #tpu.memory_space<vmem>>) target(%dma_start3A_77 : memref<10240x128xf32, #tpu.memory_space<vmem_shared>>) offsets(%dma_start3A_74 : memref<40xi32, #tpu.memory_space<vmem>>) semaphore(%run_scoped3A_71 : memref<!tpu.dma_semaphore, #tpu.memory_space<semaphore_mem>>) {add = true}
          %dma_wait3A_78 = arith.constant 0 : i32
          %dma_wait3A_79 = tpu.memref_slice %arg8[%add3A_56, %dma_wait3A_78] : memref<25x40xi32, #tpu.memory_space<vmem>> -> memref<1x40xi32, #tpu.memory_space<vmem>>
          %dma_wait3A_80 = tpu.memref_squeeze %dma_wait3A_79 : memref<1x40xi32, #tpu.memory_space<vmem>> -> memref<40xi32, #tpu.memory_space<vmem>>
          %dma_wait3A_81 = arith.constant 0 : i32
          %dma_wait3A_82 = arith.constant 0 : i32
          %dma_wait3A_83 = tpu.memref_slice %arg11[%dma_wait3A_81, %dma_wait3A_82] : memref<10240x128xf32, #tpu.memory_space<vmem_shared>> -> memref<10240x128xf32, #tpu.memory_space<vmem_shared>>
          tpu.wait_indirect_dma semaphore(%run_scoped3A_71 : memref<!tpu.dma_semaphore, #tpu.memory_space<semaphore_mem>>) src(%arg10 : memref<40x128xf32, #tpu.memory_space<vmem>>) dst(%dma_wait3A_83 : memref<10240x128xf32, #tpu.memory_space<vmem_shared>>)
          tpu.yield
        }) : () -> ()
      }
      %scan3A_27 = arith.constant 12 : i32
      %dma_wait3A = arith.constant 24 : i32
      %dma_wait3A_28 = arith.constant 0 : i32
      %dma_wait3A_29 = tpu.memref_slice %arg7[%dma_wait3A, %dma_wait3A_28] : memref<25x40xi32, #tpu.memory_space<vmem>> -> memref<1x40xi32, #tpu.memory_space<vmem>>
      %dma_wait3A_30 = tpu.memref_squeeze %dma_wait3A_29 : memref<1x40xi32, #tpu.memory_space<vmem>> -> memref<40xi32, #tpu.memory_space<vmem>>
      %dma_wait3A_31 = arith.constant 0 : i32
      %dma_wait3A_32 = arith.constant 0 : i32
      %dma_wait3A_33 = tpu.memref_slice %arg2[%dma_wait3A_31, %dma_wait3A_32] : memref<10240x128xf32, #tpu.memory_space<hbm>> -> memref<10240x128xf32, #tpu.memory_space<hbm>>
      tpu.wait_indirect_dma semaphore(%arg12 : memref<!tpu.dma_semaphore, #tpu.memory_space<semaphore_mem>>) src(%dma_wait3A_33 : memref<10240x128xf32, #tpu.memory_space<hbm>>) dst(%arg9 : memref<40x128xf32, #tpu.memory_space<vmem>>)
      %run_scoped3A = arith.constant 24 : i32
      "tpu.region"() ({
        %run_scoped3A_34 = tpu.sem_alloc : memref<!tpu.dma_semaphore, #tpu.memory_space<semaphore_mem>>
        %dma_start3A_35 = arith.constant 0 : i32
        %dma_start3A_36 = tpu.memref_slice %arg8[%run_scoped3A, %dma_start3A_35] : memref<25x40xi32, #tpu.memory_space<vmem>> -> memref<1x40xi32, #tpu.memory_space<vmem>>
        %dma_start3A_37 = tpu.memref_squeeze %dma_start3A_36 : memref<1x40xi32, #tpu.memory_space<vmem>> -> memref<40xi32, #tpu.memory_space<vmem>>
        %dma_start3A_38 = arith.constant 0 : i32
        %dma_start3A_39 = arith.constant 0 : i32
        %dma_start3A_40 = tpu.memref_slice %arg11[%dma_start3A_38, %dma_start3A_39] : memref<10240x128xf32, #tpu.memory_space<vmem_shared>> -> memref<10240x128xf32, #tpu.memory_space<vmem_shared>>
        tpu.enqueue_indirect_dma source(%arg9 : memref<40x128xf32, #tpu.memory_space<vmem>>) target(%dma_start3A_40 : memref<10240x128xf32, #tpu.memory_space<vmem_shared>>) offsets(%dma_start3A_37 : memref<40xi32, #tpu.memory_space<vmem>>) semaphore(%run_scoped3A_34 : memref<!tpu.dma_semaphore, #tpu.memory_space<semaphore_mem>>) {add = true}
        %dma_wait3A_41 = arith.constant 0 : i32
        %dma_wait3A_42 = tpu.memref_slice %arg8[%run_scoped3A, %dma_wait3A_41] : memref<25x40xi32, #tpu.memory_space<vmem>> -> memref<1x40xi32, #tpu.memory_space<vmem>>
        %dma_wait3A_43 = tpu.memref_squeeze %dma_wait3A_42 : memref<1x40xi32, #tpu.memory_space<vmem>> -> memref<40xi32, #tpu.memory_space<vmem>>
        %dma_wait3A_44 = arith.constant 0 : i32
        %dma_wait3A_45 = arith.constant 0 : i32
        %dma_wait3A_46 = tpu.memref_slice %arg11[%dma_wait3A_44, %dma_wait3A_45] : memref<10240x128xf32, #tpu.memory_space<vmem_shared>> -> memref<10240x128xf32, #tpu.memory_space<vmem_shared>>
        tpu.wait_indirect_dma semaphore(%run_scoped3A_34 : memref<!tpu.dma_semaphore, #tpu.memory_space<semaphore_mem>>) src(%arg9 : memref<40x128xf32, #tpu.memory_space<vmem>>) dst(%dma_wait3A_46 : memref<10240x128xf32, #tpu.memory_space<vmem_shared>>)
        tpu.yield
      }) : () -> ()
    }
    %scan3A_9 = arith.constant 10 : i32
    %barrier3A_10 = arith.constant 0 : index
    tpu.barrier barrier_id(%barrier3A_10)
    %mul3A_11 = arith.constant 640 : i32
    %mul3A_12 = arith.muli %arg1, %mul3A_11 : i32
    %mul3A_13 = arith.constant 640 : i32
    %mul3A_14 = arith.muli %arg1, %mul3A_13 : i32
    "tpu.region"() ({
      %run_scoped3A = tpu.sem_alloc : memref<!tpu.dma_semaphore, #tpu.memory_space<semaphore_mem>>
      %dma_start3A = arith.constant 0 : i32
      %dma_start3A_15 = tpu.memref_slice %arg6[%arg0, %mul3A_14, %dma_start3A] : memref<2x10240x128xf32, #tpu.memory_space<hbm>> -> memref<1x640x128xf32, #tpu.memory_space<hbm>>
      %dma_start3A_16 = tpu.memref_squeeze %dma_start3A_15 : memref<1x640x128xf32, #tpu.memory_space<hbm>> -> memref<640x128xf32, #tpu.memory_space<hbm>>
      %dma_start3A_17 = arith.constant 0 : i32
      %dma_start3A_18 = tpu.memref_slice %arg11[%mul3A_12, %dma_start3A_17] : memref<10240x128xf32, #tpu.memory_space<vmem_shared>> -> memref<640x128xf32, #tpu.memory_space<vmem_shared>>
      tpu.enqueue_dma source(%dma_start3A_18 : memref<640x128xf32, #tpu.memory_space<vmem_shared>>) target(%dma_start3A_16 : memref<640x128xf32, #tpu.memory_space<hbm>>) target_semaphore(%run_scoped3A : memref<!tpu.dma_semaphore, #tpu.memory_space<semaphore_mem>>)
      %dma_wait3A = arith.constant 0 : i32
      %dma_wait3A_19 = tpu.memref_slice %arg6[%arg0, %mul3A_14, %dma_wait3A] : memref<2x10240x128xf32, #tpu.memory_space<hbm>> -> memref<1x640x128xf32, #tpu.memory_space<hbm>>
      %dma_wait3A_20 = tpu.memref_squeeze %dma_wait3A_19 : memref<1x640x128xf32, #tpu.memory_space<hbm>> -> memref<640x128xf32, #tpu.memory_space<hbm>>
      %dma_wait3A_21 = arith.constant 0 : i32
      %dma_wait3A_22 = tpu.memref_slice %arg11[%mul3A_12, %dma_wait3A_21] : memref<10240x128xf32, #tpu.memory_space<vmem_shared>> -> memref<640x128xf32, #tpu.memory_space<vmem_shared>>
      tpu.wait_dma2 semaphore(%run_scoped3A : memref<!tpu.dma_semaphore, #tpu.memory_space<semaphore_mem>>) src(%dma_wait3A_22 : memref<640x128xf32, #tpu.memory_space<vmem_shared>>) dst(%dma_wait3A_20 : memref<640x128xf32, #tpu.memory_space<hbm>>)
      tpu.yield
    }) : () -> ()
    return
  }
}

module attributes {stable_mosaic.version = 14 : i64} {
  func.func @_embed_body(%arg0: i32, %arg1: memref<2048x40xf32, #tpu.memory_space<vmem>>, %arg2: memref<40x128xf32, #tpu.memory_space<vmem>>, %arg3: memref<1x128xf32, #tpu.memory_space<vmem>>, %arg4: memref<2048x128xf32, #tpu.memory_space<vmem>>) attributes {dimension_semantics = [#tpu.dimension_semantics<arbitrary>], iteration_bounds = array<i64: 5>, scalar_prefetch = 0 : i64, scratch_operands = 0 : i64, tpu.core_type = #tpu.core_type<tc>, window_params = [{transform_indices = @transform_0, window_bounds = array<i64: 2048, 40>}, {pipeline_mode = #tpu.pipeline_mode<synchronous>, transform_indices = @transform_1, window_bounds = array<i64: 40, 128>}, {pipeline_mode = #tpu.pipeline_mode<synchronous>, transform_indices = @transform_2, window_bounds = array<i64: 1, 128>}, {transform_indices = @transform_3, window_bounds = array<i64: 2048, 128>}]} {
    %get3A = arith.constant 0 : index
    %get3A_0 = arith.constant 0 : index
    %get3A_1 = vector.load %arg1[%get3A, %get3A_0] : memref<2048x40xf32, #tpu.memory_space<vmem>>, vector<2048x40xf32>
    %get3A_2 = arith.constant 0 : index
    %get3A_3 = arith.constant 0 : index
    %get3A_4 = vector.load %arg2[%get3A_2, %get3A_3] : memref<40x128xf32, #tpu.memory_space<vmem>>, vector<40x128xf32>
    %dot_general3A = arith.constant dense<0.000000e+00> : vector<2048x128xf32>
    %dot_general3A_5 = tpu.matmul %get3A_1, %get3A_4, %dot_general3A {dimension_numbers = #tpu.dot_dimension_numbers<[1], [0], [0], [1], [0, 0, 1, 1], [], []>, transpose_lhs_hint = false} : vector<2048x40xf32>, vector<40x128xf32>, vector<2048x128xf32> -> vector<2048x128xf32>
    %get3A_6 = arith.constant 0 : index
    %get3A_7 = arith.constant 0 : index
    %get3A_8 = vector.load %arg3[%get3A_6, %get3A_7] : memref<1x128xf32, #tpu.memory_space<vmem>>, vector<1x128xf32>
    %add3A = vector.broadcast %get3A_8 : vector<1x128xf32> to vector<2048x128xf32>
    %add3A_9 = arith.addf %dot_general3A_5, %add3A : vector<2048x128xf32>
    %max3A = arith.constant 0.000000e+00 : f32
    %max3A_10 = vector.broadcast %max3A : f32 to vector<2048x128xf32>
    %max3A_11 = arith.maximumf %add3A_9, %max3A_10 : vector<2048x128xf32>
    %swap3A = arith.constant 0 : index
    %swap3A_12 = arith.constant 0 : index
    %swap3A_13 = vector.load %arg4[%swap3A, %swap3A_12] : memref<2048x128xf32, #tpu.memory_space<vmem>>, vector<2048x128xf32>
    tpu.vector_store %arg4[%swap3A, %swap3A_12], %max3A_11 {strides = array<i32>} : memref<2048x128xf32, #tpu.memory_space<vmem>>, vector<2048x128xf32>,
    return
  }
  func.func @transform_0(%arg0: i32) -> (i32, i32) {
    %c0_i32 = arith.constant 0 : i32
    %c0_i32_0 = arith.constant 0 : i32
    return %arg0, %c0_i32 : i32, i32
  }
  func.func @transform_1(%arg0: i32) -> (i32, i32) {
    %c0_i32 = arith.constant 0 : i32
    %c0_i32_0 = arith.constant 0 : i32
    %c0_i32_1 = arith.constant 0 : i32
    return %c0_i32, %c0_i32_0 : i32, i32
  }
  func.func @transform_2(%arg0: i32) -> (i32, i32) {
    %c0_i32 = arith.constant 0 : i32
    %c0_i32_0 = arith.constant 0 : i32
    %c0_i32_1 = arith.constant 0 : i32
    return %c0_i32, %c0_i32_0 : i32, i32
  }
  func.func @transform_3(%arg0: i32) -> (i32, i32) {
    %c0_i32 = arith.constant 0 : i32
    %c0_i32_0 = arith.constant 0 : i32
    return %arg0, %c0_i32 : i32, i32
  }
}

module attributes {stable_mosaic.version = 14 : i64} {
  func.func @_layer_body(%arg0: i32, %arg1: memref<2x2048x128xf32, #tpu.memory_space<vmem>>, %arg2: memref<2048x128xf32, #tpu.memory_space<vmem>>, %arg3: memref<2048x128xf32, #tpu.memory_space<vmem>>, %arg4: memref<2048x128xf32, #tpu.memory_space<vmem>>, %arg5: memref<128x128xf32, #tpu.memory_space<vmem>>, %arg6: memref<1x128xf32, #tpu.memory_space<vmem>>, %arg7: memref<128x256xf32, #tpu.memory_space<vmem>>, %arg8: memref<1x256xf32, #tpu.memory_space<vmem>>, %arg9: memref<256x128xf32, #tpu.memory_space<vmem>>, %arg10: memref<1x128xf32, #tpu.memory_space<vmem>>, %arg11: memref<2048x128xf32, #tpu.memory_space<vmem>>, %arg12: memref<8x128xf32, #tpu.memory_space<vmem>>, %arg13: memref<8x128xf32, #tpu.memory_space<vmem>>) attributes {dimension_semantics = [#tpu.dimension_semantics<arbitrary>], iteration_bounds = array<i64: 5>, scalar_prefetch = 0 : i64, scratch_operands = 0 : i64, tpu.core_type = #tpu.core_type<tc>, window_params = [{transform_indices = @transform_0, window_bounds = array<i64: 2, 2048, 128>}, {transform_indices = @transform_1, window_bounds = array<i64: 2048, 128>}, {transform_indices = @transform_2, window_bounds = array<i64: 2048, 128>}, {transform_indices = @transform_3, window_bounds = array<i64: 2048, 128>}, {pipeline_mode = #tpu.pipeline_mode<synchronous>, transform_indices = @transform_4, window_bounds = array<i64: 128, 128>}, {pipeline_mode = #tpu.pipeline_mode<synchronous>, transform_indices = @transform_5, window_bounds = array<i64: 1, 128>}, {pipeline_mode = #tpu.pipeline_mode<synchronous>, transform_indices = @transform_6, window_bounds = array<i64: 128, 256>}, {pipeline_mode = #tpu.pipeline_mode<synchronous>, transform_indices = @transform_7, window_bounds = array<i64: 1, 256>}, {pipeline_mode = #tpu.pipeline_mode<synchronous>, transform_indices = @transform_8, window_bounds = array<i64: 256, 128>}, {pipeline_mode = #tpu.pipeline_mode<synchronous>, transform_indices = @transform_9, window_bounds = array<i64: 1, 128>}, {transform_indices = @transform_10, window_bounds = array<i64: 2048, 128>}, {pipeline_mode = #tpu.pipeline_mode<synchronous>, transform_indices = @transform_11, window_bounds = array<i64: 8, 128>}, {pipeline_mode = #tpu.pipeline_mode<synchronous>, transform_indices = @transform_12, window_bounds = array<i64: 8, 128>}]} {
    %get3A = arith.constant 0 : index
    %get3A_0 = arith.constant 0 : index
    %get3A_1 = vector.load %arg3[%get3A, %get3A_0] : memref<2048x128xf32, #tpu.memory_space<vmem>>, vector<2048x128xf32>
    %get3A_2 = arith.constant 0 : index
    %get3A_3 = arith.constant 0 : index
    %get3A_4 = vector.load %arg4[%get3A_2, %get3A_3] : memref<2048x128xf32, #tpu.memory_space<vmem>>, vector<2048x128xf32>
    %add3A = arith.addf %get3A_1, %get3A_4 : vector<2048x128xf32>
    %get3A_5 = arith.constant 0 : index
    %get3A_6 = arith.constant 0 : index
    %get3A_7 = arith.constant 0 : index
    %get3A_8 = vector.load %arg1[%get3A_5, %get3A_6, %get3A_7] : memref<2x2048x128xf32, #tpu.memory_space<vmem>>, vector<2x2048x128xf32>
    %slice3A = vector.extract_strided_slice %get3A_8 {offsets = [0, 0, 0], sizes = [1, 2048, 128], strides = [1, 1, 1]} : vector<2x2048x128xf32> to vector<1x2048x128xf32>
    %squeeze3A = vector.shape_cast %slice3A : vector<1x2048x128xf32> to vector<2048x128xf32>
    %slice3A_9 = vector.extract_strided_slice %get3A_8 {offsets = [1, 0, 0], sizes = [1, 2048, 128], strides = [1, 1, 1]} : vector<2x2048x128xf32> to vector<1x2048x128xf32>
    %squeeze3A_10 = vector.shape_cast %slice3A_9 : vector<1x2048x128xf32> to vector<2048x128xf32>
    %add3A_11 = arith.addf %squeeze3A, %squeeze3A_10 : vector<2048x128xf32>
    %get3A_12 = arith.constant 0 : index
    %get3A_13 = arith.constant 0 : index
    %get3A_14 = vector.load %arg2[%get3A_12, %get3A_13] : memref<2048x128xf32, #tpu.memory_space<vmem>>, vector<2048x128xf32>
    %add3A_15 = arith.addf %add3A_11, %get3A_14 : vector<2048x128xf32>
    %get3A_16 = arith.constant 0 : index
    %get3A_17 = arith.constant 0 : index
    %get3A_18 = vector.load %arg5[%get3A_16, %get3A_17] : memref<128x128xf32, #tpu.memory_space<vmem>>, vector<128x128xf32>
    %dot_general3A = arith.constant dense<0.000000e+00> : vector<2048x128xf32>
    %dot_general3A_19 = tpu.matmul %add3A, %get3A_18, %dot_general3A {dimension_numbers = #tpu.dot_dimension_numbers<[1], [0], [0], [1], [0, 0, 1, 1], [], []>, precision = #tpu.contract_precision<fp32>, transpose_lhs_hint = false} : vector<2048x128xf32>, vector<128x128xf32>, vector<2048x128xf32> -> vector<2048x128xf32>
    %add3A_20 = arith.addf %add3A_15, %dot_general3A_19 : vector<2048x128xf32>
    %get3A_21 = arith.constant 0 : index
    %get3A_22 = arith.constant 0 : index
    %get3A_23 = vector.load %arg6[%get3A_21, %get3A_22] : memref<1x128xf32, #tpu.memory_space<vmem>>, vector<1x128xf32>
    %add3A_24 = vector.broadcast %get3A_23 : vector<1x128xf32> to vector<2048x128xf32>
    %add3A_25 = arith.addf %add3A_20, %add3A_24 : vector<2048x128xf32>
    %get3A_26 = arith.constant 0 : index
    %get3A_27 = arith.constant 0 : index
    %get3A_28 = vector.load %arg7[%get3A_26, %get3A_27] : memref<128x256xf32, #tpu.memory_space<vmem>>, vector<128x256xf32>
    %dot_general3A_29 = arith.constant dense<0.000000e+00> : vector<2048x256xf32>
    %dot_general3A_30 = tpu.matmul %add3A_25, %get3A_28, %dot_general3A_29 {dimension_numbers = #tpu.dot_dimension_numbers<[1], [0], [0], [1], [0, 0, 1, 1], [], []>, transpose_lhs_hint = false} : vector<2048x128xf32>, vector<128x256xf32>, vector<2048x256xf32> -> vector<2048x256xf32>
    %get3A_31 = arith.constant 0 : index
    %get3A_32 = arith.constant 0 : index
    %get3A_33 = vector.load %arg8[%get3A_31, %get3A_32] : memref<1x256xf32, #tpu.memory_space<vmem>>, vector<1x256xf32>
    %add3A_34 = vector.broadcast %get3A_33 : vector<1x256xf32> to vector<2048x256xf32>
    %add3A_35 = arith.addf %dot_general3A_30, %add3A_34 : vector<2048x256xf32>
    %max3A = arith.constant 0.000000e+00 : f32
    %max3A_36 = vector.broadcast %max3A : f32 to vector<2048x256xf32>
    %max3A_37 = arith.maximumf %add3A_35, %max3A_36 : vector<2048x256xf32>
    %get3A_38 = arith.constant 0 : index
    %get3A_39 = arith.constant 0 : index
    %get3A_40 = vector.load %arg9[%get3A_38, %get3A_39] : memref<256x128xf32, #tpu.memory_space<vmem>>, vector<256x128xf32>
    %dot_general3A_41 = arith.constant dense<0.000000e+00> : vector<2048x128xf32>
    %dot_general3A_42 = tpu.matmul %max3A_37, %get3A_40, %dot_general3A_41 {dimension_numbers = #tpu.dot_dimension_numbers<[1], [0], [0], [1], [0, 0, 1, 1], [], []>, transpose_lhs_hint = false} : vector<2048x256xf32>, vector<256x128xf32>, vector<2048x128xf32> -> vector<2048x128xf32>
    %get3A_43 = arith.constant 0 : index
    %get3A_44 = arith.constant 0 : index
    %get3A_45 = vector.load %arg10[%get3A_43, %get3A_44] : memref<1x128xf32, #tpu.memory_space<vmem>>, vector<1x128xf32>
    %add3A_46 = vector.broadcast %get3A_45 : vector<1x128xf32> to vector<2048x128xf32>
    %add3A_47 = arith.addf %dot_general3A_42, %add3A_46 : vector<2048x128xf32>
    %swap3A = arith.constant 0 : index
    %swap3A_48 = arith.constant 0 : index
    %swap3A_49 = vector.load %arg11[%swap3A, %swap3A_48] : memref<2048x128xf32, #tpu.memory_space<vmem>>, vector<2048x128xf32>
    tpu.vector_store %arg11[%swap3A, %swap3A_48], %add3A_47 {strides = array<i32>} : memref<2048x128xf32, #tpu.memory_space<vmem>>, vector<2048x128xf32>,
    %mul3A = arith.constant 2048 : i32
    %mul3A_50 = arith.muli %arg0, %mul3A : i32
    %iota3A = tpu.iota {dimensions = array<i32: 0>} : vector<2048x1xi32>
    %add3A_51 = vector.broadcast %mul3A_50 : i32 to vector<2048x1xi32>
    %add3A_52 = arith.addi %add3A_51, %iota3A : vector<2048x1xi32>
    %lt3A = arith.constant 10000 : i32
    %lt3A_53 = vector.broadcast %lt3A : i32 to vector<2048x1xi32>
    %lt3A_54 = arith.cmpi slt, %add3A_52, %lt3A_53 : vector<2048x1xi32>
    %jit3A = arith.constant 0.000000e+00 : f32
    %broadcast_in_dim3A = vector.shape_cast %lt3A_54 : vector<2048x1xi1> to vector<2048x1xi1>
    %broadcast_in_dim3A_55 = vector.broadcast %broadcast_in_dim3A : vector<2048x1xi1> to vector<2048x128xi1>
    %broadcast_in_dim3A_56 = vector.broadcast %jit3A : f32 to vector<2048x128xf32>
    %select_n3A = arith.select %broadcast_in_dim3A_55, %add3A_47, %broadcast_in_dim3A_56 : vector<2048x128xi1>, vector<2048x128xf32>
    %eq3A = arith.constant 0 : i32
    %eq3A_57 = arith.cmpi eq, %arg0, %eq3A : i32
    %convert_element_type3A = arith.extui %eq3A_57 : i1 to i32
    %cond3A = arith.constant 0 : i32
    %cond3A_58 = arith.cmpi ne, %convert_element_type3A, %cond3A : i32
    scf.if %cond3A_58 {
      %broadcast_in_dim3A_83 = arith.constant 0.000000e+00 : f32
      %broadcast_in_dim3A_84 = vector.broadcast %broadcast_in_dim3A_83 : f32 to vector<8x128xf32>
      %swap3A_85 = arith.constant 0 : index
      %swap3A_86 = arith.constant 0 : index
      %swap3A_87 = vector.load %arg12[%swap3A_85, %swap3A_86] : memref<8x128xf32, #tpu.memory_space<vmem>>, vector<8x128xf32>
      tpu.vector_store %arg12[%swap3A_85, %swap3A_86], %broadcast_in_dim3A_84 {strides = array<i32>} : memref<8x128xf32, #tpu.memory_space<vmem>>, vector<8x128xf32>,
      %broadcast_in_dim3A_88 = arith.constant 0.000000e+00 : f32
      %broadcast_in_dim3A_89 = vector.broadcast %broadcast_in_dim3A_88 : f32 to vector<8x128xf32>
      %swap3A_90 = arith.constant 0 : index
      %swap3A_91 = arith.constant 0 : index
      %swap3A_92 = vector.load %arg13[%swap3A_90, %swap3A_91] : memref<8x128xf32, #tpu.memory_space<vmem>>, vector<8x128xf32>
      tpu.vector_store %arg13[%swap3A_90, %swap3A_91], %broadcast_in_dim3A_89 {strides = array<i32>} : memref<8x128xf32, #tpu.memory_space<vmem>>, vector<8x128xf32>,
    } else {
    }
    %get3A_59 = arith.constant 0 : index
    %get3A_60 = arith.constant 0 : index
    %get3A_61 = vector.load %arg12[%get3A_59, %get3A_60] : memref<8x128xf32, #tpu.memory_space<vmem>>, vector<8x128xf32>
    %reduce_sum3A = arith.constant dense<0.000000e+00> : vector<128xf32>
    %reduce_sum3A_62 = vector.multi_reduction <add>, %select_n3A, %reduce_sum3A [0] : vector<2048x128xf32> to vector<128xf32>
    %broadcast_in_dim3A_63 = vector.shape_cast %reduce_sum3A_62 : vector<128xf32> to vector<1x128xf32>
    %broadcast_in_dim3A_64 = vector.shape_cast %broadcast_in_dim3A_63 : vector<1x128xf32> to vector<1x128xf32>
    %broadcast_in_dim3A_65 = vector.broadcast %broadcast_in_dim3A_64 : vector<1x128xf32> to vector<8x128xf32>
    %add3A_66 = arith.addf %get3A_61, %broadcast_in_dim3A_65 : vector<8x128xf32>
    %swap3A_67 = arith.constant 0 : index
    %swap3A_68 = arith.constant 0 : index
    %swap3A_69 = vector.load %arg12[%swap3A_67, %swap3A_68] : memref<8x128xf32, #tpu.memory_space<vmem>>, vector<8x128xf32>
    tpu.vector_store %arg12[%swap3A_67, %swap3A_68], %add3A_66 {strides = array<i32>} : memref<8x128xf32, #tpu.memory_space<vmem>>, vector<8x128xf32>,
    %get3A_70 = arith.constant 0 : index
    %get3A_71 = arith.constant 0 : index
    %get3A_72 = vector.load %arg13[%get3A_70, %get3A_71] : memref<8x128xf32, #tpu.memory_space<vmem>>, vector<8x128xf32>
    %mul3A_73 = arith.mulf %select_n3A, %select_n3A : vector<2048x128xf32>
    %reduce_sum3A_74 = arith.constant dense<0.000000e+00> : vector<128xf32>
    %reduce_sum3A_75 = vector.multi_reduction <add>, %mul3A_73, %reduce_sum3A_74 [0] : vector<2048x128xf32> to vector<128xf32>
    %broadcast_in_dim3A_76 = vector.shape_cast %reduce_sum3A_75 : vector<128xf32> to vector<1x128xf32>
    %broadcast_in_dim3A_77 = vector.shape_cast %broadcast_in_dim3A_76 : vector<1x128xf32> to vector<1x128xf32>
    %broadcast_in_dim3A_78 = vector.broadcast %broadcast_in_dim3A_77 : vector<1x128xf32> to vector<8x128xf32>
    %add3A_79 = arith.addf %get3A_72, %broadcast_in_dim3A_78 : vector<8x128xf32>
    %swap3A_80 = arith.constant 0 : index
    %swap3A_81 = arith.constant 0 : index
    %swap3A_82 = vector.load %arg13[%swap3A_80, %swap3A_81] : memref<8x128xf32, #tpu.memory_space<vmem>>, vector<8x128xf32>
    tpu.vector_store %arg13[%swap3A_80, %swap3A_81], %add3A_79 {strides = array<i32>} : memref<8x128xf32, #tpu.memory_space<vmem>>, vector<8x128xf32>,
    return
  }
  func.func @transform_0(%arg0: i32) -> (i32, i32, i32) {
    %c0_i32 = arith.constant 0 : i32
    %c0_i32_0 = arith.constant 0 : i32
    %c0_i32_1 = arith.constant 0 : i32
    return %c0_i32, %arg0, %c0_i32_0 : i32, i32, i32
  }
  func.func @transform_1(%arg0: i32) -> (i32, i32) {
    %c0_i32 = arith.constant 0 : i32
    %c0_i32_0 = arith.constant 0 : i32
    return %arg0, %c0_i32 : i32, i32
  }
  func.func @transform_2(%arg0: i32) -> (i32, i32) {
    %c0_i32 = arith.constant 0 : i32
    %c0_i32_0 = arith.constant 0 : i32
    return %arg0, %c0_i32 : i32, i32
  }
  func.func @transform_3(%arg0: i32) -> (i32, i32) {
    %c0_i32 = arith.constant 0 : i32
    %c0_i32_0 = arith.constant 0 : i32
    return %arg0, %c0_i32 : i32, i32
  }
  func.func @transform_4(%arg0: i32) -> (i32, i32) {
    %c0_i32 = arith.constant 0 : i32
    %c0_i32_0 = arith.constant 0 : i32
    %c0_i32_1 = arith.constant 0 : i32
    return %c0_i32, %c0_i32_0 : i32, i32
  }
  func.func @transform_5(%arg0: i32) -> (i32, i32) {
    %c0_i32 = arith.constant 0 : i32
    %c0_i32_0 = arith.constant 0 : i32
    %c0_i32_1 = arith.constant 0 : i32
    return %c0_i32, %c0_i32_0 : i32, i32
  }
  func.func @transform_6(%arg0: i32) -> (i32, i32) {
    %c0_i32 = arith.constant 0 : i32
    %c0_i32_0 = arith.constant 0 : i32
    %c0_i32_1 = arith.constant 0 : i32
    return %c0_i32, %c0_i32_0 : i32, i32
  }
  func.func @transform_7(%arg0: i32) -> (i32, i32) {
    %c0_i32 = arith.constant 0 : i32
    %c0_i32_0 = arith.constant 0 : i32
    %c0_i32_1 = arith.constant 0 : i32
    return %c0_i32, %c0_i32_0 : i32, i32
  }
  func.func @transform_8(%arg0: i32) -> (i32, i32) {
    %c0_i32 = arith.constant 0 : i32
    %c0_i32_0 = arith.constant 0 : i32
    %c0_i32_1 = arith.constant 0 : i32
    return %c0_i32, %c0_i32_0 : i32, i32
  }
  func.func @transform_9(%arg0: i32) -> (i32, i32) {
    %c0_i32 = arith.constant 0 : i32
    %c0_i32_0 = arith.constant 0 : i32
    %c0_i32_1 = arith.constant 0 : i32
    return %c0_i32, %c0_i32_0 : i32, i32
  }
  func.func @transform_10(%arg0: i32) -> (i32, i32) {
    %c0_i32 = arith.constant 0 : i32
    %c0_i32_0 = arith.constant 0 : i32
    return %arg0, %c0_i32 : i32, i32
  }
  func.func @transform_11(%arg0: i32) -> (i32, i32) {
    %c0_i32 = arith.constant 0 : i32
    %c0_i32_0 = arith.constant 0 : i32
    %c0_i32_1 = arith.constant 0 : i32
    return %c0_i32, %c0_i32_0 : i32, i32
  }
  func.func @transform_12(%arg0: i32) -> (i32, i32) {
    %c0_i32 = arith.constant 0 : i32
    %c0_i32_0 = arith.constant 0 : i32
    %c0_i32_1 = arith.constant 0 : i32
    return %c0_i32, %c0_i32_0 : i32, i32
  }
}

module attributes {stable_mosaic.version = 14 : i64} {
  func.func @_norm_body_relu(%arg0: i32, %arg1: memref<2048x128xf32, #tpu.memory_space<vmem>>, %arg2: memref<1x128xf32, #tpu.memory_space<vmem>>, %arg3: memref<1x128xf32, #tpu.memory_space<vmem>>, %arg4: memref<1x128xf32, #tpu.memory_space<vmem>>, %arg5: memref<1x128xf32, #tpu.memory_space<vmem>>, %arg6: memref<2048x128xf32, #tpu.memory_space<vmem>>) attributes {dimension_semantics = [#tpu.dimension_semantics<arbitrary>], iteration_bounds = array<i64: 5>, scalar_prefetch = 0 : i64, scratch_operands = 0 : i64, tpu.core_type = #tpu.core_type<tc>, window_params = [{transform_indices = @transform_0, window_bounds = array<i64: 2048, 128>}, {pipeline_mode = #tpu.pipeline_mode<synchronous>, transform_indices = @transform_1, window_bounds = array<i64: 1, 128>}, {pipeline_mode = #tpu.pipeline_mode<synchronous>, transform_indices = @transform_2, window_bounds = array<i64: 1, 128>}, {pipeline_mode = #tpu.pipeline_mode<synchronous>, transform_indices = @transform_3, window_bounds = array<i64: 1, 128>}, {pipeline_mode = #tpu.pipeline_mode<synchronous>, transform_indices = @transform_4, window_bounds = array<i64: 1, 128>}, {transform_indices = @transform_5, window_bounds = array<i64: 2048, 128>}]} {
    %get3A = arith.constant 0 : index
    %get3A_0 = arith.constant 0 : index
    %get3A_1 = vector.load %arg1[%get3A, %get3A_0] : memref<2048x128xf32, #tpu.memory_space<vmem>>, vector<2048x128xf32>
    %get3A_2 = arith.constant 0 : index
    %get3A_3 = arith.constant 0 : index
    %get3A_4 = vector.load %arg2[%get3A_2, %get3A_3] : memref<1x128xf32, #tpu.memory_space<vmem>>, vector<1x128xf32>
    %sub3A = vector.broadcast %get3A_4 : vector<1x128xf32> to vector<2048x128xf32>
    %sub3A_5 = arith.subf %get3A_1, %sub3A : vector<2048x128xf32>
    %get3A_6 = arith.constant 0 : index
    %get3A_7 = arith.constant 0 : index
    %get3A_8 = vector.load %arg3[%get3A_6, %get3A_7] : memref<1x128xf32, #tpu.memory_space<vmem>>, vector<1x128xf32>
    %div3A = vector.broadcast %get3A_8 : vector<1x128xf32> to vector<2048x128xf32>
    %div3A_9 = arith.divf %sub3A_5, %div3A : vector<2048x128xf32>
    %get3A_10 = arith.constant 0 : index
    %get3A_11 = arith.constant 0 : index
    %get3A_12 = vector.load %arg4[%get3A_10, %get3A_11] : memref<1x128xf32, #tpu.memory_space<vmem>>, vector<1x128xf32>
    %mul3A = vector.broadcast %get3A_12 : vector<1x128xf32> to vector<2048x128xf32>
    %mul3A_13 = arith.mulf %div3A_9, %mul3A : vector<2048x128xf32>
    %get3A_14 = arith.constant 0 : index
    %get3A_15 = arith.constant 0 : index
    %get3A_16 = vector.load %arg5[%get3A_14, %get3A_15] : memref<1x128xf32, #tpu.memory_space<vmem>>, vector<1x128xf32>
    %add3A = vector.broadcast %get3A_16 : vector<1x128xf32> to vector<2048x128xf32>
    %add3A_17 = arith.addf %mul3A_13, %add3A : vector<2048x128xf32>
    %max3A = arith.constant 0.000000e+00 : f32
    %max3A_18 = vector.broadcast %max3A : f32 to vector<2048x128xf32>
    %max3A_19 = arith.maximumf %add3A_17, %max3A_18 : vector<2048x128xf32>
    %swap3A = arith.constant 0 : index
    %swap3A_20 = arith.constant 0 : index
    %swap3A_21 = vector.load %arg6[%swap3A, %swap3A_20] : memref<2048x128xf32, #tpu.memory_space<vmem>>, vector<2048x128xf32>
    tpu.vector_store %arg6[%swap3A, %swap3A_20], %max3A_19 {strides = array<i32>} : memref<2048x128xf32, #tpu.memory_space<vmem>>, vector<2048x128xf32>,
    return
  }
  func.func @transform_0(%arg0: i32) -> (i32, i32) {
    %c0_i32 = arith.constant 0 : i32
    %c0_i32_0 = arith.constant 0 : i32
    return %arg0, %c0_i32 : i32, i32
  }
  func.func @transform_1(%arg0: i32) -> (i32, i32) {
    %c0_i32 = arith.constant 0 : i32
    %c0_i32_0 = arith.constant 0 : i32
    %c0_i32_1 = arith.constant 0 : i32
    return %c0_i32, %c0_i32_0 : i32, i32
  }
  func.func @transform_2(%arg0: i32) -> (i32, i32) {
    %c0_i32 = arith.constant 0 : i32
    %c0_i32_0 = arith.constant 0 : i32
    %c0_i32_1 = arith.constant 0 : i32
    return %c0_i32, %c0_i32_0 : i32, i32
  }
  func.func @transform_3(%arg0: i32) -> (i32, i32) {
    %c0_i32 = arith.constant 0 : i32
    %c0_i32_0 = arith.constant 0 : i32
    %c0_i32_1 = arith.constant 0 : i32
    return %c0_i32, %c0_i32_0 : i32, i32
  }
  func.func @transform_4(%arg0: i32) -> (i32, i32) {
    %c0_i32 = arith.constant 0 : i32
    %c0_i32_0 = arith.constant 0 : i32
    %c0_i32_1 = arith.constant 0 : i32
    return %c0_i32, %c0_i32_0 : i32, i32
  }
  func.func @transform_5(%arg0: i32) -> (i32, i32) {
    %c0_i32 = arith.constant 0 : i32
    %c0_i32_0 = arith.constant 0 : i32
    return %arg0, %c0_i32 : i32, i32
  }
}

module attributes {stable_mosaic.version = 14 : i64} {
  func.func @_solvent_body(%arg0: memref<2000x40xf32, #tpu.memory_space<vmem>>, %arg1: memref<40x128xf32, #tpu.memory_space<vmem>>, %arg2: memref<1x128xf32, #tpu.memory_space<vmem>>, %arg3: memref<128x128xf32, #tpu.memory_space<vmem>>, %arg4: memref<1x128xf32, #tpu.memory_space<vmem>>, %arg5: memref<2000x128xf32, #tpu.memory_space<vmem>>) attributes {dimension_semantics = [], scalar_prefetch = 0 : i64, scratch_operands = 0 : i64, tpu.core_type = #tpu.core_type<tc>} {
    %get3A = arith.constant 0 : index
    %get3A_0 = arith.constant 0 : index
    %get3A_1 = vector.load %arg0[%get3A, %get3A_0] : memref<2000x40xf32, #tpu.memory_space<vmem>>, vector<2000x40xf32>
    %get3A_2 = arith.constant 0 : index
    %get3A_3 = arith.constant 0 : index
    %get3A_4 = vector.load %arg1[%get3A_2, %get3A_3] : memref<40x128xf32, #tpu.memory_space<vmem>>, vector<40x128xf32>
    %dot_general3A = arith.constant dense<0.000000e+00> : vector<2000x128xf32>
    %dot_general3A_5 = tpu.matmul %get3A_1, %get3A_4, %dot_general3A {dimension_numbers = #tpu.dot_dimension_numbers<[1], [0], [0], [1], [0, 0, 1, 1], [], []>, transpose_lhs_hint = false} : vector<2000x40xf32>, vector<40x128xf32>, vector<2000x128xf32> -> vector<2000x128xf32>
    %get3A_6 = arith.constant 0 : index
    %get3A_7 = arith.constant 0 : index
    %get3A_8 = vector.load %arg2[%get3A_6, %get3A_7] : memref<1x128xf32, #tpu.memory_space<vmem>>, vector<1x128xf32>
    %add3A = vector.broadcast %get3A_8 : vector<1x128xf32> to vector<2000x128xf32>
    %add3A_9 = arith.addf %dot_general3A_5, %add3A : vector<2000x128xf32>
    %max3A = arith.constant 0.000000e+00 : f32
    %max3A_10 = vector.broadcast %max3A : f32 to vector<2000x128xf32>
    %max3A_11 = arith.maximumf %add3A_9, %max3A_10 : vector<2000x128xf32>
    %get3A_12 = arith.constant 0 : index
    %get3A_13 = arith.constant 0 : index
    %get3A_14 = vector.load %arg3[%get3A_12, %get3A_13] : memref<128x128xf32, #tpu.memory_space<vmem>>, vector<128x128xf32>
    %dot_general3A_15 = arith.constant dense<0.000000e+00> : vector<2000x128xf32>
    %dot_general3A_16 = tpu.matmul %max3A_11, %get3A_14, %dot_general3A_15 {dimension_numbers = #tpu.dot_dimension_numbers<[1], [0], [0], [1], [0, 0, 1, 1], [], []>, transpose_lhs_hint = false} : vector<2000x128xf32>, vector<128x128xf32>, vector<2000x128xf32> -> vector<2000x128xf32>
    %get3A_17 = arith.constant 0 : index
    %get3A_18 = arith.constant 0 : index
    %get3A_19 = vector.load %arg4[%get3A_17, %get3A_18] : memref<1x128xf32, #tpu.memory_space<vmem>>, vector<1x128xf32>
    %add3A_20 = vector.broadcast %get3A_19 : vector<1x128xf32> to vector<2000x128xf32>
    %add3A_21 = arith.addf %dot_general3A_16, %add3A_20 : vector<2000x128xf32>
    %swap3A = arith.constant 0 : index
    %swap3A_22 = arith.constant 0 : index
    %swap3A_23 = vector.load %arg5[%swap3A, %swap3A_22] : memref<2000x128xf32, #tpu.memory_space<vmem>>, vector<2000x128xf32>
    tpu.vector_store %arg5[%swap3A, %swap3A_22], %add3A_21 {strides = array<i32>} : memref<2000x128xf32, #tpu.memory_space<vmem>>, vector<2000x128xf32>,
    return
  }
}

module attributes {stable_mosaic.version = 14 : i64} {
  func.func @_norm_body_id(%arg0: i32, %arg1: memref<2048x128xf32, #tpu.memory_space<vmem>>, %arg2: memref<1x128xf32, #tpu.memory_space<vmem>>, %arg3: memref<1x128xf32, #tpu.memory_space<vmem>>, %arg4: memref<1x128xf32, #tpu.memory_space<vmem>>, %arg5: memref<1x128xf32, #tpu.memory_space<vmem>>, %arg6: memref<2048x128xf32, #tpu.memory_space<vmem>>) attributes {dimension_semantics = [#tpu.dimension_semantics<arbitrary>], iteration_bounds = array<i64: 5>, scalar_prefetch = 0 : i64, scratch_operands = 0 : i64, tpu.core_type = #tpu.core_type<tc>, window_params = [{transform_indices = @transform_0, window_bounds = array<i64: 2048, 128>}, {pipeline_mode = #tpu.pipeline_mode<synchronous>, transform_indices = @transform_1, window_bounds = array<i64: 1, 128>}, {pipeline_mode = #tpu.pipeline_mode<synchronous>, transform_indices = @transform_2, window_bounds = array<i64: 1, 128>}, {pipeline_mode = #tpu.pipeline_mode<synchronous>, transform_indices = @transform_3, window_bounds = array<i64: 1, 128>}, {pipeline_mode = #tpu.pipeline_mode<synchronous>, transform_indices = @transform_4, window_bounds = array<i64: 1, 128>}, {transform_indices = @transform_5, window_bounds = array<i64: 2048, 128>}]} {
    %get3A = arith.constant 0 : index
    %get3A_0 = arith.constant 0 : index
    %get3A_1 = vector.load %arg1[%get3A, %get3A_0] : memref<2048x128xf32, #tpu.memory_space<vmem>>, vector<2048x128xf32>
    %get3A_2 = arith.constant 0 : index
    %get3A_3 = arith.constant 0 : index
    %get3A_4 = vector.load %arg2[%get3A_2, %get3A_3] : memref<1x128xf32, #tpu.memory_space<vmem>>, vector<1x128xf32>
    %sub3A = vector.broadcast %get3A_4 : vector<1x128xf32> to vector<2048x128xf32>
    %sub3A_5 = arith.subf %get3A_1, %sub3A : vector<2048x128xf32>
    %get3A_6 = arith.constant 0 : index
    %get3A_7 = arith.constant 0 : index
    %get3A_8 = vector.load %arg3[%get3A_6, %get3A_7] : memref<1x128xf32, #tpu.memory_space<vmem>>, vector<1x128xf32>
    %div3A = vector.broadcast %get3A_8 : vector<1x128xf32> to vector<2048x128xf32>
    %div3A_9 = arith.divf %sub3A_5, %div3A : vector<2048x128xf32>
    %get3A_10 = arith.constant 0 : index
    %get3A_11 = arith.constant 0 : index
    %get3A_12 = vector.load %arg4[%get3A_10, %get3A_11] : memref<1x128xf32, #tpu.memory_space<vmem>>, vector<1x128xf32>
    %mul3A = vector.broadcast %get3A_12 : vector<1x128xf32> to vector<2048x128xf32>
    %mul3A_13 = arith.mulf %div3A_9, %mul3A : vector<2048x128xf32>
    %get3A_14 = arith.constant 0 : index
    %get3A_15 = arith.constant 0 : index
    %get3A_16 = vector.load %arg5[%get3A_14, %get3A_15] : memref<1x128xf32, #tpu.memory_space<vmem>>, vector<1x128xf32>
    %add3A = vector.broadcast %get3A_16 : vector<1x128xf32> to vector<2048x128xf32>
    %add3A_17 = arith.addf %mul3A_13, %add3A : vector<2048x128xf32>
    %swap3A = arith.constant 0 : index
    %swap3A_18 = arith.constant 0 : index
    %swap3A_19 = vector.load %arg6[%swap3A, %swap3A_18] : memref<2048x128xf32, #tpu.memory_space<vmem>>, vector<2048x128xf32>
    tpu.vector_store %arg6[%swap3A, %swap3A_18], %add3A_17 {strides = array<i32>} : memref<2048x128xf32, #tpu.memory_space<vmem>>, vector<2048x128xf32>,
    return
  }
  func.func @transform_0(%arg0: i32) -> (i32, i32) {
    %c0_i32 = arith.constant 0 : i32
    %c0_i32_0 = arith.constant 0 : i32
    return %arg0, %c0_i32 : i32, i32
  }
  func.func @transform_1(%arg0: i32) -> (i32, i32) {
    %c0_i32 = arith.constant 0 : i32
    %c0_i32_0 = arith.constant 0 : i32
    %c0_i32_1 = arith.constant 0 : i32
    return %c0_i32, %c0_i32_0 : i32, i32
  }
  func.func @transform_2(%arg0: i32) -> (i32, i32) {
    %c0_i32 = arith.constant 0 : i32
    %c0_i32_0 = arith.constant 0 : i32
    %c0_i32_1 = arith.constant 0 : i32
    return %c0_i32, %c0_i32_0 : i32, i32
  }
  func.func @transform_3(%arg0: i32) -> (i32, i32) {
    %c0_i32 = arith.constant 0 : i32
    %c0_i32_0 = arith.constant 0 : i32
    %c0_i32_1 = arith.constant 0 : i32
    return %c0_i32, %c0_i32_0 : i32, i32
  }
  func.func @transform_4(%arg0: i32) -> (i32, i32) {
    %c0_i32 = arith.constant 0 : i32
    %c0_i32_0 = arith.constant 0 : i32
    %c0_i32_1 = arith.constant 0 : i32
    return %c0_i32, %c0_i32_0 : i32, i32
  }
  func.func @transform_5(%arg0: i32) -> (i32, i32) {
    %c0_i32 = arith.constant 0 : i32
    %c0_i32_0 = arith.constant 0 : i32
    return %arg0, %c0_i32 : i32, i32
  }
}

module attributes {stable_mosaic.version = 14 : i64} {
  func.func @_inter_body(%arg0: i32, %arg1: memref<1024x128xf32, #tpu.memory_space<vmem>>, %arg2: memref<256x1024xf32, #tpu.memory_space<vmem>>, %arg3: memref<256x2000xf32, #tpu.memory_space<vmem>>, %arg4: memref<2000x128xf32, #tpu.memory_space<vmem>>, %arg5: memref<1x1x1024xi32, #tpu.memory_space<vmem>>, %arg6: memref<2000x128xf32, #tpu.memory_space<vmem>>, %arg7: memref<256x256xf32, #tpu.memory_space<vmem>>) attributes {dimension_semantics = [#tpu.dimension_semantics<arbitrary>], iteration_bounds = array<i64: 10>, scalar_prefetch = 0 : i64, scratch_operands = 0 : i64, tpu.core_type = #tpu.core_type<tc>, window_params = [{transform_indices = @transform_0, window_bounds = array<i64: 1024, 128>}, {transform_indices = @transform_1, window_bounds = array<i64: 256, 1024>}, {pipeline_mode = #tpu.pipeline_mode<synchronous>, transform_indices = @transform_2, window_bounds = array<i64: 256, 2000>}, {pipeline_mode = #tpu.pipeline_mode<synchronous>, transform_indices = @transform_3, window_bounds = array<i64: 2000, 128>}, {transform_indices = @transform_4, window_bounds = array<i64: 1, 1, 1024>}, {pipeline_mode = #tpu.pipeline_mode<synchronous>, transform_indices = @transform_5, window_bounds = array<i64: 2000, 128>}, {pipeline_mode = #tpu.pipeline_mode<synchronous>, transform_indices = @transform_6, window_bounds = array<i64: 256, 256>}]} {
    %get3A = arith.constant 0 : index
    %get3A_0 = arith.constant 0 : index
    %get3A_1 = vector.load %arg1[%get3A, %get3A_0] : memref<1024x128xf32, #tpu.memory_space<vmem>>, vector<1024x128xf32>
    %get3A_2 = arith.constant 0 : index
    %get3A_3 = arith.constant 0 : index
    %get3A_4 = vector.load %arg4[%get3A_2, %get3A_3] : memref<2000x128xf32, #tpu.memory_space<vmem>>, vector<2000x128xf32>
    %get3A_5 = arith.constant 0 : index
    %get3A_6 = arith.constant 0 : index
    %get3A_7 = vector.load %arg2[%get3A_5, %get3A_6] : memref<256x1024xf32, #tpu.memory_space<vmem>>, vector<256x1024xf32>
    %get3A_8 = arith.constant 0 : index
    %get3A_9 = arith.constant 0 : index
    %get3A_10 = vector.load %arg3[%get3A_8, %get3A_9] : memref<256x2000xf32, #tpu.memory_space<vmem>>, vector<256x2000xf32>
    %dot_general3A = arith.constant dense<0.000000e+00> : vector<1024x2000xf32>
    %dot_general3A_11 = tpu.matmul %get3A_7, %get3A_10, %dot_general3A {dimension_numbers = #tpu.dot_dimension_numbers<[0], [0], [1], [1], [0, 1, 1, 1], [], []>, transpose_lhs_hint = false} : vector<256x1024xf32>, vector<256x2000xf32>, vector<1024x2000xf32> -> vector<1024x2000xf32>
    %dot_general3A_12 = arith.constant dense<0.000000e+00> : vector<1024x2000xf32>
    %dot_general3A_13 = tpu.matmul %get3A_1, %get3A_4, %dot_general3A_12 {dimension_numbers = #tpu.dot_dimension_numbers<[1], [1], [0], [0], [0, 0, 1, 0], [], []>, transpose_lhs_hint = false} : vector<1024x128xf32>, vector<2000x128xf32>, vector<1024x2000xf32> -> vector<1024x2000xf32>
    %tanh3A = math.tanh %dot_general3A_13 : vector<1024x2000xf32>
    %mul3A = arith.mulf %tanh3A, %dot_general3A_11 : vector<1024x2000xf32>
    %dot_general3A_14 = arith.constant dense<0.000000e+00> : vector<1024x128xf32>
    %dot_general3A_15 = tpu.matmul %mul3A, %get3A_4, %dot_general3A_14 {dimension_numbers = #tpu.dot_dimension_numbers<[1], [0], [0], [1], [0, 0, 1, 1], [], []>, transpose_lhs_hint = false} : vector<1024x2000xf32>, vector<2000x128xf32>, vector<1024x128xf32> -> vector<1024x128xf32>
    %dot_general3A_16 = arith.constant dense<0.000000e+00> : vector<2000x128xf32>
    %dot_general3A_17 = tpu.matmul %mul3A, %get3A_1, %dot_general3A_16 {dimension_numbers = #tpu.dot_dimension_numbers<[0], [0], [1], [1], [0, 1, 1, 1], [], []>, transpose_lhs_hint = false} : vector<1024x2000xf32>, vector<1024x128xf32>, vector<2000x128xf32> -> vector<2000x128xf32>
    %get3A_18 = arith.constant 0 : index
    %get3A_19 = arith.constant 0 : index
    %get3A_20 = arith.constant 0 : index
    %get3A_21 = vector.load %arg5[%get3A_18, %get3A_19, %get3A_20] : memref<1x1x1024xi32, #tpu.memory_space<vmem>>, vector<1x1x1024xi32>
    %get3A_22 = vector.shape_cast %get3A_21 : vector<1x1x1024xi32> to vector<1024xi32>
    %iota3A = tpu.iota {dimensions = array<i32: 0>} : vector<256x1024xi32>
    %broadcast_in_dim3A = vector.shape_cast %get3A_22 : vector<1024xi32> to vector<1x1024xi32>
    %eq3A = vector.broadcast %broadcast_in_dim3A : vector<1x1024xi32> to vector<256x1024xi32>
    %eq3A_23 = arith.cmpi eq, %iota3A, %eq3A : vector<256x1024xi32>
    %convert_element_type3A = arith.extui %eq3A_23 : vector<256x1024xi1> to vector<256x1024xi32>
    %convert_element_type3A_24 = arith.sitofp %convert_element_type3A : vector<256x1024xi32> to vector<256x1024xf32>
    %dot_general3A_25 = arith.constant dense<0.000000e+00> : vector<256x128xf32>
    %dot_general3A_26 = tpu.matmul %convert_element_type3A_24, %get3A_1, %dot_general3A_25 {dimension_numbers = #tpu.dot_dimension_numbers<[1], [0], [0], [1], [0, 0, 1, 1], [], []>, precision = #tpu.contract_precision<fp32>, transpose_lhs_hint = false} : vector<256x1024xf32>, vector<1024x128xf32>, vector<256x128xf32> -> vector<256x128xf32>
    %dot_general3A_27 = arith.constant dense<0.000000e+00> : vector<256x128xf32>
    %dot_general3A_28 = tpu.matmul %convert_element_type3A_24, %dot_general3A_15, %dot_general3A_27 {dimension_numbers = #tpu.dot_dimension_numbers<[1], [0], [0], [1], [0, 0, 1, 1], [], []>, precision = #tpu.contract_precision<fp32>, transpose_lhs_hint = false} : vector<256x1024xf32>, vector<1024x128xf32>, vector<256x128xf32> -> vector<256x128xf32>
    %concatenate3A = tpu.concatenate %dot_general3A_26, %dot_general3A_28 in 1 : vector<256x128xf32>, vector<256x128xf32> -> vector<256x256xf32>
    %eq3A_29 = arith.constant 0 : i32
    %eq3A_30 = arith.cmpi eq, %arg0, %eq3A_29 : i32
    %convert_element_type3A_31 = arith.extui %eq3A_30 : i1 to i32
    %cond3A = arith.constant 0 : i32
    %cond3A_32 = arith.cmpi ne, %convert_element_type3A_31, %cond3A : i32
    scf.if %cond3A_32 {
      %broadcast_in_dim3A_45 = arith.constant 0.000000e+00 : f32
      %broadcast_in_dim3A_46 = vector.broadcast %broadcast_in_dim3A_45 : f32 to vector<2000x128xf32>
      %swap3A_47 = arith.constant 0 : index
      %swap3A_48 = arith.constant 0 : index
      %swap3A_49 = vector.load %arg6[%swap3A_47, %swap3A_48] : memref<2000x128xf32, #tpu.memory_space<vmem>>, vector<2000x128xf32>
      tpu.vector_store %arg6[%swap3A_47, %swap3A_48], %broadcast_in_dim3A_46 {strides = array<i32>} : memref<2000x128xf32, #tpu.memory_space<vmem>>, vector<2000x128xf32>,
      %broadcast_in_dim3A_50 = arith.constant 0.000000e+00 : f32
      %broadcast_in_dim3A_51 = vector.broadcast %broadcast_in_dim3A_50 : f32 to vector<256x256xf32>
      %swap3A_52 = arith.constant 0 : index
      %swap3A_53 = arith.constant 0 : index
      %swap3A_54 = vector.load %arg7[%swap3A_52, %swap3A_53] : memref<256x256xf32, #tpu.memory_space<vmem>>, vector<256x256xf32>
      tpu.vector_store %arg7[%swap3A_52, %swap3A_53], %broadcast_in_dim3A_51 {strides = array<i32>} : memref<256x256xf32, #tpu.memory_space<vmem>>, vector<256x256xf32>,
    } else {
    }
    %get3A_33 = arith.constant 0 : index
    %get3A_34 = arith.constant 0 : index
    %get3A_35 = vector.load %arg6[%get3A_33, %get3A_34] : memref<2000x128xf32, #tpu.memory_space<vmem>>, vector<2000x128xf32>
    %add3A = arith.addf %get3A_35, %dot_general3A_17 : vector<2000x128xf32>
    %swap3A = arith.constant 0 : index
    %swap3A_36 = arith.constant 0 : index
    %swap3A_37 = vector.load %arg6[%swap3A, %swap3A_36] : memref<2000x128xf32, #tpu.memory_space<vmem>>, vector<2000x128xf32>
    tpu.vector_store %arg6[%swap3A, %swap3A_36], %add3A {strides = array<i32>} : memref<2000x128xf32, #tpu.memory_space<vmem>>, vector<2000x128xf32>,
    %get3A_38 = arith.constant 0 : index
    %get3A_39 = arith.constant 0 : index
    %get3A_40 = vector.load %arg7[%get3A_38, %get3A_39] : memref<256x256xf32, #tpu.memory_space<vmem>>, vector<256x256xf32>
    %add3A_41 = arith.addf %get3A_40, %concatenate3A : vector<256x256xf32>
    %swap3A_42 = arith.constant 0 : index
    %swap3A_43 = arith.constant 0 : index
    %swap3A_44 = vector.load %arg7[%swap3A_42, %swap3A_43] : memref<256x256xf32, #tpu.memory_space<vmem>>, vector<256x256xf32>
    tpu.vector_store %arg7[%swap3A_42, %swap3A_43], %add3A_41 {strides = array<i32>} : memref<256x256xf32, #tpu.memory_space<vmem>>, vector<256x256xf32>,
    return
  }
  func.func @transform_0(%arg0: i32) -> (i32, i32) {
    %c0_i32 = arith.constant 0 : i32
    %c0_i32_0 = arith.constant 0 : i32
    return %arg0, %c0_i32 : i32, i32
  }
  func.func @transform_1(%arg0: i32) -> (i32, i32) {
    %c0_i32 = arith.constant 0 : i32
    %c0_i32_0 = arith.constant 0 : i32
    return %c0_i32, %arg0 : i32, i32
  }
  func.func @transform_2(%arg0: i32) -> (i32, i32) {
    %c0_i32 = arith.constant 0 : i32
    %c0_i32_0 = arith.constant 0 : i32
    %c0_i32_1 = arith.constant 0 : i32
    return %c0_i32, %c0_i32_0 : i32, i32
  }
  func.func @transform_3(%arg0: i32) -> (i32, i32) {
    %c0_i32 = arith.constant 0 : i32
    %c0_i32_0 = arith.constant 0 : i32
    %c0_i32_1 = arith.constant 0 : i32
    return %c0_i32, %c0_i32_0 : i32, i32
  }
  func.func @transform_4(%arg0: i32) -> (i32, i32, i32) {
    %c0_i32 = arith.constant 0 : i32
    %c0_i32_0 = arith.constant 0 : i32
    %c0_i32_1 = arith.constant 0 : i32
    return %arg0, %c0_i32, %c0_i32_0 : i32, i32, i32
  }
  func.func @transform_5(%arg0: i32) -> (i32, i32) {
    %c0_i32 = arith.constant 0 : i32
    %c0_i32_0 = arith.constant 0 : i32
    %c0_i32_1 = arith.constant 0 : i32
    return %c0_i32, %c0_i32_0 : i32, i32
  }
  func.func @transform_6(%arg0: i32) -> (i32, i32) {
    %c0_i32 = arith.constant 0 : i32
    %c0_i32_0 = arith.constant 0 : i32
    %c0_i32_1 = arith.constant 0 : i32
    return %c0_i32, %c0_i32_0 : i32, i32
  }
}

module attributes {stable_mosaic.version = 14 : i64} {
  func.func @_final_body(%arg0: memref<256x256xf32, #tpu.memory_space<vmem>>, %arg1: memref<2000x128xf32, #tpu.memory_space<vmem>>, %arg2: memref<2000x128xf32, #tpu.memory_space<vmem>>, %arg3: memref<1x1x2000xi32, #tpu.memory_space<vmem>>, %arg4: memref<768x128xf32, #tpu.memory_space<vmem>>, %arg5: memref<1x128xf32, #tpu.memory_space<vmem>>, %arg6: memref<128x64xf32, #tpu.memory_space<vmem>>, %arg7: memref<1x64xf32, #tpu.memory_space<vmem>>, %arg8: memref<64x32xf32, #tpu.memory_space<vmem>>, %arg9: memref<1x32xf32, #tpu.memory_space<vmem>>, %arg10: memref<32x1xf32, #tpu.memory_space<vmem>>, %arg11: memref<1x1xf32, #tpu.memory_space<vmem>>, %arg12: memref<256x1xf32, #tpu.memory_space<vmem>>) attributes {dimension_semantics = [], scalar_prefetch = 0 : i64, scratch_operands = 0 : i64, tpu.core_type = #tpu.core_type<tc>} {
    %get3A = arith.constant 0 : index
    %get3A_0 = arith.constant 0 : index
    %get3A_1 = arith.constant 0 : index
    %get3A_2 = vector.load %arg3[%get3A, %get3A_0, %get3A_1] : memref<1x1x2000xi32, #tpu.memory_space<vmem>>, vector<1x1x2000xi32>
    %get3A_3 = vector.shape_cast %get3A_2 : vector<1x1x2000xi32> to vector<2000xi32>
    %iota3A = tpu.iota {dimensions = array<i32: 0>} : vector<256x2000xi32>
    %broadcast_in_dim3A = vector.shape_cast %get3A_3 : vector<2000xi32> to vector<1x2000xi32>
    %eq3A = vector.broadcast %broadcast_in_dim3A : vector<1x2000xi32> to vector<256x2000xi32>
    %eq3A_4 = arith.cmpi eq, %iota3A, %eq3A : vector<256x2000xi32>
    %convert_element_type3A = arith.extui %eq3A_4 : vector<256x2000xi1> to vector<256x2000xi32>
    %convert_element_type3A_5 = arith.sitofp %convert_element_type3A : vector<256x2000xi32> to vector<256x2000xf32>
    %get3A_6 = arith.constant 0 : index
    %get3A_7 = arith.constant 0 : index
    %get3A_8 = vector.load %arg1[%get3A_6, %get3A_7] : memref<2000x128xf32, #tpu.memory_space<vmem>>, vector<2000x128xf32>
    %dot_general3A = arith.constant dense<0.000000e+00> : vector<256x128xf32>
    %dot_general3A_9 = tpu.matmul %convert_element_type3A_5, %get3A_8, %dot_general3A {dimension_numbers = #tpu.dot_dimension_numbers<[1], [0], [0], [1], [0, 0, 1, 1], [], []>, precision = #tpu.contract_precision<fp32>, transpose_lhs_hint = false} : vector<256x2000xf32>, vector<2000x128xf32>, vector<256x128xf32> -> vector<256x128xf32>
    %get3A_10 = arith.constant 0 : index
    %get3A_11 = arith.constant 0 : index
    %get3A_12 = vector.load %arg2[%get3A_10, %get3A_11] : memref<2000x128xf32, #tpu.memory_space<vmem>>, vector<2000x128xf32>
    %dot_general3A_13 = arith.constant dense<0.000000e+00> : vector<256x128xf32>
    %dot_general3A_14 = tpu.matmul %convert_element_type3A_5, %get3A_12, %dot_general3A_13 {dimension_numbers = #tpu.dot_dimension_numbers<[1], [0], [0], [1], [0, 0, 1, 1], [], []>, precision = #tpu.contract_precision<fp32>, transpose_lhs_hint = false} : vector<256x2000xf32>, vector<2000x128xf32>, vector<256x128xf32> -> vector<256x128xf32>
    %concatenate3A = tpu.concatenate %dot_general3A_9, %dot_general3A_14 in 1 : vector<256x128xf32>, vector<256x128xf32> -> vector<256x256xf32>
    %get3A_15 = arith.constant 0 : index
    %get3A_16 = arith.constant 0 : index
    %get3A_17 = vector.load %arg0[%get3A_15, %get3A_16] : memref<256x256xf32, #tpu.memory_space<vmem>>, vector<256x256xf32>
    %mul3A = arith.mulf %get3A_17, %concatenate3A : vector<256x256xf32>
    %concatenate3A_18 = tpu.concatenate %get3A_17, %concatenate3A, %mul3A in 1 : vector<256x256xf32>, vector<256x256xf32>, vector<256x256xf32> -> vector<256x768xf32>
    %get3A_19 = arith.constant 0 : index
    %get3A_20 = arith.constant 0 : index
    %get3A_21 = vector.load %arg4[%get3A_19, %get3A_20] : memref<768x128xf32, #tpu.memory_space<vmem>>, vector<768x128xf32>
    %dot_general3A_22 = arith.constant dense<0.000000e+00> : vector<256x128xf32>
    %dot_general3A_23 = tpu.matmul %concatenate3A_18, %get3A_21, %dot_general3A_22 {dimension_numbers = #tpu.dot_dimension_numbers<[1], [0], [0], [1], [0, 0, 1, 1], [], []>, transpose_lhs_hint = false} : vector<256x768xf32>, vector<768x128xf32>, vector<256x128xf32> -> vector<256x128xf32>
    %get3A_24 = arith.constant 0 : index
    %get3A_25 = arith.constant 0 : index
    %get3A_26 = vector.load %arg5[%get3A_24, %get3A_25] : memref<1x128xf32, #tpu.memory_space<vmem>>, vector<1x128xf32>
    %add3A = vector.broadcast %get3A_26 : vector<1x128xf32> to vector<256x128xf32>
    %add3A_27 = arith.addf %dot_general3A_23, %add3A : vector<256x128xf32>
    %max3A = arith.constant 0.000000e+00 : f32
    %max3A_28 = vector.broadcast %max3A : f32 to vector<256x128xf32>
    %max3A_29 = arith.maximumf %add3A_27, %max3A_28 : vector<256x128xf32>
    %get3A_30 = arith.constant 0 : index
    %get3A_31 = arith.constant 0 : index
    %get3A_32 = vector.load %arg6[%get3A_30, %get3A_31] : memref<128x64xf32, #tpu.memory_space<vmem>>, vector<128x64xf32>
    %dot_general3A_33 = arith.constant dense<0.000000e+00> : vector<256x64xf32>
    %dot_general3A_34 = tpu.matmul %max3A_29, %get3A_32, %dot_general3A_33 {dimension_numbers = #tpu.dot_dimension_numbers<[1], [0], [0], [1], [0, 0, 1, 1], [], []>, transpose_lhs_hint = false} : vector<256x128xf32>, vector<128x64xf32>, vector<256x64xf32> -> vector<256x64xf32>
    %get3A_35 = arith.constant 0 : index
    %get3A_36 = arith.constant 0 : index
    %get3A_37 = vector.load %arg7[%get3A_35, %get3A_36] : memref<1x64xf32, #tpu.memory_space<vmem>>, vector<1x64xf32>
    %add3A_38 = vector.broadcast %get3A_37 : vector<1x64xf32> to vector<256x64xf32>
    %add3A_39 = arith.addf %dot_general3A_34, %add3A_38 : vector<256x64xf32>
    %max3A_40 = arith.constant 0.000000e+00 : f32
    %max3A_41 = vector.broadcast %max3A_40 : f32 to vector<256x64xf32>
    %max3A_42 = arith.maximumf %add3A_39, %max3A_41 : vector<256x64xf32>
    %get3A_43 = arith.constant 0 : index
    %get3A_44 = arith.constant 0 : index
    %get3A_45 = vector.load %arg8[%get3A_43, %get3A_44] : memref<64x32xf32, #tpu.memory_space<vmem>>, vector<64x32xf32>
    %dot_general3A_46 = arith.constant dense<0.000000e+00> : vector<256x32xf32>
    %dot_general3A_47 = tpu.matmul %max3A_42, %get3A_45, %dot_general3A_46 {dimension_numbers = #tpu.dot_dimension_numbers<[1], [0], [0], [1], [0, 0, 1, 1], [], []>, transpose_lhs_hint = false} : vector<256x64xf32>, vector<64x32xf32>, vector<256x32xf32> -> vector<256x32xf32>
    %get3A_48 = arith.constant 0 : index
    %get3A_49 = arith.constant 0 : index
    %get3A_50 = vector.load %arg9[%get3A_48, %get3A_49] : memref<1x32xf32, #tpu.memory_space<vmem>>, vector<1x32xf32>
    %add3A_51 = vector.broadcast %get3A_50 : vector<1x32xf32> to vector<256x32xf32>
    %add3A_52 = arith.addf %dot_general3A_47, %add3A_51 : vector<256x32xf32>
    %max3A_53 = arith.constant 0.000000e+00 : f32
    %max3A_54 = vector.broadcast %max3A_53 : f32 to vector<256x32xf32>
    %max3A_55 = arith.maximumf %add3A_52, %max3A_54 : vector<256x32xf32>
    %get3A_56 = arith.constant 0 : index
    %get3A_57 = arith.constant 0 : index
    %get3A_58 = vector.load %arg10[%get3A_56, %get3A_57] : memref<32x1xf32, #tpu.memory_space<vmem>>, vector<32x1xf32>
    %dot_general3A_59 = arith.constant dense<0.000000e+00> : vector<256x1xf32>
    %dot_general3A_60 = tpu.matmul %max3A_55, %get3A_58, %dot_general3A_59 {dimension_numbers = #tpu.dot_dimension_numbers<[1], [0], [0], [1], [0, 0, 1, 1], [], []>, transpose_lhs_hint = false} : vector<256x32xf32>, vector<32x1xf32>, vector<256x1xf32> -> vector<256x1xf32>
    %get3A_61 = arith.constant 0 : index
    %get3A_62 = arith.constant 0 : index
    %get3A_63 = vector.load %arg11[%get3A_61, %get3A_62] : memref<1x1xf32, #tpu.memory_space<vmem>>, vector<1x1xf32>
    %add3A_64 = vector.broadcast %get3A_63 : vector<1x1xf32> to vector<256x1xf32>
    %add3A_65 = arith.addf %dot_general3A_60, %add3A_64 : vector<256x1xf32>
    %swap3A = arith.constant 0 : index
    %swap3A_66 = arith.constant 0 : index
    %swap3A_67 = vector.load %arg12[%swap3A, %swap3A_66] : memref<256x1xf32, #tpu.memory_space<vmem>>, vector<256x1xf32>
    tpu.vector_store %arg12[%swap3A, %swap3A_66], %add3A_65 {strides = array<i32>} : memref<256x1xf32, #tpu.memory_space<vmem>>, vector<256x1xf32>,
    return
  }
}

</mosaic_0001>

<sc_bundles>
// kernel: kernel.16.cloned.1.call-start
scs
__scs_entry_jumppad:
0x0: {  	(pc) =	sbr.rel $0x88, $3  }
0x1: {  	(tag) =	ssettag $0x0;
	lr =	simm.s32 $0x1  }
0x2: {  	[smem:$0x3F73] =	sst lr;
	_ =	strace $0xD0000000  }
0x3: {  	_ = 	snop  }
0x4: {  	_ = 	snop  }
0x5: {  	_ = 	snop  }
0x6: {  	_ = 	snop  }
0x7: {  	_ = 	snop  }
__scs_overlays_trampoline_lowered:
0x8: {  	[smem:$0x3F82] =	sst s0  }
0x9: {  	[smem:$0x3F83] =	sst s1  }
0xa: {  	[smem:$0x3F84] =	sst s2  }
0xb: {  	[smem:$0x3F85] =	sst s3  }
0xc: {  	[smem:$0x3F86] =	sst s4  }
0xd: {  	[smem:$0x3F87] =	sst s5  }
0xe: {  	[smem:$0x3F88] =	sst s6  }
0xf: {  	[smem:$0x3F89] =	sst s7  }
0x10: {  	[smem:$0x3F8A] =	sst s8  }
0x11: {  	[smem:$0x3F8B] =	sst s9;
	s0 =	simm.s32 @!p0 $0x0  }
0x12: {  	s1 =	sld [smem:$0x3F71];
	s0 =	simm.s32 @p0 $0x1  }
0x13: {  	[smem:$0x3F8C] =	sst s0;
	s0 =	simm.s32 @!p1 $0x0  }
0x14: {  	s2 =	sld [smem:$0x3F70];
	s0 =	simm.s32 @p1 $0x1  }
0x15: {  	[smem:$0x3F8D] =	sst s0;
	s0 =	simm.s32 @!p2 $0x0  }
0x16: {  	s3 =	sld [smem:$0x3FDB];
	s0 =	simm.s32 @p2 $0x1  }
0x17: {  	s4 =	simm.s32 $0x1BF5;
	[smem:$0x3F8F] =	sst s0  }
0x18: {  	s0 =	sld [smem:$0x3F72];
	_ =	swait.ge [sflag:s4], $0x0  }
0x19: {  	s7 =	sld [smem:$0x3F73]  }
0x1a: {  	s8 =	sadd.s32 $0xFFFFE003, lr  }
0x1b: {  	s9 =	sadd.s32 $0xFFFFFEF7, lr;
	s5 =	simm.s32 $0xFFFFFFFF;
	p2 =	slt.u32 s8, $0xFFFFF086  }
0x1c: {  	p1 =	slt.u32 s9, $0xF7A;
	s5 =	simm.s32 @!p2 $0x0  }
0x1d: {  	s5 =	simm.s32 @p1 $0x1;
	p0 =	seq.s32 s7, s2  }
0x1e: {  	s7 =	smul.u32 @!p0 $0xF7A, s2;
	p2 =	seq.s32 @!p0 s5, $0x0  }
0x1f: {  	s9 =	smul.u32 $0xF7A, s1;
	s8 =	simm.s32 @!p0 $0x1BF5;
	p2 =	por !p2, p0  }
0x20: {  	[sflag:s8] =	ssyncset.s32 @!p0 $0xFFFFF086;
	s6 =	sadd.s32 @!p0 s3, s7;
	s7 =	simm.s32 @!p0 $0x108  }
0x21: {  	s3 =	sadd.s32 s3, s9;
	s6 =	sadd.s32 @!p0 $0x88, s6;
	s7 =	simm.s32 @p2 $0x1082  }
0x22: {  	[simem:s7], [sflag:s8] =	dma.local @!p0 [hbm:s6], $0xF7A  }
0x23: {  	s9 =	sor.u32 $0xD0000000, s2;
	s6 =	simm.s32 $0x108;
	_ =	swait.ge @!p0 [sflag:s8], $0x0  }
0x24: {  	s3 =	sadd.s32 $0x88, s3;
	s6 =	simm.s32 @!p1 $0x1082;
	[sflag:s4] =	ssyncset.s32 $0xFFFFF086  }
0x25: {  	[simem:s6], [sflag:s4] =	dma.local [hbm:s3], $0xF7A  }
0x26: {  	[smem:$0x3F73] =	sst s1;
	(tag) =	ssettag s2;
	_ =	strace s9  }
0x27: {  	s1 =	sld [smem:$0x3F83]  }
0x28: {  	s2 =	sld [smem:$0x3F84]  }
0x29: {  	s4 =	sld [smem:$0x3F86]  }
0x2a: {  	p0 =	seq.s32 s5, $0x0;
	s5 =	sld [smem:$0x3F87]  }
0x2b: {  	s6 =	sld [smem:$0x3F88]  }
0x2c: {  	s7 =	sld [smem:$0x3F89]  }
0x2d: {  	s3 =	simm.s32 $0x108;
	s8 =	sld [smem:$0x3F8A]  }
0x2e: {  	s3 =	simm.s32 @!p0 $0x1082;
	s9 =	sld [smem:$0x3F8B]  }
0x2f: {  	lr =	sadd.s32 s0, s3;
	s0 =	sld [smem:$0x3F82]  }
0x30: {  	s3 =	sld [smem:$0x3F85]  }
0x31: {  	[smem:$0x3F8E] =	sst s10  }
0x32: {  	s10 =	sld [smem:$0x3F8C];
	_ =	sdelay $0x3  }
0x33: {  	p0 =	seq.s32 s10, $0x1;
	s10 =	sld [smem:$0x3F8E];
	_ =	sdelay $0x3  }
0x34: {  	[smem:$0x3F8E] =	sst s10  }
0x35: {  	s10 =	sld [smem:$0x3F8D];
	_ =	sdelay $0x3  }
0x36: {  	p1 =	seq.s32 s10, $0x1;
	s10 =	sld [smem:$0x3F8E];
	_ =	sdelay $0x3  }
0x37: {  	[smem:$0x3F8E] =	sst s10  }
0x38: {  	s10 =	sld [smem:$0x3F8F]  }
0x39: {  	_ = 	snop;
	(pc) =	sbr.ind lr, $3  }
0x3a: {  	_ = 	snop  }
0x3b: {  	_ = 	snop  }
0x3c: {  	p2 =	seq.s32 s10, $0x1;
	s10 =	sld [smem:$0x3F8E]  }
0x3d: {  	_ =	shalt  }
0x3e: {  	_ =	shalt  }
0x3f: {  	_ =	shalt  }
0x40: {  	_ =	shalt  }
0x41: {  	_ =	shalt  }
0x42: {  	_ =	shalt  }
0x43: {  	_ =	shalt  }
0x44: {  	_ =	shalt  }
0x45: {  	_ =	shalt  }
0x46: {  	_ =	shalt  }
0x47: {  	_ =	shalt  }
0x48: {  	_ =	shalt  }
0x49: {  	_ =	shalt  }
0x4a: {  	_ =	shalt  }
0x4b: {  	_ =	shalt  }
0x4c: {  	_ =	shalt  }
0x4d: {  	_ =	shalt  }
0x4e: {  	_ =	shalt  }
0x4f: {  	_ =	shalt  }
0x50: {  	_ =	shalt  }
0x51: {  	_ =	shalt  }
0x52: {  	_ =	shalt  }
0x53: {  	_ =	shalt  }
0x54: {  	_ =	shalt  }
0x55: {  	_ =	shalt  }
0x56: {  	_ =	shalt  }
0x57: {  	_ =	shalt  }
0x58: {  	_ =	shalt  }
0x59: {  	_ =	shalt  }
0x5a: {  	_ =	shalt  }
0x5b: {  	_ =	shalt  }
0x5c: {  	_ =	shalt  }
0x5d: {  	_ =	shalt  }
0x5e: {  	_ =	shalt  }
0x5f: {  	_ =	shalt  }
0x60: {  	_ =	shalt  }
0x61: {  	_ =	shalt  }
0x62: {  	_ =	shalt  }
0x63: {  	_ =	shalt  }
0x64: {  	_ =	shalt  }
0x65: {  	_ =	shalt  }
0x66: {  	_ =	shalt  }
0x67: {  	_ =	shalt  }
0x68: {  	_ =	shalt  }
0x69: {  	_ =	shalt  }
0x6a: {  	_ =	shalt  }
0x6b: {  	_ =	shalt  }
0x6c: {  	_ =	shalt  }
0x6d: {  	_ =	shalt  }
0x6e: {  	_ =	shalt  }
0x6f: {  	_ =	shalt  }
0x70: {  	_ =	shalt  }
0x71: {  	_ =	shalt  }
0x72: {  	_ =	shalt  }
0x73: {  	_ =	shalt  }
0x74: {  	_ =	shalt  }
0x75: {  	_ =	shalt  }
0x76: {  	_ =	shalt  }
0x77: {  	_ =	shalt  }
0x78: {  	_ =	shalt  }
0x79: {  	_ =	shalt  }
0x7a: {  	_ =	shalt  }
0x7b: {  	_ =	shalt  }
0x7c: {  	_ =	shalt  }
0x7d: {  	_ =	shalt  }
0x7e: {  	_ =	shalt  }
0x7f: {  	_ =	shalt  }
0x80: {  	_ =	shalt  }
0x81: {  	_ =	shalt  }
0x82: {  	_ =	shalt  }
0x83: {  	_ =	shalt  }
0x84: {  	_ =	shalt  }
0x85: {  	_ =	shalt  }
0x86: {  	_ =	shalt  }
0x87: {  	_ =	shalt  }
.Lfunc_end0:
.L_simem_size_0:
called_computation_lowered:
.L_overlay_start_0:
0x88: {  	s2 =	sld [smem:$0x3FD9]  }
0x89: {  	s3 =	sld [smem:$0x3FFE];
	_ =	sdelay $0x1  }
0x8a: {  	s1 =	srdreg.scid  }
0x8b: {  	s0 =	sand.u32 $0x1, s1  }
0x8c: {  	s16 =	sshll.u32 s0, $0xA;
	s2 =	sadd.s32 s3, s2  }
0x8d: {  	s2 =	sadd.s32 s2, s16  }
0x8e: {  	[smem:$0x3F9A] =	sst s2  }
0x8f: {  	_ = 	snop  }
0x90: {  	(tm) =	ssettm $0x1  }
0x91: {  	s17 =	sld [smem:$0x3FFB];
	_ =	sdelay $0x3  }
0x92: {  	_ =	strace s17  }
0x93: {  	s2 =	sld [smem:$0x3FFC];
	_ =	sdelay $0x3  }
0x94: {  	_ =	strace s2  }
0x95: {  	s2 =	sld [smem:$0x3FFD];
	_ =	sdelay $0x3  }
0x96: {  	_ =	strace s2  }
0x97: {  	_ =	strace $0x8FFFFFFF  }
0x98: {  	s18 =	sld [smem:$0x3FDB];
	_ =	sdelay $0x1  }
0x99: {  	s19 =	simm.s32 $_scs_section_size  }
0x9a: {  	s4 =	simm.s32 $_size__tile_overlayer_lowered;
	s5 =	simm.s32 $_tile_overlayer_lowered  }
0x9b: {  	s22 =	simm.s32 $0x1BFF;
	s21 =	sshll.u32 s5, $0x1;
	s2 =	sadd.s32 s19, s18  }
0x9c: {  	s6 =	simm.s32 $0x0;
	s20 =	sshll.u32 s4, $0x1;
	s4 =	sadd.s32 s21, s2  }
0x9d: {  	[timem:s6], [sflag:s22] =	dma.local [hbm:s4], s20  }
0x9e: {  	_ =	swait.ge [sflag:s22], s20  }
0x9f: {  	s3 =	ssub.s32 $0x0, s20;
	[sflag:s22] =	ssyncset.done $0x0  }
0xa0: {  	[sflag:s22] =	ssyncadd.s32 s3;
	_ =	sdelay $0x1  }
0xa1: {  	s23 =	simm.s32 $0x1B8B  }
0xa2: {  	_ =	swait.ge [sflag:s23], $0x1  }
0xa3: {  	[sflag:s23] =	ssyncset.done $0x0  }
0xa4: {  	s25 =	simm.s32 $0x1B8E;
	s24 =	sld [smem:$0x3FFE];
	[sflag:s23] =	ssyncadd.s32 $0xFFFFFFFF  }
0xa5: {  	s26 =	simm.s32 $execute0_lowered;
	[smem:$0x3FD2] =	sst s25  }
0xa6: {  	s4 =	sshll.u32 s26, $0x1;
	_ =	strace $0x80000046;
	[dreg:$0x1] =	wrdreg $0xFFFFFFFF  }
0xa7: {  	s28 =	simm.s32 $_size_execute0_lowered;
	s2 =	sadd.s32 s2, s4;
	[dreg:$0x0] =	wrdreg $0x0  }
0xa8: {  	s4 =	sshll.u32 s28, $0x1;
	[dreg:$0x2] =	wrdreg s2  }
0xa9: {  	[dreg:$0x3] =	wrdreg s4  }
0xaa: {  	[dreg:$0x4] =	wrdreg $0xC0  }
0xab: {  	_ =	task [dreg:s6], $0x5FFFF  }
0xac: {  	[dreg:$0x1] =	wrdreg $0xFFFFFFFF  }
0xad: {  	[dreg:$0x0] =	wrdreg $0x60  }
0xae: {  	[dreg:$0x2] =	wrdreg s24  }
0xaf: {  	[dreg:$0x3] =	wrdreg $0x48000  }
0xb0: {  	[dreg:$0x4] =	wrdreg $0x9  }
0xb1: {  	_ =	task.clear_ibuf [dreg:s6], $0x5FFFF;
	_ =	strace $0x90000046  }
0xb2: {  	s29 =	simm.s32 $0x9;
	_ =	strace $0x80000048  }
0xb3: {  	_ =	swait.ge [sflag:s29], $0x1  }
0xb4: {  	[sflag:s29] =	ssyncadd.s32 $0xFFFFFFFF  }
0xb5: {  	_ =	strace $0x90000048  }
0xb6: {  	_ =	sfence  }
0xb7: {  	s30 =	sld [smem:$0x0];
	_ =	sdelay $0x2  }
0xb8: {  	s31 =	sshll.u32 s1, $0xD;
	s1 =	sshrl.u32 s1, $0x2  }
0xb9: {  	s3 =	sand.u32 $0x4000, s31;
	s1 =	sadd.s32 s1, s30  }
0xba: {  	s0 =	sor.u32 s3, s0;
	s1 =	sshll.u32 s1, $0x11  }
0xbb: {  	s0 =	sor.u32 s1, s0  }
0xbc: {  	s0 =	sadd.s32 $0x8F2B, s0  }
0xbd: {  	[sflag:s0] =	ssyncadd.remote.s32 $0x1  }
0xbe: {  	_ =	sfence.sel $0xFFFF  }
0xbf: {  	[dreg:$0x0] =	wrdreg $0xFFFFFFFF;
	(pc) =	sbr.abs _section_cstart, $3  }
0xc0: {  	[dreg:$0x1] =	wrdreg $0xFFFFFFFF  }
0xc1: {  	_ =	task.clear_ibuf [dreg:s6], $0x2FFFF;
	_ =	strace $0x9FFFFFFF  }
0xc2: {  	(tm) =	ssettm $0x7FFFFFFF  }
0xc3: {  	_ =	shalt  }
tec
execute0_lowered:
.L_overlay_start_1:
0x0: {  	(tag) =	ssettag $0x1  }
0x1: {  	s7 =	rddreg [dreg:$0x0]  }
0x2: {  	s2 =	rddreg [dreg:$0x1]  }
0x3: {  	s0 =	rddreg [dreg:$0x2]  }
0x4: {  	s3 =	simm.s32 $0x0;
	s1 =	stileid.u32;
	s4 =	srdreg.scid  }
0x5: {  	s15 =	simm.s32 $0x28;
	s16 =	simm.s32 $0x2000;
	s17 =	simm.s32 $0x3400  }
0x6: {  	s18 =	simm.s32 $0x1;
	s19 =	simm.s32 $0x2;
	s20 =	simm.s32 $0x1C00  }
0x7: {  	[smem:$0x7FF] =	sst s3;
	s8 =	smul.u32 $0x14000, s1;
	s9 =	sand.u32 $0x1, s4  }
0x8: {  	s4 =	sadd.s32 $0x59A00, s7;
	s5 =	sadd.s32 $0x31A00, s7;
	s6 =	sadd.s32 $0x9A00, s7  }
0x9: {  	s13 =	smul.u32 $0x50000, s1;
	s29 =	sshll.u32 s1, $0x1;
	s31 =	sshll.u32 s1, $0x6  }
0xa: {  	_ =	strace $0x80000047;
	s10 =	smul.u32 $0x140000, s9;
	s28 =	ssub.s32 $0x2, s9  }
0xb: {  	s9 =	sor.u32 s9, s29;
	s11 =	sshrl.u32 s8, $0x3;
	s12 =	sshrl.u32 s28, $0x1  }
0xc: {  	s30 =	sshrl.u32 s13, $0x2;
	s9 =	smul.u32 $0xA000, s9;
	s8 =	sadd.s32 s8, s10  }
0xd: {  	s11 =	sadd.s32 s11, s7;
	s12 =	ssub.s32 s28, s12;
	s8 =	sshrl.u32 s8, $0x3  }
0xe: {  	s13 =	sadd.s32 s30, s2;
	s14 =	sadd.s32 s8, s7;
	s7 =	sadd.s32 $0x61A00, s11  }
0xf: {  	s8 =	sor.u32 $0x1C03, s31;
	s11 =	smax.u32 s12, $0x1;
	s12 =	sshrl.u32 s13, $0x3  }
0x10: {  	s13 =	simm.s32 $0x3;
	s10 =	sadd.s32 $0x89A00, s14;
	s14 =	simm.s32 $0x1000  }
.LBB2_1:
0x11: {  	[spmem:s12], [sflag:s8] =	dma.local [hbm:s7], $0x2800  }
0x12: {  	_ =	swait.ge [sflag:s13], $0x2800  }
0x13: {  	[sflag:s13] =	ssyncset.done $0x0  }
0x14: {  	[sflag:s13] =	ssyncadd.s32 $0xFFFFD800  }
0x15: {  	s21 =	simm.s32 $0x0;
	[bflag:$0x0] =	sbarrier.arrive $0xFFFF  }
.LBB2_2:
0x16: {  	s22 =	sshll.u32 s21, $0xC  }
0x17: {  	s22 =	sadd.s32 s9, s22  }
0x18: {  	s22 =	sshrl.u32 s22, $0x3  }
0x19: {  	s24 =	simm.s32 $0x0;
	s23 =	sadd.s32 s5, s22  }
0x1a: {  	[tilespmem:s24], [sflag:$0x3] =	stream.linear.gather [hbm4b:s23+s24], $0xC80, $0x38;
	[tilespmem:$0x18800] =	vst v63  }
0x1b: {  	_ =	swait.ge [sflag:s13], $0xC80  }
0x1c: {  	[sflag:s13] =	ssyncset.done $0x0  }
0x1d: {  	s22 =	sadd.s32 s6, s22;
	[sflag:s13] =	ssyncadd.s32 $0xFFFFF380  }
0x1e: {  	[tilespmem:s14], [sflag:$0x3] =	stream.linear.gather [hbm4b:s22+s24], $0xC80, $0x38;
	[tilespmem:$0x18800] =	vst v63  }
0x1f: {  	_ =	swait.ge [sflag:s13], $0xC80  }
0x20: {  	[sflag:s13] =	ssyncset.done $0x0  }
0x21: {  	[sflag:s13] =	ssyncadd.s32 $0xFFFFF380  }
0x22: {  	[tilespmem:s16], [sflag:$0x1] =	stream.indirect.gather [hbm4b:s4+s15], $0x80, s24, s15, $0xb8;
	[tilespmem:$0x18800] =	vst v63  }
0x23: {  	s28 =	simm.s32 $0x80  }
0x24: {  	[tilespmem:s17], [sflag:$0x2] =	stream.indirect.gather [hbm4b:s4+s15], $0x80, s28, s15, $0xb8;
	[tilespmem:$0x18800] =	vst v63  }
0x25: {  	_ =	swait.ge [sflag:s18], $0x1400  }
0x26: {  	[sflag:s18] =	ssyncset.done $0x0  }
0x27: {  	s29 =	simm.s32 $0x1000;
	[sflag:s18] =	ssyncadd.s32 $0xFFFFEC00  }
0x28: {  	[spmem:s2] =	stream.indirect.scatter.add.f32 [tilespmem:s16], [sflag:$0x3], $0x80, s29, s15, $0xb8;
	[tilespmem:$0x18800] =	vst v63  }
0x29: {  	_ =	swait.ge [sflag:s13], $0x1400  }
0x2a: {  	[sflag:s13] =	ssyncset.done $0x0  }
0x2b: {  	s30 =	simm.s32 $0x100;
	[sflag:s13] =	ssyncadd.s32 $0xFFFFEC00  }
0x2c: {  	[tilespmem:s16], [sflag:$0x1] =	stream.indirect.gather [hbm4b:s4+s15], $0x80, s30, s15, $0xb8;
	[tilespmem:$0x18800] =	vst v63  }
0x2d: {  	_ =	swait.ge [sflag:s19], $0x1400  }
0x2e: {  	[sflag:s19] =	ssyncset.done $0x0  }
0x2f: {  	s31 =	simm.s32 $0x1080;
	[sflag:s19] =	ssyncadd.s32 $0xFFFFEC00  }
0x30: {  	[spmem:s2] =	stream.indirect.scatter.add.f32 [tilespmem:s17], [sflag:$0x3], $0x80, s31, s15, $0xb8;
	[tilespmem:$0x18800] =	vst v63  }
0x31: {  	_ =	swait.ge [sflag:s13], $0x1400  }
0x32: {  	s23 =	simm.s32 $0x800;
	s22 =	simm.s32 $0x100;
	[sflag:s13] =	ssyncset.done $0x0  }
.LBB2_3:
0x33: {  	s24 =	sadd.s32 $0x80, s22  }
0x34: {  	[sflag:s13] =	ssyncadd.s32 $0xFFFFEC00;
	s25 =	smov.u32 s23;
	s26 =	sadd.s32 $0x400, s23  }
0x35: {  	[tilespmem:s17], [sflag:$0x2] =	stream.indirect.gather [hbm4b:s4+s15], $0x80, s24, s15, $0xb8;
	[tilespmem:$0x18800] =	vst v63  }
0x36: {  	p0 =	sne.s32 s23, $0x2C00;
	_ =	swait.ge [sflag:s18], $0x1400  }
0x37: {  	[sflag:s18] =	ssyncset.done $0x0  }
0x38: {  	s23 =	sadd.s32 $0x1000, s22;
	[sflag:s18] =	ssyncadd.s32 $0xFFFFEC00  }
0x39: {  	[spmem:s2] =	stream.indirect.scatter.add.f32 [tilespmem:s16], [sflag:$0x3], $0x80, s23, s15, $0xb8;
	[tilespmem:$0x18800] =	vst v63  }
0x3a: {  	_ =	swait.ge [sflag:s13], $0x1400  }
0x3b: {  	[sflag:s13] =	ssyncset.done $0x0  }
0x3c: {  	s23 =	sadd.s32 $0x100, s22;
	[sflag:s13] =	ssyncadd.s32 $0xFFFFEC00  }
0x3d: {  	[tilespmem:s16], [sflag:$0x1] =	stream.indirect.gather [hbm4b:s4+s15], $0x80, s23, s15, $0xb8;
	[tilespmem:$0x18800] =	vst v63  }
0x3e: {  	_ =	swait.ge [sflag:s19], $0x1400  }
.Ltmp0:
0x3f: {  	[sflag:s19] =	ssyncset.done $0x0;
	(pc) =	sbr.rel @p0 .LBB2_3-.Ltmp0, $4  }
0x40: {  	s22 =	sadd.s32 $0x1080, s22;
	[sflag:s19] =	ssyncadd.s32 $0xFFFFEC00  }
0x41: {  	[spmem:s2] =	stream.indirect.scatter.add.f32 [tilespmem:s17], [sflag:$0x3], $0x80, s22, s15, $0xb8;
	[tilespmem:$0x18800] =	vst v63  }
0x42: {  	_ =	swait.ge [sflag:s13], $0x1400  }
0x43: {  	s23 =	smov.u32 s26;
	s22 =	sshra.s32 s25, $0x2;
	[sflag:s13] =	ssyncset.done $0x0  }
0x44: {  	s23 =	sadd.s32 $0x80, s22;
	[sflag:s13] =	ssyncadd.s32 $0xFFFFEC00  }
0x45: {  	[tilespmem:s17], [sflag:$0x2] =	stream.indirect.gather [hbm4b:s4+s15], $0x80, s23, s15, $0xb8;
	[tilespmem:$0x18800] =	vst v63  }
0x46: {  	_ =	swait.ge [sflag:s18], $0x1400  }
0x47: {  	[sflag:s18] =	ssyncset.done $0x0  }
0x48: {  	s29 =	sadd.s32 $0x1000, s22;
	[sflag:s18] =	ssyncadd.s32 $0xFFFFEC00  }
0x49: {  	[spmem:s2] =	stream.indirect.scatter.add.f32 [tilespmem:s16], [sflag:$0x3], $0x80, s29, s15, $0xb8;
	[tilespmem:$0x18800] =	vst v63  }
0x4a: {  	_ =	swait.ge [sflag:s13], $0x1400  }
0x4b: {  	[sflag:s13] =	ssyncset.done $0x0  }
0x4c: {  	s30 =	sadd.s32 $0x100, s22;
	[sflag:s13] =	ssyncadd.s32 $0xFFFFEC00  }
0x4d: {  	[tilespmem:s16], [sflag:$0x1] =	stream.indirect.gather [hbm4b:s4+s15], $0x80, s30, s15, $0xb8;
	[tilespmem:$0x18800] =	vst v63  }
0x4e: {  	_ =	swait.ge [sflag:s19], $0x1400  }
0x4f: {  	[sflag:s19] =	ssyncset.done $0x0  }
0x50: {  	s31 =	sadd.s32 $0x1080, s22;
	[sflag:s19] =	ssyncadd.s32 $0xFFFFEC00  }
0x51: {  	[spmem:s2] =	stream.indirect.scatter.add.f32 [tilespmem:s17], [sflag:$0x3], $0x80, s31, s15, $0xb8;
	[tilespmem:$0x18800] =	vst v63  }
0x52: {  	_ =	swait.ge [sflag:s13], $0x1400  }
0x53: {  	[sflag:s13] =	ssyncset.done $0x0  }
0x54: {  	[sflag:s13] =	ssyncadd.s32 $0xFFFFEC00  }
0x55: {  	s21 =	sadd.s32 $0x1, s21;
	_ =	swait.ge [sflag:s18], $0x1400  }
0x56: {  	p0 =	sne.s32 s21, $0xA;
	[sflag:s18] =	ssyncset.done $0x0  }
.Ltmp1:
0x57: {  	[sflag:s18] =	ssyncadd.s32 $0xFFFFEC00;
	(pc) =	sbr.rel @p0 .LBB2_2-.Ltmp1, $4  }
0x58: {  	[spmem:s2] =	stream.indirect.scatter.add.f32 [tilespmem:s16], [sflag:$0x3], $0x80, s20, s15, $0xb8;
	[tilespmem:$0x18800] =	vst v63  }
0x59: {  	_ =	swait.ge [sflag:s13], $0x1400  }
0x5a: {  	[sflag:s13] =	ssyncset.done $0x0  }
0x5b: {  	[sflag:s13] =	ssyncadd.s32 $0xFFFFEC00  }
0x5c: {  	s3 =	sadd.s32 $0x1, s3  }
0x5d: {  	p0 =	sne.s32 s3, s11  }
.Ltmp2:
0x5e: {  	[bflag:$0x0] =	sbarrier.arrive $0xFFFF;
	(pc) =	sbr.rel @p0 .LBB2_1-.Ltmp2, $4  }
0x5f: {  	[hbm:s10], [sflag:s8] =	dma.local [spmem:s12], $0x2800  }
0x60: {  	_ =	swait.ge [sflag:s13], $0x2800  }
0x61: {  	[sflag:s13] =	ssyncset.done $0x0  }
0x62: {  	[sflag:s13] =	ssyncadd.s32 $0xFFFFD800  }
0x63: {  	_ =	sfence.sel $0x180000  }
0x64: {  	[bflag:$0x0] =	sbarrier.arrive $0xFFFF  }
0x65: {  	p0 =	sne.s32 s1, $0x0;
	_ =	strace $0x90000047  }
0x66: {  	s0 =	sadd.s32 @!p0 $0x100000, s0;
	[bflag:$0x2] =	sbarrier.arrive $0xFFFF  }
0x67: {  	[sflag:s0] =	ssyncadd.tile.s32 @!p0 $0x1;
	_ =	shalt  }
.Lfunc_end2:
_tile_overlayer_lowered:
.L_overlay_start_2:
0x68: {  	(tag) =	ssettag $0x2  }
0x69: {  	s0 =	rddreg [dreg:$0x0];
	s2 =	stileid.u32  }
0x6a: {  	s1 =	rddreg [dreg:$0x1];
	p0 =	sne.s32 s2, $0x0  }
0x6b: {  	s3 =	rddreg [dreg:$0x2];
	[bflag:$0x3] =	sbarrier.arrive $0xFFFF;
	s2 =	simm.s32 @!p0 $0x1C03  }
0x6c: {  	[timem:s3], [sflag:s2] =	dma.local @!p0 [hbm:s0], s1  }
0x6d: {  	s0 =	simm.s32 @!p0 $0x3  }
0x6e: {  	_ =	swait.ge @!p0 [sflag:s0], s1  }
0x6f: {  	s1 =	ssub.s32 @!p0 $0x0, s1;
	[sflag:s0] =	ssyncset.done @!p0 $0x0  }
0x70: {  	[sflag:s0] =	ssyncadd.s32 @!p0 s1  }
0x71: {  	[bflag:$0x3] =	sbarrier.arrive $0xFFFF  }
0x72: {  	_ =	shalt  }

// kernel: kernel.19.cloned.1.call-start
scs
__scs_entry_jumppad:
0x0: {  	(pc) =	sbr.rel $0x88, $3  }
0x1: {  	(tag) =	ssettag $0x0;
	lr =	simm.s32 $0x1  }
0x2: {  	[smem:$0x3F73] =	sst lr;
	_ =	strace $0xD0000000  }
0x3: {  	_ = 	snop  }
0x4: {  	_ = 	snop  }
0x5: {  	_ = 	snop  }
0x6: {  	_ = 	snop  }
0x7: {  	_ = 	snop  }
__scs_overlays_trampoline_lowered:
0x8: {  	[smem:$0x3F82] =	sst s0  }
0x9: {  	[smem:$0x3F83] =	sst s1  }
0xa: {  	[smem:$0x3F84] =	sst s2  }
0xb: {  	[smem:$0x3F85] =	sst s3  }
0xc: {  	[smem:$0x3F86] =	sst s4  }
0xd: {  	[smem:$0x3F87] =	sst s5  }
0xe: {  	[smem:$0x3F88] =	sst s6  }
0xf: {  	[smem:$0x3F89] =	sst s7  }
0x10: {  	[smem:$0x3F8A] =	sst s8  }
0x11: {  	[smem:$0x3F8B] =	sst s9;
	s0 =	simm.s32 @!p0 $0x0  }
0x12: {  	s1 =	sld [smem:$0x3F71];
	s0 =	simm.s32 @p0 $0x1  }
0x13: {  	[smem:$0x3F8C] =	sst s0;
	s0 =	simm.s32 @!p1 $0x0  }
0x14: {  	s2 =	sld [smem:$0x3F70];
	s0 =	simm.s32 @p1 $0x1  }
0x15: {  	[smem:$0x3F8D] =	sst s0;
	s0 =	simm.s32 @!p2 $0x0  }
0x16: {  	s3 =	sld [smem:$0x3FDB];
	s0 =	simm.s32 @p2 $0x1  }
0x17: {  	s4 =	simm.s32 $0x1BF5;
	[smem:$0x3F8F] =	sst s0  }
0x18: {  	s0 =	sld [smem:$0x3F72];
	_ =	swait.ge [sflag:s4], $0x0  }
0x19: {  	s7 =	sld [smem:$0x3F73]  }
0x1a: {  	s8 =	sadd.s32 $0xFFFFE003, lr  }
0x1b: {  	s9 =	sadd.s32 $0xFFFFFEF7, lr;
	s5 =	simm.s32 $0xFFFFFFFF;
	p2 =	slt.u32 s8, $0xFFFFF086  }
0x1c: {  	p1 =	slt.u32 s9, $0xF7A;
	s5 =	simm.s32 @!p2 $0x0  }
0x1d: {  	s5 =	simm.s32 @p1 $0x1;
	p0 =	seq.s32 s7, s2  }
0x1e: {  	s7 =	smul.u32 @!p0 $0xF7A, s2;
	p2 =	seq.s32 @!p0 s5, $0x0  }
0x1f: {  	s9 =	smul.u32 $0xF7A, s1;
	s8 =	simm.s32 @!p0 $0x1BF5;
	p2 =	por !p2, p0  }
0x20: {  	[sflag:s8] =	ssyncset.s32 @!p0 $0xFFFFF086;
	s6 =	sadd.s32 @!p0 s3, s7;
	s7 =	simm.s32 @!p0 $0x108  }
0x21: {  	s3 =	sadd.s32 s3, s9;
	s6 =	sadd.s32 @!p0 $0x88, s6;
	s7 =	simm.s32 @p2 $0x1082  }
0x22: {  	[simem:s7], [sflag:s8] =	dma.local @!p0 [hbm:s6], $0xF7A  }
0x23: {  	s9 =	sor.u32 $0xD0000000, s2;
	s6 =	simm.s32 $0x108;
	_ =	swait.ge @!p0 [sflag:s8], $0x0  }
0x24: {  	s3 =	sadd.s32 $0x88, s3;
	s6 =	simm.s32 @!p1 $0x1082;
	[sflag:s4] =	ssyncset.s32 $0xFFFFF086  }
0x25: {  	[simem:s6], [sflag:s4] =	dma.local [hbm:s3], $0xF7A  }
0x26: {  	[smem:$0x3F73] =	sst s1;
	(tag) =	ssettag s2;
	_ =	strace s9  }
0x27: {  	s1 =	sld [smem:$0x3F83]  }
0x28: {  	s2 =	sld [smem:$0x3F84]  }
0x29: {  	s4 =	sld [smem:$0x3F86]  }
0x2a: {  	p0 =	seq.s32 s5, $0x0;
	s5 =	sld [smem:$0x3F87]  }
0x2b: {  	s6 =	sld [smem:$0x3F88]  }
0x2c: {  	s7 =	sld [smem:$0x3F89]  }
0x2d: {  	s3 =	simm.s32 $0x108;
	s8 =	sld [smem:$0x3F8A]  }
0x2e: {  	s3 =	simm.s32 @!p0 $0x1082;
	s9 =	sld [smem:$0x3F8B]  }
0x2f: {  	lr =	sadd.s32 s0, s3;
	s0 =	sld [smem:$0x3F82]  }
0x30: {  	s3 =	sld [smem:$0x3F85]  }
0x31: {  	[smem:$0x3F8E] =	sst s10  }
0x32: {  	s10 =	sld [smem:$0x3F8C];
	_ =	sdelay $0x3  }
0x33: {  	p0 =	seq.s32 s10, $0x1;
	s10 =	sld [smem:$0x3F8E];
	_ =	sdelay $0x3  }
0x34: {  	[smem:$0x3F8E] =	sst s10  }
0x35: {  	s10 =	sld [smem:$0x3F8D];
	_ =	sdelay $0x3  }
0x36: {  	p1 =	seq.s32 s10, $0x1;
	s10 =	sld [smem:$0x3F8E];
	_ =	sdelay $0x3  }
0x37: {  	[smem:$0x3F8E] =	sst s10  }
0x38: {  	s10 =	sld [smem:$0x3F8F]  }
0x39: {  	_ = 	snop;
	(pc) =	sbr.ind lr, $3  }
0x3a: {  	_ = 	snop  }
0x3b: {  	_ = 	snop  }
0x3c: {  	p2 =	seq.s32 s10, $0x1;
	s10 =	sld [smem:$0x3F8E]  }
0x3d: {  	_ =	shalt  }
0x3e: {  	_ =	shalt  }
0x3f: {  	_ =	shalt  }
0x40: {  	_ =	shalt  }
0x41: {  	_ =	shalt  }
0x42: {  	_ =	shalt  }
0x43: {  	_ =	shalt  }
0x44: {  	_ =	shalt  }
0x45: {  	_ =	shalt  }
0x46: {  	_ =	shalt  }
0x47: {  	_ =	shalt  }
0x48: {  	_ =	shalt  }
0x49: {  	_ =	shalt  }
0x4a: {  	_ =	shalt  }
0x4b: {  	_ =	shalt  }
0x4c: {  	_ =	shalt  }
0x4d: {  	_ =	shalt  }
0x4e: {  	_ =	shalt  }
0x4f: {  	_ =	shalt  }
0x50: {  	_ =	shalt  }
0x51: {  	_ =	shalt  }
0x52: {  	_ =	shalt  }
0x53: {  	_ =	shalt  }
0x54: {  	_ =	shalt  }
0x55: {  	_ =	shalt  }
0x56: {  	_ =	shalt  }
0x57: {  	_ =	shalt  }
0x58: {  	_ =	shalt  }
0x59: {  	_ =	shalt  }
0x5a: {  	_ =	shalt  }
0x5b: {  	_ =	shalt  }
0x5c: {  	_ =	shalt  }
0x5d: {  	_ =	shalt  }
0x5e: {  	_ =	shalt  }
0x5f: {  	_ =	shalt  }
0x60: {  	_ =	shalt  }
0x61: {  	_ =	shalt  }
0x62: {  	_ =	shalt  }
0x63: {  	_ =	shalt  }
0x64: {  	_ =	shalt  }
0x65: {  	_ =	shalt  }
0x66: {  	_ =	shalt  }
0x67: {  	_ =	shalt  }
0x68: {  	_ =	shalt  }
0x69: {  	_ =	shalt  }
0x6a: {  	_ =	shalt  }
0x6b: {  	_ =	shalt  }
0x6c: {  	_ =	shalt  }
0x6d: {  	_ =	shalt  }
0x6e: {  	_ =	shalt  }
0x6f: {  	_ =	shalt  }
0x70: {  	_ =	shalt  }
0x71: {  	_ =	shalt  }
0x72: {  	_ =	shalt  }
0x73: {  	_ =	shalt  }
0x74: {  	_ =	shalt  }
0x75: {  	_ =	shalt  }
0x76: {  	_ =	shalt  }
0x77: {  	_ =	shalt  }
0x78: {  	_ =	shalt  }
0x79: {  	_ =	shalt  }
0x7a: {  	_ =	shalt  }
0x7b: {  	_ =	shalt  }
0x7c: {  	_ =	shalt  }
0x7d: {  	_ =	shalt  }
0x7e: {  	_ =	shalt  }
0x7f: {  	_ =	shalt  }
0x80: {  	_ =	shalt  }
0x81: {  	_ =	shalt  }
0x82: {  	_ =	shalt  }
0x83: {  	_ =	shalt  }
0x84: {  	_ =	shalt  }
0x85: {  	_ =	shalt  }
0x86: {  	_ =	shalt  }
0x87: {  	_ =	shalt  }
.Lfunc_end0:
.L_simem_size_0:
called_computation.1_lowered:
.L_overlay_start_0:
0x88: {  	s2 =	sld [smem:$0x3FD9]  }
0x89: {  	s3 =	sld [smem:$0x3FFE];
	_ =	sdelay $0x1  }
0x8a: {  	s1 =	srdreg.scid  }
0x8b: {  	s0 =	sand.u32 $0x1, s1  }
0x8c: {  	s17 =	sshll.u32 s0, $0xA;
	s2 =	sadd.s32 s3, s2  }
0x8d: {  	s2 =	sadd.s32 s2, s17  }
0x8e: {  	[smem:$0x3F9A] =	sst s2  }
0x8f: {  	_ = 	snop  }
0x90: {  	(tm) =	ssettm $0x1  }
0x91: {  	s18 =	sld [smem:$0x3FFB];
	_ =	sdelay $0x3  }
0x92: {  	_ =	strace s18  }
0x93: {  	s2 =	sld [smem:$0x3FFC];
	_ =	sdelay $0x3  }
0x94: {  	_ =	strace s2  }
0x95: {  	s2 =	sld [smem:$0x3FFD];
	_ =	sdelay $0x3  }
0x96: {  	_ =	strace s2  }
0x97: {  	_ =	strace $0x8FFFFFFF  }
0x98: {  	s19 =	sld [smem:$0x3FDB];
	_ =	sdelay $0x1  }
0x99: {  	s20 =	simm.s32 $_scs_section_size  }
0x9a: {  	s4 =	simm.s32 $_size__tile_overlayer_lowered;
	s5 =	simm.s32 $_tile_overlayer_lowered  }
0x9b: {  	s6 =	simm.s32 $0x1BFF;
	s21 =	sshll.u32 s5, $0x1;
	s3 =	sadd.s32 s20, s19  }
0x9c: {  	s22 =	simm.s32 $0x0;
	s4 =	sshll.u32 s4, $0x1;
	s5 =	sadd.s32 s21, s3  }
0x9d: {  	[timem:s22], [sflag:s6] =	dma.local [hbm:s5], s4  }
0x9e: {  	_ =	swait.ge [sflag:s6], s4  }
0x9f: {  	s4 =	ssub.s32 $0x0, s4;
	[sflag:s6] =	ssyncset.done $0x0  }
0xa0: {  	[sflag:s6] =	ssyncadd.s32 s4;
	_ =	sdelay $0x1  }
0xa1: {  	s23 =	simm.s32 $0x1B8B  }
0xa2: {  	_ =	swait.ge [sflag:s23], $0x1  }
0xa3: {  	[sflag:s23] =	ssyncset.done $0x0  }
0xa4: {  	[sflag:s23] =	ssyncadd.s32 $0xFFFFFFFF  }
0xa5: {  	s4 =	sld [smem:$0x0]  }
0xa6: {  	s5 =	sand.u32 $0xFFFFFFFE, s1  }
0xa7: {  	p0 =	sne.s32 s1, s5  }
0xa8: {  	s5 =	sshll.u32 @p0 s5, $0xE  }
0xa9: {  	s5 =	sadd.s32 @p0 $0x11B8D, s5;
	s6 =	sshll.u32 @p0 s4, $0x11  }
0xaa: {  	s5 =	sor.u32 @p0 s6, s5  }
0xab: {  	[sflag:s5] =	ssyncadd.remote.s32 @p0 $0x1;
	_ =	sdelay $0x1  }
0xac: {  	s5 =	simm.s32 @p0 $0x1B8D  }
0xad: {  	_ =	swait.eq @p0 [sflag:s5], $0x1  }
0xae: {  	[sflag:s5] =	ssyncadd.s32 @p0 $0xFFFFFFFF  }
0xaf: {  	s6 =	sshll.u32 @!p0 s1, $0xE  }
0xb0: {  	s6 =	sor.u32 @!p0 $0x4000, s6;
	s5 =	simm.s32 @!p0 $0x1B8D  }
0xb1: {  	s4 =	sshll.u32 @!p0 s4, $0x11;
	s6 =	sadd.s32 @!p0 $0x11B8D, s6;
	_ =	swait.eq @!p0 [sflag:s5], $0x1  }
0xb2: {  	s4 =	sor.u32 @!p0 s4, s6;
	[sflag:s5] =	ssyncadd.s32 @!p0 $0xFFFFFFFF  }
0xb3: {  	s25 =	simm.s32 $0x1B8E;
	s24 =	sld [smem:$0x3FFE];
	[sflag:s4] =	ssyncadd.remote.s32 @!p0 $0x1  }
0xb4: {  	s26 =	simm.s32 $execute0_lowered;
	[smem:$0x3FD2] =	sst s25  }
0xb5: {  	s5 =	sshll.u32 s26, $0x1;
	_ =	strace $0x80000049;
	[dreg:$0x1] =	wrdreg $0xFFFFFFFF  }
0xb6: {  	s28 =	simm.s32 $_size_execute0_lowered;
	s3 =	sadd.s32 s3, s5;
	[dreg:$0x0] =	wrdreg $0x0  }
0xb7: {  	s5 =	sshll.u32 s28, $0x1;
	[dreg:$0x2] =	wrdreg s3  }
0xb8: {  	[dreg:$0x3] =	wrdreg s5  }
0xb9: {  	[dreg:$0x4] =	wrdreg $0xC0  }
0xba: {  	_ =	task [dreg:s22], $0x5FFFF  }
0xbb: {  	[dreg:$0x1] =	wrdreg $0xFFFFFFFF  }
0xbc: {  	[dreg:$0x0] =	wrdreg $0x60  }
0xbd: {  	[dreg:$0x2] =	wrdreg s24  }
0xbe: {  	[dreg:$0x3] =	wrdreg $0x48000  }
0xbf: {  	[dreg:$0x4] =	wrdreg $0xA  }
0xc0: {  	_ =	task.clear_ibuf [dreg:s22], $0x5FFFF;
	_ =	strace $0x90000049  }
0xc1: {  	s29 =	simm.s32 $0xA;
	_ =	strace $0x8000004B  }
0xc2: {  	_ =	swait.ge [sflag:s29], $0x1  }
0xc3: {  	[sflag:s29] =	ssyncadd.s32 $0xFFFFFFFF  }
0xc4: {  	_ =	strace $0x9000004B  }
0xc5: {  	_ =	sfence  }
0xc6: {  	s30 =	sld [smem:$0x0];
	_ =	sdelay $0x2  }
0xc7: {  	s31 =	sshll.u32 s1, $0xD;
	s1 =	sshrl.u32 s1, $0x2  }
0xc8: {  	s4 =	sand.u32 $0x4000, s31;
	s1 =	sadd.s32 s1, s30  }
0xc9: {  	s0 =	sor.u32 s4, s0;
	s1 =	sshll.u32 s1, $0x11  }
0xca: {  	s0 =	sor.u32 s1, s0  }
0xcb: {  	s0 =	sadd.s32 $0x8F2B, s0  }
0xcc: {  	[sflag:s0] =	ssyncadd.remote.s32 $0x1  }
0xcd: {  	_ =	sfence.sel $0xFFFF  }
0xce: {  	[dreg:$0x0] =	wrdreg $0xFFFFFFFF;
	(pc) =	sbr.abs _section_cstart, $3  }
0xcf: {  	[dreg:$0x1] =	wrdreg $0xFFFFFFFF  }
0xd0: {  	_ =	task.clear_ibuf [dreg:s22], $0x2FFFF;
	_ =	strace $0x9FFFFFFF  }
0xd1: {  	(tm) =	ssettm $0x7FFFFFFF  }
tec
execute0_lowered:
.L_overlay_start_1:
0x0: {  	(tag) =	ssettag $0x1  }
0x1: {  	s7 =	rddreg [dreg:$0x0]  }
0x2: {  	s2 =	rddreg [dreg:$0x1]  }
0x3: {  	s0 =	rddreg [dreg:$0x2]  }
0x4: {  	s3 =	simm.s32 $0x0;
	s1 =	stileid.u32;
	s4 =	srdreg.scid  }
0x5: {  	s15 =	simm.s32 $0x28;
	s16 =	simm.s32 $0x2000;
	s17 =	simm.s32 $0x3400  }
0x6: {  	s18 =	simm.s32 $0x1;
	s19 =	simm.s32 $0x2;
	s20 =	simm.s32 $0x1C00  }
0x7: {  	[smem:$0x7FF] =	sst s3;
	s8 =	smul.u32 $0x14000, s1;
	s9 =	sand.u32 $0x1, s4  }
0x8: {  	s4 =	sadd.s32 $0x101A00, s7;
	s5 =	sadd.s32 $0xD9A00, s7;
	s6 =	sadd.s32 $0x9A00, s7  }
0x9: {  	s13 =	smul.u32 $0x50000, s1;
	s29 =	sshll.u32 s1, $0x1;
	s31 =	sshll.u32 s1, $0x6  }
0xa: {  	_ =	strace $0x8000004A;
	s10 =	smul.u32 $0x140000, s9;
	s28 =	ssub.s32 $0x2, s9  }
0xb: {  	s9 =	sor.u32 s9, s29;
	s11 =	sshrl.u32 s8, $0x3;
	s12 =	sshrl.u32 s28, $0x1  }
0xc: {  	s30 =	sshrl.u32 s13, $0x2;
	s9 =	smul.u32 $0xA000, s9;
	s8 =	sadd.s32 s8, s10  }
0xd: {  	s11 =	sadd.s32 s11, s7;
	s12 =	ssub.s32 s28, s12;
	s8 =	sshrl.u32 s8, $0x3  }
0xe: {  	s13 =	sadd.s32 s30, s2;
	s14 =	sadd.s32 s8, s7;
	s7 =	sadd.s32 $0x61A00, s11  }
0xf: {  	s8 =	sor.u32 $0x1C03, s31;
	s11 =	smax.u32 s12, $0x1;
	s12 =	sshrl.u32 s13, $0x3  }
0x10: {  	s13 =	simm.s32 $0x3;
	s10 =	sadd.s32 $0x129A00, s14;
	s14 =	simm.s32 $0x1000  }
.LBB2_1:
0x11: {  	[spmem:s12], [sflag:s8] =	dma.local [hbm:s7], $0x2800  }
0x12: {  	_ =	swait.ge [sflag:s13], $0x2800  }
0x13: {  	[sflag:s13] =	ssyncset.done $0x0  }
0x14: {  	[sflag:s13] =	ssyncadd.s32 $0xFFFFD800  }
0x15: {  	s21 =	simm.s32 $0x0;
	[bflag:$0x0] =	sbarrier.arrive $0xFFFF  }
.LBB2_2:
0x16: {  	s22 =	sshll.u32 s21, $0xC  }
0x17: {  	s22 =	sadd.s32 s9, s22  }
0x18: {  	s22 =	sshrl.u32 s22, $0x3  }
0x19: {  	s24 =	simm.s32 $0x0;
	s23 =	sadd.s32 s5, s22  }
0x1a: {  	[tilespmem:s24], [sflag:$0x3] =	stream.linear.gather [hbm4b:s23+s24], $0xC80, $0x38;
	[tilespmem:$0x18800] =	vst v63  }
0x1b: {  	_ =	swait.ge [sflag:s13], $0xC80  }
0x1c: {  	[sflag:s13] =	ssyncset.done $0x0  }
0x1d: {  	s22 =	sadd.s32 s6, s22;
	[sflag:s13] =	ssyncadd.s32 $0xFFFFF380  }
0x1e: {  	[tilespmem:s14], [sflag:$0x3] =	stream.linear.gather [hbm4b:s22+s24], $0xC80, $0x38;
	[tilespmem:$0x18800] =	vst v63  }
0x1f: {  	_ =	swait.ge [sflag:s13], $0xC80  }
0x20: {  	[sflag:s13] =	ssyncset.done $0x0  }
0x21: {  	[sflag:s13] =	ssyncadd.s32 $0xFFFFF380  }
0x22: {  	[tilespmem:s16], [sflag:$0x1] =	stream.indirect.gather [hbm4b:s4+s15], $0x80, s24, s15, $0xb8;
	[tilespmem:$0x18800] =	vst v63  }
0x23: {  	s28 =	simm.s32 $0x80  }
0x24: {  	[tilespmem:s17], [sflag:$0x2] =	stream.indirect.gather [hbm4b:s4+s15], $0x80, s28, s15, $0xb8;
	[tilespmem:$0x18800] =	vst v63  }
0x25: {  	_ =	swait.ge [sflag:s18], $0x1400  }
0x26: {  	[sflag:s18] =	ssyncset.done $0x0  }
0x27: {  	s29 =	simm.s32 $0x1000;
	[sflag:s18] =	ssyncadd.s32 $0xFFFFEC00  }
0x28: {  	[spmem:s2] =	stream.indirect.scatter.add.f32 [tilespmem:s16], [sflag:$0x3], $0x80, s29, s15, $0xb8;
	[tilespmem:$0x18800] =	vst v63  }
0x29: {  	_ =	swait.ge [sflag:s13], $0x1400  }
0x2a: {  	[sflag:s13] =	ssyncset.done $0x0  }
0x2b: {  	s30 =	simm.s32 $0x100;
	[sflag:s13] =	ssyncadd.s32 $0xFFFFEC00  }
0x2c: {  	[tilespmem:s16], [sflag:$0x1] =	stream.indirect.gather [hbm4b:s4+s15], $0x80, s30, s15, $0xb8;
	[tilespmem:$0x18800] =	vst v63  }
0x2d: {  	_ =	swait.ge [sflag:s19], $0x1400  }
0x2e: {  	[sflag:s19] =	ssyncset.done $0x0  }
0x2f: {  	s31 =	simm.s32 $0x1080;
	[sflag:s19] =	ssyncadd.s32 $0xFFFFEC00  }
0x30: {  	[spmem:s2] =	stream.indirect.scatter.add.f32 [tilespmem:s17], [sflag:$0x3], $0x80, s31, s15, $0xb8;
	[tilespmem:$0x18800] =	vst v63  }
0x31: {  	_ =	swait.ge [sflag:s13], $0x1400  }
0x32: {  	s23 =	simm.s32 $0x800;
	s22 =	simm.s32 $0x100;
	[sflag:s13] =	ssyncset.done $0x0  }
.LBB2_3:
0x33: {  	s24 =	sadd.s32 $0x80, s22  }
0x34: {  	[sflag:s13] =	ssyncadd.s32 $0xFFFFEC00;
	s25 =	smov.u32 s23;
	s26 =	sadd.s32 $0x400, s23  }
0x35: {  	[tilespmem:s17], [sflag:$0x2] =	stream.indirect.gather [hbm4b:s4+s15], $0x80, s24, s15, $0xb8;
	[tilespmem:$0x18800] =	vst v63  }
0x36: {  	p0 =	sne.s32 s23, $0x2C00;
	_ =	swait.ge [sflag:s18], $0x1400  }
0x37: {  	[sflag:s18] =	ssyncset.done $0x0  }
0x38: {  	s23 =	sadd.s32 $0x1000, s22;
	[sflag:s18] =	ssyncadd.s32 $0xFFFFEC00  }
0x39: {  	[spmem:s2] =	stream.indirect.scatter.add.f32 [tilespmem:s16], [sflag:$0x3], $0x80, s23, s15, $0xb8;
	[tilespmem:$0x18800] =	vst v63  }
0x3a: {  	_ =	swait.ge [sflag:s13], $0x1400  }
0x3b: {  	[sflag:s13] =	ssyncset.done $0x0  }
0x3c: {  	s23 =	sadd.s32 $0x100, s22;
	[sflag:s13] =	ssyncadd.s32 $0xFFFFEC00  }
0x3d: {  	[tilespmem:s16], [sflag:$0x1] =	stream.indirect.gather [hbm4b:s4+s15], $0x80, s23, s15, $0xb8;
	[tilespmem:$0x18800] =	vst v63  }
0x3e: {  	_ =	swait.ge [sflag:s19], $0x1400  }
.Ltmp0:
0x3f: {  	[sflag:s19] =	ssyncset.done $0x0;
	(pc) =	sbr.rel @p0 .LBB2_3-.Ltmp0, $4  }
0x40: {  	s22 =	sadd.s32 $0x1080, s22;
	[sflag:s19] =	ssyncadd.s32 $0xFFFFEC00  }
0x41: {  	[spmem:s2] =	stream.indirect.scatter.add.f32 [tilespmem:s17], [sflag:$0x3], $0x80, s22, s15, $0xb8;
	[tilespmem:$0x18800] =	vst v63  }
0x42: {  	_ =	swait.ge [sflag:s13], $0x1400  }
0x43: {  	s23 =	smov.u32 s26;
	s22 =	sshra.s32 s25, $0x2;
	[sflag:s13] =	ssyncset.done $0x0  }
0x44: {  	s23 =	sadd.s32 $0x80, s22;
	[sflag:s13] =	ssyncadd.s32 $0xFFFFEC00  }
0x45: {  	[tilespmem:s17], [sflag:$0x2] =	stream.indirect.gather [hbm4b:s4+s15], $0x80, s23, s15, $0xb8;
	[tilespmem:$0x18800] =	vst v63  }
0x46: {  	_ =	swait.ge [sflag:s18], $0x1400  }
0x47: {  	[sflag:s18] =	ssyncset.done $0x0  }
0x48: {  	s29 =	sadd.s32 $0x1000, s22;
	[sflag:s18] =	ssyncadd.s32 $0xFFFFEC00  }
0x49: {  	[spmem:s2] =	stream.indirect.scatter.add.f32 [tilespmem:s16], [sflag:$0x3], $0x80, s29, s15, $0xb8;
	[tilespmem:$0x18800] =	vst v63  }
0x4a: {  	_ =	swait.ge [sflag:s13], $0x1400  }
0x4b: {  	[sflag:s13] =	ssyncset.done $0x0  }
0x4c: {  	s30 =	sadd.s32 $0x100, s22;
	[sflag:s13] =	ssyncadd.s32 $0xFFFFEC00  }
0x4d: {  	[tilespmem:s16], [sflag:$0x1] =	stream.indirect.gather [hbm4b:s4+s15], $0x80, s30, s15, $0xb8;
	[tilespmem:$0x18800] =	vst v63  }
0x4e: {  	_ =	swait.ge [sflag:s19], $0x1400  }
0x4f: {  	[sflag:s19] =	ssyncset.done $0x0  }
0x50: {  	s31 =	sadd.s32 $0x1080, s22;
	[sflag:s19] =	ssyncadd.s32 $0xFFFFEC00  }
0x51: {  	[spmem:s2] =	stream.indirect.scatter.add.f32 [tilespmem:s17], [sflag:$0x3], $0x80, s31, s15, $0xb8;
	[tilespmem:$0x18800] =	vst v63  }
0x52: {  	_ =	swait.ge [sflag:s13], $0x1400  }
0x53: {  	[sflag:s13] =	ssyncset.done $0x0  }
0x54: {  	[sflag:s13] =	ssyncadd.s32 $0xFFFFEC00  }
0x55: {  	s21 =	sadd.s32 $0x1, s21;
	_ =	swait.ge [sflag:s18], $0x1400  }
0x56: {  	p0 =	sne.s32 s21, $0xA;
	[sflag:s18] =	ssyncset.done $0x0  }
.Ltmp1:
0x57: {  	[sflag:s18] =	ssyncadd.s32 $0xFFFFEC00;
	(pc) =	sbr.rel @p0 .LBB2_2-.Ltmp1, $4  }
0x58: {  	[spmem:s2] =	stream.indirect.scatter.add.f32 [tilespmem:s16], [sflag:$0x3], $0x80, s20, s15, $0xb8;
	[tilespmem:$0x18800] =	vst v63  }
0x59: {  	_ =	swait.ge [sflag:s13], $0x1400  }
0x5a: {  	[sflag:s13] =	ssyncset.done $0x0  }
0x5b: {  	[sflag:s13] =	ssyncadd.s32 $0xFFFFEC00  }
0x5c: {  	s3 =	sadd.s32 $0x1, s3  }
0x5d: {  	p0 =	sne.s32 s3, s11  }
.Ltmp2:
0x5e: {  	[bflag:$0x0] =	sbarrier.arrive $0xFFFF;
	(pc) =	sbr.rel @p0 .LBB2_1-.Ltmp2, $4  }
0x5f: {  	[hbm:s10], [sflag:s8] =	dma.local [spmem:s12], $0x2800  }
0x60: {  	_ =	swait.ge [sflag:s13], $0x2800  }
0x61: {  	[sflag:s13] =	ssyncset.done $0x0  }
0x62: {  	[sflag:s13] =	ssyncadd.s32 $0xFFFFD800  }
0x63: {  	_ =	sfence.sel $0x180000  }
0x64: {  	[bflag:$0x0] =	sbarrier.arrive $0xFFFF  }
0x65: {  	p0 =	sne.s32 s1, $0x0;
	_ =	strace $0x9000004A  }
0x66: {  	s0 =	sadd.s32 @!p0 $0x100000, s0;
	[bflag:$0x2] =	sbarrier.arrive $0xFFFF  }
0x67: {  	[sflag:s0] =	ssyncadd.tile.s32 @!p0 $0x1;
	_ =	shalt  }
.Lfunc_end2:
_tile_overlayer_lowered:
.L_overlay_start_2:
0x68: {  	(tag) =	ssettag $0x2  }
0x69: {  	s0 =	rddreg [dreg:$0x0];
	s2 =	stileid.u32  }
0x6a: {  	s1 =	rddreg [dreg:$0x1];
	p0 =	sne.s32 s2, $0x0  }
0x6b: {  	s3 =	rddreg [dreg:$0x2];
	[bflag:$0x3] =	sbarrier.arrive $0xFFFF;
	s2 =	simm.s32 @!p0 $0x1C03  }
0x6c: {  	[timem:s3], [sflag:s2] =	dma.local @!p0 [hbm:s0], s1  }
0x6d: {  	s0 =	simm.s32 @!p0 $0x3  }
0x6e: {  	_ =	swait.ge @!p0 [sflag:s0], s1  }
0x6f: {  	s1 =	ssub.s32 @!p0 $0x0, s1;
	[sflag:s0] =	ssyncset.done @!p0 $0x0  }
0x70: {  	[sflag:s0] =	ssyncadd.s32 @!p0 s1  }
0x71: {  	[bflag:$0x3] =	sbarrier.arrive $0xFFFF  }
0x72: {  	_ =	shalt  }

// kernel: kernel.22.cloned.1.call-start
scs
__scs_entry_jumppad:
0x0: {  	(pc) =	sbr.rel $0x88, $3  }
0x1: {  	(tag) =	ssettag $0x0;
	lr =	simm.s32 $0x1  }
0x2: {  	[smem:$0x3F73] =	sst lr;
	_ =	strace $0xD0000000  }
0x3: {  	_ = 	snop  }
0x4: {  	_ = 	snop  }
0x5: {  	_ = 	snop  }
0x6: {  	_ = 	snop  }
0x7: {  	_ = 	snop  }
__scs_overlays_trampoline_lowered:
0x8: {  	[smem:$0x3F82] =	sst s0  }
0x9: {  	[smem:$0x3F83] =	sst s1  }
0xa: {  	[smem:$0x3F84] =	sst s2  }
0xb: {  	[smem:$0x3F85] =	sst s3  }
0xc: {  	[smem:$0x3F86] =	sst s4  }
0xd: {  	[smem:$0x3F87] =	sst s5  }
0xe: {  	[smem:$0x3F88] =	sst s6  }
0xf: {  	[smem:$0x3F89] =	sst s7  }
0x10: {  	[smem:$0x3F8A] =	sst s8  }
0x11: {  	[smem:$0x3F8B] =	sst s9;
	s0 =	simm.s32 @!p0 $0x0  }
0x12: {  	s1 =	sld [smem:$0x3F71];
	s0 =	simm.s32 @p0 $0x1  }
0x13: {  	[smem:$0x3F8C] =	sst s0;
	s0 =	simm.s32 @!p1 $0x0  }
0x14: {  	s2 =	sld [smem:$0x3F70];
	s0 =	simm.s32 @p1 $0x1  }
0x15: {  	[smem:$0x3F8D] =	sst s0;
	s0 =	simm.s32 @!p2 $0x0  }
0x16: {  	s3 =	sld [smem:$0x3FDB];
	s0 =	simm.s32 @p2 $0x1  }
0x17: {  	s4 =	simm.s32 $0x1BF5;
	[smem:$0x3F8F] =	sst s0  }
0x18: {  	s0 =	sld [smem:$0x3F72];
	_ =	swait.ge [sflag:s4], $0x0  }
0x19: {  	s7 =	sld [smem:$0x3F73]  }
0x1a: {  	s8 =	sadd.s32 $0xFFFFE003, lr  }
0x1b: {  	s9 =	sadd.s32 $0xFFFFFEF7, lr;
	s5 =	simm.s32 $0xFFFFFFFF;
	p2 =	slt.u32 s8, $0xFFFFF086  }
0x1c: {  	p1 =	slt.u32 s9, $0xF7A;
	s5 =	simm.s32 @!p2 $0x0  }
0x1d: {  	s5 =	simm.s32 @p1 $0x1;
	p0 =	seq.s32 s7, s2  }
0x1e: {  	s7 =	smul.u32 @!p0 $0xF7A, s2;
	p2 =	seq.s32 @!p0 s5, $0x0  }
0x1f: {  	s9 =	smul.u32 $0xF7A, s1;
	s8 =	simm.s32 @!p0 $0x1BF5;
	p2 =	por !p2, p0  }
0x20: {  	[sflag:s8] =	ssyncset.s32 @!p0 $0xFFFFF086;
	s6 =	sadd.s32 @!p0 s3, s7;
	s7 =	simm.s32 @!p0 $0x108  }
0x21: {  	s3 =	sadd.s32 s3, s9;
	s6 =	sadd.s32 @!p0 $0x88, s6;
	s7 =	simm.s32 @p2 $0x1082  }
0x22: {  	[simem:s7], [sflag:s8] =	dma.local @!p0 [hbm:s6], $0xF7A  }
0x23: {  	s9 =	sor.u32 $0xD0000000, s2;
	s6 =	simm.s32 $0x108;
	_ =	swait.ge @!p0 [sflag:s8], $0x0  }
0x24: {  	s3 =	sadd.s32 $0x88, s3;
	s6 =	simm.s32 @!p1 $0x1082;
	[sflag:s4] =	ssyncset.s32 $0xFFFFF086  }
0x25: {  	[simem:s6], [sflag:s4] =	dma.local [hbm:s3], $0xF7A  }
0x26: {  	[smem:$0x3F73] =	sst s1;
	(tag) =	ssettag s2;
	_ =	strace s9  }
0x27: {  	s1 =	sld [smem:$0x3F83]  }
0x28: {  	s2 =	sld [smem:$0x3F84]  }
0x29: {  	s4 =	sld [smem:$0x3F86]  }
0x2a: {  	p0 =	seq.s32 s5, $0x0;
	s5 =	sld [smem:$0x3F87]  }
0x2b: {  	s6 =	sld [smem:$0x3F88]  }
0x2c: {  	s7 =	sld [smem:$0x3F89]  }
0x2d: {  	s3 =	simm.s32 $0x108;
	s8 =	sld [smem:$0x3F8A]  }
0x2e: {  	s3 =	simm.s32 @!p0 $0x1082;
	s9 =	sld [smem:$0x3F8B]  }
0x2f: {  	lr =	sadd.s32 s0, s3;
	s0 =	sld [smem:$0x3F82]  }
0x30: {  	s3 =	sld [smem:$0x3F85]  }
0x31: {  	[smem:$0x3F8E] =	sst s10  }
0x32: {  	s10 =	sld [smem:$0x3F8C];
	_ =	sdelay $0x3  }
0x33: {  	p0 =	seq.s32 s10, $0x1;
	s10 =	sld [smem:$0x3F8E];
	_ =	sdelay $0x3  }
0x34: {  	[smem:$0x3F8E] =	sst s10  }
0x35: {  	s10 =	sld [smem:$0x3F8D];
	_ =	sdelay $0x3  }
0x36: {  	p1 =	seq.s32 s10, $0x1;
	s10 =	sld [smem:$0x3F8E];
	_ =	sdelay $0x3  }
0x37: {  	[smem:$0x3F8E] =	sst s10  }
0x38: {  	s10 =	sld [smem:$0x3F8F]  }
0x39: {  	_ = 	snop;
	(pc) =	sbr.ind lr, $3  }
0x3a: {  	_ = 	snop  }
0x3b: {  	_ = 	snop  }
0x3c: {  	p2 =	seq.s32 s10, $0x1;
	s10 =	sld [smem:$0x3F8E]  }
0x3d: {  	_ =	shalt  }
0x3e: {  	_ =	shalt  }
0x3f: {  	_ =	shalt  }
0x40: {  	_ =	shalt  }
0x41: {  	_ =	shalt  }
0x42: {  	_ =	shalt  }
0x43: {  	_ =	shalt  }
0x44: {  	_ =	shalt  }
0x45: {  	_ =	shalt  }
0x46: {  	_ =	shalt  }
0x47: {  	_ =	shalt  }
0x48: {  	_ =	shalt  }
0x49: {  	_ =	shalt  }
0x4a: {  	_ =	shalt  }
0x4b: {  	_ =	shalt  }
0x4c: {  	_ =	shalt  }
0x4d: {  	_ =	shalt  }
0x4e: {  	_ =	shalt  }
0x4f: {  	_ =	shalt  }
0x50: {  	_ =	shalt  }
0x51: {  	_ =	shalt  }
0x52: {  	_ =	shalt  }
0x53: {  	_ =	shalt  }
0x54: {  	_ =	shalt  }
0x55: {  	_ =	shalt  }
0x56: {  	_ =	shalt  }
0x57: {  	_ =	shalt  }
0x58: {  	_ =	shalt  }
0x59: {  	_ =	shalt  }
0x5a: {  	_ =	shalt  }
0x5b: {  	_ =	shalt  }
0x5c: {  	_ =	shalt  }
0x5d: {  	_ =	shalt  }
0x5e: {  	_ =	shalt  }
0x5f: {  	_ =	shalt  }
0x60: {  	_ =	shalt  }
0x61: {  	_ =	shalt  }
0x62: {  	_ =	shalt  }
0x63: {  	_ =	shalt  }
0x64: {  	_ =	shalt  }
0x65: {  	_ =	shalt  }
0x66: {  	_ =	shalt  }
0x67: {  	_ =	shalt  }
0x68: {  	_ =	shalt  }
0x69: {  	_ =	shalt  }
0x6a: {  	_ =	shalt  }
0x6b: {  	_ =	shalt  }
0x6c: {  	_ =	shalt  }
0x6d: {  	_ =	shalt  }
0x6e: {  	_ =	shalt  }
0x6f: {  	_ =	shalt  }
0x70: {  	_ =	shalt  }
0x71: {  	_ =	shalt  }
0x72: {  	_ =	shalt  }
0x73: {  	_ =	shalt  }
0x74: {  	_ =	shalt  }
0x75: {  	_ =	shalt  }
0x76: {  	_ =	shalt  }
0x77: {  	_ =	shalt  }
0x78: {  	_ =	shalt  }
0x79: {  	_ =	shalt  }
0x7a: {  	_ =	shalt  }
0x7b: {  	_ =	shalt  }
0x7c: {  	_ =	shalt  }
0x7d: {  	_ =	shalt  }
0x7e: {  	_ =	shalt  }
0x7f: {  	_ =	shalt  }
0x80: {  	_ =	shalt  }
0x81: {  	_ =	shalt  }
0x82: {  	_ =	shalt  }
0x83: {  	_ =	shalt  }
0x84: {  	_ =	shalt  }
0x85: {  	_ =	shalt  }
0x86: {  	_ =	shalt  }
0x87: {  	_ =	shalt  }
.Lfunc_end0:
.L_simem_size_0:
called_computation.2_lowered:
.L_overlay_start_0:
0x88: {  	s2 =	sld [smem:$0x3FD9]  }
0x89: {  	s3 =	sld [smem:$0x3FFE];
	_ =	sdelay $0x1  }
0x8a: {  	s1 =	srdreg.scid  }
0x8b: {  	s0 =	sand.u32 $0x1, s1  }
0x8c: {  	s16 =	sshll.u32 s0, $0xA;
	s2 =	sadd.s32 s3, s2  }
0x8d: {  	s2 =	sadd.s32 s2, s16  }
0x8e: {  	[smem:$0x3F9A] =	sst s2  }
0x8f: {  	_ = 	snop  }
0x90: {  	(tm) =	ssettm $0x1  }
0x91: {  	s17 =	sld [smem:$0x3FFB];
	_ =	sdelay $0x3  }
0x92: {  	_ =	strace s17  }
0x93: {  	s2 =	sld [smem:$0x3FFC];
	_ =	sdelay $0x3  }
0x94: {  	_ =	strace s2  }
0x95: {  	s2 =	sld [smem:$0x3FFD];
	_ =	sdelay $0x3  }
0x96: {  	_ =	strace s2  }
0x97: {  	_ =	strace $0x8FFFFFFF  }
0x98: {  	s18 =	sld [smem:$0x3FDB];
	_ =	sdelay $0x1  }
0x99: {  	s19 =	simm.s32 $_scs_section_size  }
0x9a: {  	s4 =	simm.s32 $_size__tile_overlayer_lowered;
	s5 =	simm.s32 $_tile_overlayer_lowered  }
0x9b: {  	s22 =	simm.s32 $0x1BFF;
	s21 =	sshll.u32 s5, $0x1;
	s2 =	sadd.s32 s19, s18  }
0x9c: {  	s6 =	simm.s32 $0x0;
	s20 =	sshll.u32 s4, $0x1;
	s4 =	sadd.s32 s21, s2  }
0x9d: {  	[timem:s6], [sflag:s22] =	dma.local [hbm:s4], s20  }
0x9e: {  	_ =	swait.ge [sflag:s22], s20  }
0x9f: {  	s3 =	ssub.s32 $0x0, s20;
	[sflag:s22] =	ssyncset.done $0x0  }
0xa0: {  	[sflag:s22] =	ssyncadd.s32 s3;
	_ =	sdelay $0x1  }
0xa1: {  	s23 =	simm.s32 $0x1B8B  }
0xa2: {  	_ =	swait.ge [sflag:s23], $0x1  }
0xa3: {  	[sflag:s23] =	ssyncset.done $0x0  }
0xa4: {  	s25 =	simm.s32 $0x1B8E;
	s24 =	sld [smem:$0x3FFE];
	[sflag:s23] =	ssyncadd.s32 $0xFFFFFFFF  }
0xa5: {  	s26 =	simm.s32 $execute0_lowered;
	[smem:$0x3FD2] =	sst s25  }
0xa6: {  	s4 =	sshll.u32 s26, $0x1;
	_ =	strace $0x8000004C;
	[dreg:$0x1] =	wrdreg $0xFFFFFFFF  }
0xa7: {  	s28 =	simm.s32 $_size_execute0_lowered;
	s2 =	sadd.s32 s2, s4;
	[dreg:$0x0] =	wrdreg $0x0  }
0xa8: {  	s4 =	sshll.u32 s28, $0x1;
	[dreg:$0x2] =	wrdreg s2  }
0xa9: {  	[dreg:$0x3] =	wrdreg s4  }
0xaa: {  	[dreg:$0x4] =	wrdreg $0xC0  }
0xab: {  	_ =	task [dreg:s6], $0x5FFFF  }
0xac: {  	[dreg:$0x1] =	wrdreg $0xFFFFFFFF  }
0xad: {  	[dreg:$0x0] =	wrdreg $0x60  }
0xae: {  	[dreg:$0x2] =	wrdreg s24  }
0xaf: {  	[dreg:$0x3] =	wrdreg $0x48000  }
0xb0: {  	[dreg:$0x4] =	wrdreg $0x9  }
0xb1: {  	_ =	task.clear_ibuf [dreg:s6], $0x5FFFF;
	_ =	strace $0x9000004C  }
0xb2: {  	s29 =	simm.s32 $0x9;
	_ =	strace $0x8000004E  }
0xb3: {  	_ =	swait.ge [sflag:s29], $0x1  }
0xb4: {  	[sflag:s29] =	ssyncadd.s32 $0xFFFFFFFF  }
0xb5: {  	_ =	strace $0x9000004E  }
0xb6: {  	_ =	sfence  }
0xb7: {  	s30 =	sld [smem:$0x0];
	_ =	sdelay $0x2  }
0xb8: {  	s31 =	sshll.u32 s1, $0xD;
	s1 =	sshrl.u32 s1, $0x2  }
0xb9: {  	s3 =	sand.u32 $0x4000, s31;
	s1 =	sadd.s32 s1, s30  }
0xba: {  	s0 =	sor.u32 s3, s0;
	s1 =	sshll.u32 s1, $0x11  }
0xbb: {  	s0 =	sor.u32 s1, s0  }
0xbc: {  	s0 =	sadd.s32 $0x8F2B, s0  }
0xbd: {  	[sflag:s0] =	ssyncadd.remote.s32 $0x1  }
0xbe: {  	_ =	sfence.sel $0xFFFF  }
0xbf: {  	[dreg:$0x0] =	wrdreg $0xFFFFFFFF;
	(pc) =	sbr.abs _section_cstart, $3  }
0xc0: {  	[dreg:$0x1] =	wrdreg $0xFFFFFFFF  }
0xc1: {  	_ =	task.clear_ibuf [dreg:s6], $0x2FFFF;
	_ =	strace $0x9FFFFFFF  }
0xc2: {  	(tm) =	ssettm $0x7FFFFFFF  }
0xc3: {  	_ =	shalt  }
tec
execute0_lowered:
.L_overlay_start_1:
0x0: {  	(tag) =	ssettag $0x1  }
0x1: {  	s7 =	rddreg [dreg:$0x0]  }
0x2: {  	s2 =	rddreg [dreg:$0x1]  }
0x3: {  	s0 =	rddreg [dreg:$0x2]  }
0x4: {  	s3 =	simm.s32 $0x0;
	s1 =	stileid.u32;
	s4 =	srdreg.scid  }
0x5: {  	s15 =	simm.s32 $0x28;
	s16 =	simm.s32 $0x2000;
	s17 =	simm.s32 $0x3400  }
0x6: {  	s18 =	simm.s32 $0x1;
	s19 =	simm.s32 $0x2;
	s20 =	simm.s32 $0x1C00  }
0x7: {  	[smem:$0x7FF] =	sst s3;
	s8 =	smul.u32 $0x14000, s1;
	s9 =	sand.u32 $0x1, s4  }
0x8: {  	s4 =	sadd.s32 $0x89A00, s7;
	s5 =	sadd.s32 $0xD9A00, s7;
	s6 =	sadd.s32 $0x9A00, s7  }
0x9: {  	s13 =	smul.u32 $0x50000, s1;
	s29 =	sshll.u32 s1, $0x1;
	s31 =	sshll.u32 s1, $0x6  }
0xa: {  	_ =	strace $0x8000004D;
	s10 =	smul.u32 $0x140000, s9;
	s28 =	ssub.s32 $0x2, s9  }
0xb: {  	s9 =	sor.u32 s9, s29;
	s11 =	sshrl.u32 s8, $0x3;
	s12 =	sshrl.u32 s28, $0x1  }
0xc: {  	s30 =	sshrl.u32 s13, $0x2;
	s9 =	smul.u32 $0xA000, s9;
	s8 =	sadd.s32 s8, s10  }
0xd: {  	s11 =	sadd.s32 s11, s7;
	s12 =	ssub.s32 s28, s12;
	s8 =	sshrl.u32 s8, $0x3  }
0xe: {  	s13 =	sadd.s32 s30, s2;
	s14 =	sadd.s32 s8, s7;
	s7 =	sadd.s32 $0x61A00, s11  }
0xf: {  	s8 =	sor.u32 $0x1C03, s31;
	s11 =	smax.u32 s12, $0x1;
	s12 =	sshrl.u32 s13, $0x3  }
0x10: {  	s13 =	simm.s32 $0x3;
	s10 =	sadd.s32 $0x101A00, s14;
	s14 =	simm.s32 $0x1000  }
.LBB2_1:
0x11: {  	[spmem:s12], [sflag:s8] =	dma.local [hbm:s7], $0x2800  }
0x12: {  	_ =	swait.ge [sflag:s13], $0x2800  }
0x13: {  	[sflag:s13] =	ssyncset.done $0x0  }
0x14: {  	[sflag:s13] =	ssyncadd.s32 $0xFFFFD800  }
0x15: {  	s21 =	simm.s32 $0x0;
	[bflag:$0x0] =	sbarrier.arrive $0xFFFF  }
.LBB2_2:
0x16: {  	s22 =	sshll.u32 s21, $0xC  }
0x17: {  	s22 =	sadd.s32 s9, s22  }
0x18: {  	s22 =	sshrl.u32 s22, $0x3  }
0x19: {  	s24 =	simm.s32 $0x0;
	s23 =	sadd.s32 s5, s22  }
0x1a: {  	[tilespmem:s24], [sflag:$0x3] =	stream.linear.gather [hbm4b:s23+s24], $0xC80, $0x38;
	[tilespmem:$0x18800] =	vst v63  }
0x1b: {  	_ =	swait.ge [sflag:s13], $0xC80  }
0x1c: {  	[sflag:s13] =	ssyncset.done $0x0  }
0x1d: {  	s22 =	sadd.s32 s6, s22;
	[sflag:s13] =	ssyncadd.s32 $0xFFFFF380  }
0x1e: {  	[tilespmem:s14], [sflag:$0x3] =	stream.linear.gather [hbm4b:s22+s24], $0xC80, $0x38;
	[tilespmem:$0x18800] =	vst v63  }
0x1f: {  	_ =	swait.ge [sflag:s13], $0xC80  }
0x20: {  	[sflag:s13] =	ssyncset.done $0x0  }
0x21: {  	[sflag:s13] =	ssyncadd.s32 $0xFFFFF380  }
0x22: {  	[tilespmem:s16], [sflag:$0x1] =	stream.indirect.gather [hbm4b:s4+s15], $0x80, s24, s15, $0xb8;
	[tilespmem:$0x18800] =	vst v63  }
0x23: {  	s28 =	simm.s32 $0x80  }
0x24: {  	[tilespmem:s17], [sflag:$0x2] =	stream.indirect.gather [hbm4b:s4+s15], $0x80, s28, s15, $0xb8;
	[tilespmem:$0x18800] =	vst v63  }
0x25: {  	_ =	swait.ge [sflag:s18], $0x1400  }
0x26: {  	[sflag:s18] =	ssyncset.done $0x0  }
0x27: {  	s29 =	simm.s32 $0x1000;
	[sflag:s18] =	ssyncadd.s32 $0xFFFFEC00  }
0x28: {  	[spmem:s2] =	stream.indirect.scatter.add.f32 [tilespmem:s16], [sflag:$0x3], $0x80, s29, s15, $0xb8;
	[tilespmem:$0x18800] =	vst v63  }
0x29: {  	_ =	swait.ge [sflag:s13], $0x1400  }
0x2a: {  	[sflag:s13] =	ssyncset.done $0x0  }
0x2b: {  	s30 =	simm.s32 $0x100;
	[sflag:s13] =	ssyncadd.s32 $0xFFFFEC00  }
0x2c: {  	[tilespmem:s16], [sflag:$0x1] =	stream.indirect.gather [hbm4b:s4+s15], $0x80, s30, s15, $0xb8;
	[tilespmem:$0x18800] =	vst v63  }
0x2d: {  	_ =	swait.ge [sflag:s19], $0x1400  }
0x2e: {  	[sflag:s19] =	ssyncset.done $0x0  }
0x2f: {  	s31 =	simm.s32 $0x1080;
	[sflag:s19] =	ssyncadd.s32 $0xFFFFEC00  }
0x30: {  	[spmem:s2] =	stream.indirect.scatter.add.f32 [tilespmem:s17], [sflag:$0x3], $0x80, s31, s15, $0xb8;
	[tilespmem:$0x18800] =	vst v63  }
0x31: {  	_ =	swait.ge [sflag:s13], $0x1400  }
0x32: {  	s23 =	simm.s32 $0x800;
	s22 =	simm.s32 $0x100;
	[sflag:s13] =	ssyncset.done $0x0  }
.LBB2_3:
0x33: {  	s24 =	sadd.s32 $0x80, s22  }
0x34: {  	[sflag:s13] =	ssyncadd.s32 $0xFFFFEC00;
	s25 =	smov.u32 s23;
	s26 =	sadd.s32 $0x400, s23  }
0x35: {  	[tilespmem:s17], [sflag:$0x2] =	stream.indirect.gather [hbm4b:s4+s15], $0x80, s24, s15, $0xb8;
	[tilespmem:$0x18800] =	vst v63  }
0x36: {  	p0 =	sne.s32 s23, $0x2C00;
	_ =	swait.ge [sflag:s18], $0x1400  }
0x37: {  	[sflag:s18] =	ssyncset.done $0x0  }
0x38: {  	s23 =	sadd.s32 $0x1000, s22;
	[sflag:s18] =	ssyncadd.s32 $0xFFFFEC00  }
0x39: {  	[spmem:s2] =	stream.indirect.scatter.add.f32 [tilespmem:s16], [sflag:$0x3], $0x80, s23, s15, $0xb8;
	[tilespmem:$0x18800] =	vst v63  }
0x3a: {  	_ =	swait.ge [sflag:s13], $0x1400  }
0x3b: {  	[sflag:s13] =	ssyncset.done $0x0  }
0x3c: {  	s23 =	sadd.s32 $0x100, s22;
	[sflag:s13] =	ssyncadd.s32 $0xFFFFEC00  }
0x3d: {  	[tilespmem:s16], [sflag:$0x1] =	stream.indirect.gather [hbm4b:s4+s15], $0x80, s23, s15, $0xb8;
	[tilespmem:$0x18800] =	vst v63  }
0x3e: {  	_ =	swait.ge [sflag:s19], $0x1400  }
.Ltmp0:
0x3f: {  	[sflag:s19] =	ssyncset.done $0x0;
	(pc) =	sbr.rel @p0 .LBB2_3-.Ltmp0, $4  }
0x40: {  	s22 =	sadd.s32 $0x1080, s22;
	[sflag:s19] =	ssyncadd.s32 $0xFFFFEC00  }
0x41: {  	[spmem:s2] =	stream.indirect.scatter.add.f32 [tilespmem:s17], [sflag:$0x3], $0x80, s22, s15, $0xb8;
	[tilespmem:$0x18800] =	vst v63  }
0x42: {  	_ =	swait.ge [sflag:s13], $0x1400  }
0x43: {  	s23 =	smov.u32 s26;
	s22 =	sshra.s32 s25, $0x2;
	[sflag:s13] =	ssyncset.done $0x0  }
0x44: {  	s23 =	sadd.s32 $0x80, s22;
	[sflag:s13] =	ssyncadd.s32 $0xFFFFEC00  }
0x45: {  	[tilespmem:s17], [sflag:$0x2] =	stream.indirect.gather [hbm4b:s4+s15], $0x80, s23, s15, $0xb8;
	[tilespmem:$0x18800] =	vst v63  }
0x46: {  	_ =	swait.ge [sflag:s18], $0x1400  }
0x47: {  	[sflag:s18] =	ssyncset.done $0x0  }
0x48: {  	s29 =	sadd.s32 $0x1000, s22;
	[sflag:s18] =	ssyncadd.s32 $0xFFFFEC00  }
0x49: {  	[spmem:s2] =	stream.indirect.scatter.add.f32 [tilespmem:s16], [sflag:$0x3], $0x80, s29, s15, $0xb8;
	[tilespmem:$0x18800] =	vst v63  }
0x4a: {  	_ =	swait.ge [sflag:s13], $0x1400  }
0x4b: {  	[sflag:s13] =	ssyncset.done $0x0  }
0x4c: {  	s30 =	sadd.s32 $0x100, s22;
	[sflag:s13] =	ssyncadd.s32 $0xFFFFEC00  }
0x4d: {  	[tilespmem:s16], [sflag:$0x1] =	stream.indirect.gather [hbm4b:s4+s15], $0x80, s30, s15, $0xb8;
	[tilespmem:$0x18800] =	vst v63  }
0x4e: {  	_ =	swait.ge [sflag:s19], $0x1400  }
0x4f: {  	[sflag:s19] =	ssyncset.done $0x0  }
0x50: {  	s31 =	sadd.s32 $0x1080, s22;
	[sflag:s19] =	ssyncadd.s32 $0xFFFFEC00  }
0x51: {  	[spmem:s2] =	stream.indirect.scatter.add.f32 [tilespmem:s17], [sflag:$0x3], $0x80, s31, s15, $0xb8;
	[tilespmem:$0x18800] =	vst v63  }
0x52: {  	_ =	swait.ge [sflag:s13], $0x1400  }
0x53: {  	[sflag:s13] =	ssyncset.done $0x0  }
0x54: {  	[sflag:s13] =	ssyncadd.s32 $0xFFFFEC00  }
0x55: {  	s21 =	sadd.s32 $0x1, s21;
	_ =	swait.ge [sflag:s18], $0x1400  }
0x56: {  	p0 =	sne.s32 s21, $0xA;
	[sflag:s18] =	ssyncset.done $0x0  }
.Ltmp1:
0x57: {  	[sflag:s18] =	ssyncadd.s32 $0xFFFFEC00;
	(pc) =	sbr.rel @p0 .LBB2_2-.Ltmp1, $4  }
0x58: {  	[spmem:s2] =	stream.indirect.scatter.add.f32 [tilespmem:s16], [sflag:$0x3], $0x80, s20, s15, $0xb8;
	[tilespmem:$0x18800] =	vst v63  }
0x59: {  	_ =	swait.ge [sflag:s13], $0x1400  }
0x5a: {  	[sflag:s13] =	ssyncset.done $0x0  }
0x5b: {  	[sflag:s13] =	ssyncadd.s32 $0xFFFFEC00  }
0x5c: {  	s3 =	sadd.s32 $0x1, s3  }
0x5d: {  	p0 =	sne.s32 s3, s11  }
.Ltmp2:
0x5e: {  	[bflag:$0x0] =	sbarrier.arrive $0xFFFF;
	(pc) =	sbr.rel @p0 .LBB2_1-.Ltmp2, $4  }
0x5f: {  	[hbm:s10], [sflag:s8] =	dma.local [spmem:s12], $0x2800  }
0x60: {  	_ =	swait.ge [sflag:s13], $0x2800  }
0x61: {  	[sflag:s13] =	ssyncset.done $0x0  }
0x62: {  	[sflag:s13] =	ssyncadd.s32 $0xFFFFD800  }
0x63: {  	_ =	sfence.sel $0x180000  }
0x64: {  	[bflag:$0x0] =	sbarrier.arrive $0xFFFF  }
0x65: {  	p0 =	sne.s32 s1, $0x0;
	_ =	strace $0x9000004D  }
0x66: {  	s0 =	sadd.s32 @!p0 $0x100000, s0;
	[bflag:$0x2] =	sbarrier.arrive $0xFFFF  }
0x67: {  	[sflag:s0] =	ssyncadd.tile.s32 @!p0 $0x1;
	_ =	shalt  }
.Lfunc_end2:
_tile_overlayer_lowered:
.L_overlay_start_2:
0x68: {  	(tag) =	ssettag $0x2  }
0x69: {  	s0 =	rddreg [dreg:$0x0];
	s2 =	stileid.u32  }
0x6a: {  	s1 =	rddreg [dreg:$0x1];
	p0 =	sne.s32 s2, $0x0  }
0x6b: {  	s3 =	rddreg [dreg:$0x2];
	[bflag:$0x3] =	sbarrier.arrive $0xFFFF;
	s2 =	simm.s32 @!p0 $0x1C03  }
0x6c: {  	[timem:s3], [sflag:s2] =	dma.local @!p0 [hbm:s0], s1  }
0x6d: {  	s0 =	simm.s32 @!p0 $0x3  }
0x6e: {  	_ =	swait.ge @!p0 [sflag:s0], s1  }
0x6f: {  	s1 =	ssub.s32 @!p0 $0x0, s1;
	[sflag:s0] =	ssyncset.done @!p0 $0x0  }
0x70: {  	[sflag:s0] =	ssyncadd.s32 @!p0 s1  }
0x71: {  	[bflag:$0x3] =	sbarrier.arrive $0xFFFF  }
0x72: {  	_ =	shalt  }

// kernel: kernel.25.cloned.1.call-start
scs
__scs_entry_jumppad:
0x0: {  	(pc) =	sbr.rel $0x88, $3  }
0x1: {  	(tag) =	ssettag $0x0;
	lr =	simm.s32 $0x1  }
0x2: {  	[smem:$0x3F73] =	sst lr;
	_ =	strace $0xD0000000  }
0x3: {  	_ = 	snop  }
0x4: {  	_ = 	snop  }
0x5: {  	_ = 	snop  }
0x6: {  	_ = 	snop  }
0x7: {  	_ = 	snop  }
__scs_overlays_trampoline_lowered:
0x8: {  	[smem:$0x3F82] =	sst s0  }
0x9: {  	[smem:$0x3F83] =	sst s1  }
0xa: {  	[smem:$0x3F84] =	sst s2  }
0xb: {  	[smem:$0x3F85] =	sst s3  }
0xc: {  	[smem:$0x3F86] =	sst s4  }
0xd: {  	[smem:$0x3F87] =	sst s5  }
0xe: {  	[smem:$0x3F88] =	sst s6  }
0xf: {  	[smem:$0x3F89] =	sst s7  }
0x10: {  	[smem:$0x3F8A] =	sst s8  }
0x11: {  	[smem:$0x3F8B] =	sst s9;
	s0 =	simm.s32 @!p0 $0x0  }
0x12: {  	s1 =	sld [smem:$0x3F71];
	s0 =	simm.s32 @p0 $0x1  }
0x13: {  	[smem:$0x3F8C] =	sst s0;
	s0 =	simm.s32 @!p1 $0x0  }
0x14: {  	s2 =	sld [smem:$0x3F70];
	s0 =	simm.s32 @p1 $0x1  }
0x15: {  	[smem:$0x3F8D] =	sst s0;
	s0 =	simm.s32 @!p2 $0x0  }
0x16: {  	s3 =	sld [smem:$0x3FDB];
	s0 =	simm.s32 @p2 $0x1  }
0x17: {  	s4 =	simm.s32 $0x1BF5;
	[smem:$0x3F8F] =	sst s0  }
0x18: {  	s0 =	sld [smem:$0x3F72];
	_ =	swait.ge [sflag:s4], $0x0  }
0x19: {  	s7 =	sld [smem:$0x3F73]  }
0x1a: {  	s8 =	sadd.s32 $0xFFFFE003, lr  }
0x1b: {  	s9 =	sadd.s32 $0xFFFFFEF7, lr;
	s5 =	simm.s32 $0xFFFFFFFF;
	p2 =	slt.u32 s8, $0xFFFFF086  }
0x1c: {  	p1 =	slt.u32 s9, $0xF7A;
	s5 =	simm.s32 @!p2 $0x0  }
0x1d: {  	s5 =	simm.s32 @p1 $0x1;
	p0 =	seq.s32 s7, s2  }
0x1e: {  	s7 =	smul.u32 @!p0 $0xF7A, s2;
	p2 =	seq.s32 @!p0 s5, $0x0  }
0x1f: {  	s9 =	smul.u32 $0xF7A, s1;
	s8 =	simm.s32 @!p0 $0x1BF5;
	p2 =	por !p2, p0  }
0x20: {  	[sflag:s8] =	ssyncset.s32 @!p0 $0xFFFFF086;
	s6 =	sadd.s32 @!p0 s3, s7;
	s7 =	simm.s32 @!p0 $0x108  }
0x21: {  	s3 =	sadd.s32 s3, s9;
	s6 =	sadd.s32 @!p0 $0x88, s6;
	s7 =	simm.s32 @p2 $0x1082  }
0x22: {  	[simem:s7], [sflag:s8] =	dma.local @!p0 [hbm:s6], $0xF7A  }
0x23: {  	s9 =	sor.u32 $0xD0000000, s2;
	s6 =	simm.s32 $0x108;
	_ =	swait.ge @!p0 [sflag:s8], $0x0  }
0x24: {  	s3 =	sadd.s32 $0x88, s3;
	s6 =	simm.s32 @!p1 $0x1082;
	[sflag:s4] =	ssyncset.s32 $0xFFFFF086  }
0x25: {  	[simem:s6], [sflag:s4] =	dma.local [hbm:s3], $0xF7A  }
0x26: {  	[smem:$0x3F73] =	sst s1;
	(tag) =	ssettag s2;
	_ =	strace s9  }
0x27: {  	s1 =	sld [smem:$0x3F83]  }
0x28: {  	s2 =	sld [smem:$0x3F84]  }
0x29: {  	s4 =	sld [smem:$0x3F86]  }
0x2a: {  	p0 =	seq.s32 s5, $0x0;
	s5 =	sld [smem:$0x3F87]  }
0x2b: {  	s6 =	sld [smem:$0x3F88]  }
0x2c: {  	s7 =	sld [smem:$0x3F89]  }
0x2d: {  	s3 =	simm.s32 $0x108;
	s8 =	sld [smem:$0x3F8A]  }
0x2e: {  	s3 =	simm.s32 @!p0 $0x1082;
	s9 =	sld [smem:$0x3F8B]  }
0x2f: {  	lr =	sadd.s32 s0, s3;
	s0 =	sld [smem:$0x3F82]  }
0x30: {  	s3 =	sld [smem:$0x3F85]  }
0x31: {  	[smem:$0x3F8E] =	sst s10  }
0x32: {  	s10 =	sld [smem:$0x3F8C];
	_ =	sdelay $0x3  }
0x33: {  	p0 =	seq.s32 s10, $0x1;
	s10 =	sld [smem:$0x3F8E];
	_ =	sdelay $0x3  }
0x34: {  	[smem:$0x3F8E] =	sst s10  }
0x35: {  	s10 =	sld [smem:$0x3F8D];
	_ =	sdelay $0x3  }
0x36: {  	p1 =	seq.s32 s10, $0x1;
	s10 =	sld [smem:$0x3F8E];
	_ =	sdelay $0x3  }
0x37: {  	[smem:$0x3F8E] =	sst s10  }
0x38: {  	s10 =	sld [smem:$0x3F8F]  }
0x39: {  	_ = 	snop;
	(pc) =	sbr.ind lr, $3  }
0x3a: {  	_ = 	snop  }
0x3b: {  	_ = 	snop  }
0x3c: {  	p2 =	seq.s32 s10, $0x1;
	s10 =	sld [smem:$0x3F8E]  }
0x3d: {  	_ =	shalt  }
0x3e: {  	_ =	shalt  }
0x3f: {  	_ =	shalt  }
0x40: {  	_ =	shalt  }
0x41: {  	_ =	shalt  }
0x42: {  	_ =	shalt  }
0x43: {  	_ =	shalt  }
0x44: {  	_ =	shalt  }
0x45: {  	_ =	shalt  }
0x46: {  	_ =	shalt  }
0x47: {  	_ =	shalt  }
0x48: {  	_ =	shalt  }
0x49: {  	_ =	shalt  }
0x4a: {  	_ =	shalt  }
0x4b: {  	_ =	shalt  }
0x4c: {  	_ =	shalt  }
0x4d: {  	_ =	shalt  }
0x4e: {  	_ =	shalt  }
0x4f: {  	_ =	shalt  }
0x50: {  	_ =	shalt  }
0x51: {  	_ =	shalt  }
0x52: {  	_ =	shalt  }
0x53: {  	_ =	shalt  }
0x54: {  	_ =	shalt  }
0x55: {  	_ =	shalt  }
0x56: {  	_ =	shalt  }
0x57: {  	_ =	shalt  }
0x58: {  	_ =	shalt  }
0x59: {  	_ =	shalt  }
0x5a: {  	_ =	shalt  }
0x5b: {  	_ =	shalt  }
0x5c: {  	_ =	shalt  }
0x5d: {  	_ =	shalt  }
0x5e: {  	_ =	shalt  }
0x5f: {  	_ =	shalt  }
0x60: {  	_ =	shalt  }
0x61: {  	_ =	shalt  }
0x62: {  	_ =	shalt  }
0x63: {  	_ =	shalt  }
0x64: {  	_ =	shalt  }
0x65: {  	_ =	shalt  }
0x66: {  	_ =	shalt  }
0x67: {  	_ =	shalt  }
0x68: {  	_ =	shalt  }
0x69: {  	_ =	shalt  }
0x6a: {  	_ =	shalt  }
0x6b: {  	_ =	shalt  }
0x6c: {  	_ =	shalt  }
0x6d: {  	_ =	shalt  }
0x6e: {  	_ =	shalt  }
0x6f: {  	_ =	shalt  }
0x70: {  	_ =	shalt  }
0x71: {  	_ =	shalt  }
0x72: {  	_ =	shalt  }
0x73: {  	_ =	shalt  }
0x74: {  	_ =	shalt  }
0x75: {  	_ =	shalt  }
0x76: {  	_ =	shalt  }
0x77: {  	_ =	shalt  }
0x78: {  	_ =	shalt  }
0x79: {  	_ =	shalt  }
0x7a: {  	_ =	shalt  }
0x7b: {  	_ =	shalt  }
0x7c: {  	_ =	shalt  }
0x7d: {  	_ =	shalt  }
0x7e: {  	_ =	shalt  }
0x7f: {  	_ =	shalt  }
0x80: {  	_ =	shalt  }
0x81: {  	_ =	shalt  }
0x82: {  	_ =	shalt  }
0x83: {  	_ =	shalt  }
0x84: {  	_ =	shalt  }
0x85: {  	_ =	shalt  }
0x86: {  	_ =	shalt  }
0x87: {  	_ =	shalt  }
.Lfunc_end0:
.L_simem_size_0:
called_computation.3_lowered:
.L_overlay_start_0:
0x88: {  	s2 =	sld [smem:$0x3FD9]  }
0x89: {  	s3 =	sld [smem:$0x3FFE];
	_ =	sdelay $0x1  }
0x8a: {  	s1 =	srdreg.scid  }
0x8b: {  	s0 =	sand.u32 $0x1, s1  }
0x8c: {  	s16 =	sshll.u32 s0, $0xA;
	s2 =	sadd.s32 s3, s2  }
0x8d: {  	s2 =	sadd.s32 s2, s16  }
0x8e: {  	[smem:$0x3F9A] =	sst s2  }
0x8f: {  	_ = 	snop  }
0x90: {  	(tm) =	ssettm $0x1  }
0x91: {  	s17 =	sld [smem:$0x3FFB];
	_ =	sdelay $0x3  }
0x92: {  	_ =	strace s17  }
0x93: {  	s2 =	sld [smem:$0x3FFC];
	_ =	sdelay $0x3  }
0x94: {  	_ =	strace s2  }
0x95: {  	s2 =	sld [smem:$0x3FFD];
	_ =	sdelay $0x3  }
0x96: {  	_ =	strace s2  }
0x97: {  	_ =	strace $0x8FFFFFFF  }
0x98: {  	s18 =	sld [smem:$0x3FDB];
	_ =	sdelay $0x1  }
0x99: {  	s19 =	simm.s32 $_scs_section_size  }
0x9a: {  	s4 =	simm.s32 $_size__tile_overlayer_lowered;
	s5 =	simm.s32 $_tile_overlayer_lowered  }
0x9b: {  	s22 =	simm.s32 $0x1BFF;
	s21 =	sshll.u32 s5, $0x1;
	s2 =	sadd.s32 s19, s18  }
0x9c: {  	s6 =	simm.s32 $0x0;
	s20 =	sshll.u32 s4, $0x1;
	s4 =	sadd.s32 s21, s2  }
0x9d: {  	[timem:s6], [sflag:s22] =	dma.local [hbm:s4], s20  }
0x9e: {  	_ =	swait.ge [sflag:s22], s20  }
0x9f: {  	s3 =	ssub.s32 $0x0, s20;
	[sflag:s22] =	ssyncset.done $0x0  }
0xa0: {  	[sflag:s22] =	ssyncadd.s32 s3;
	_ =	sdelay $0x1  }
0xa1: {  	s23 =	simm.s32 $0x1B8B  }
0xa2: {  	_ =	swait.ge [sflag:s23], $0x1  }
0xa3: {  	[sflag:s23] =	ssyncset.done $0x0  }
0xa4: {  	s25 =	simm.s32 $0x1B8E;
	s24 =	sld [smem:$0x3FFE];
	[sflag:s23] =	ssyncadd.s32 $0xFFFFFFFF  }
0xa5: {  	s26 =	simm.s32 $execute0_lowered;
	[smem:$0x3FD2] =	sst s25  }
0xa6: {  	s4 =	sshll.u32 s26, $0x1;
	_ =	strace $0x8000004F;
	[dreg:$0x1] =	wrdreg $0xFFFFFFFF  }
0xa7: {  	s28 =	simm.s32 $_size_execute0_lowered;
	s2 =	sadd.s32 s2, s4;
	[dreg:$0x0] =	wrdreg $0x0  }
0xa8: {  	s4 =	sshll.u32 s28, $0x1;
	[dreg:$0x2] =	wrdreg s2  }
0xa9: {  	[dreg:$0x3] =	wrdreg s4  }
0xaa: {  	[dreg:$0x4] =	wrdreg $0xC0  }
0xab: {  	_ =	task [dreg:s6], $0x5FFFF  }
0xac: {  	[dreg:$0x1] =	wrdreg $0xFFFFFFFF  }
0xad: {  	[dreg:$0x0] =	wrdreg $0x60  }
0xae: {  	[dreg:$0x2] =	wrdreg s24  }
0xaf: {  	[dreg:$0x3] =	wrdreg $0x48000  }
0xb0: {  	[dreg:$0x4] =	wrdreg $0x9  }
0xb1: {  	_ =	task.clear_ibuf [dreg:s6], $0x5FFFF;
	_ =	strace $0x9000004F  }
0xb2: {  	s29 =	simm.s32 $0x9;
	_ =	strace $0x80000051  }
0xb3: {  	_ =	swait.ge [sflag:s29], $0x1  }
0xb4: {  	[sflag:s29] =	ssyncadd.s32 $0xFFFFFFFF  }
0xb5: {  	_ =	strace $0x90000051  }
0xb6: {  	_ =	sfence  }
0xb7: {  	s30 =	sld [smem:$0x0];
	_ =	sdelay $0x2  }
0xb8: {  	s31 =	sshll.u32 s1, $0xD;
	s1 =	sshrl.u32 s1, $0x2  }
0xb9: {  	s3 =	sand.u32 $0x4000, s31;
	s1 =	sadd.s32 s1, s30  }
0xba: {  	s0 =	sor.u32 s3, s0;
	s1 =	sshll.u32 s1, $0x11  }
0xbb: {  	s0 =	sor.u32 s1, s0  }
0xbc: {  	s0 =	sadd.s32 $0x8F2B, s0  }
0xbd: {  	[sflag:s0] =	ssyncadd.remote.s32 $0x1  }
0xbe: {  	_ =	sfence.sel $0xFFFF  }
0xbf: {  	[dreg:$0x0] =	wrdreg $0xFFFFFFFF;
	(pc) =	sbr.abs _section_cstart, $3  }
0xc0: {  	[dreg:$0x1] =	wrdreg $0xFFFFFFFF  }
0xc1: {  	_ =	task.clear_ibuf [dreg:s6], $0x2FFFF;
	_ =	strace $0x9FFFFFFF  }
0xc2: {  	(tm) =	ssettm $0x7FFFFFFF  }
0xc3: {  	_ =	shalt  }
tec
execute0_lowered:
.L_overlay_start_1:
0x0: {  	(tag) =	ssettag $0x1  }
0x1: {  	s7 =	rddreg [dreg:$0x0]  }
0x2: {  	s2 =	rddreg [dreg:$0x1]  }
0x3: {  	s0 =	rddreg [dreg:$0x2]  }
0x4: {  	s3 =	simm.s32 $0x0;
	s1 =	stileid.u32;
	s4 =	srdreg.scid  }
0x5: {  	s15 =	simm.s32 $0x28;
	s16 =	simm.s32 $0x2000;
	s17 =	simm.s32 $0x3400  }
0x6: {  	s18 =	simm.s32 $0x1;
	s19 =	simm.s32 $0x2;
	s20 =	simm.s32 $0x1C00  }
0x7: {  	[smem:$0x7FF] =	sst s3;
	s8 =	smul.u32 $0x14000, s1;
	s9 =	sand.u32 $0x1, s4  }
0x8: {  	s4 =	sadd.s32 $0x89A00, s7;
	s5 =	sadd.s32 $0xD9A00, s7;
	s6 =	sadd.s32 $0x9A00, s7  }
0x9: {  	s13 =	smul.u32 $0x50000, s1;
	s29 =	sshll.u32 s1, $0x1;
	s31 =	sshll.u32 s1, $0x6  }
0xa: {  	_ =	strace $0x80000050;
	s10 =	smul.u32 $0x140000, s9;
	s28 =	ssub.s32 $0x2, s9  }
0xb: {  	s9 =	sor.u32 s9, s29;
	s11 =	sshrl.u32 s8, $0x3;
	s12 =	sshrl.u32 s28, $0x1  }
0xc: {  	s30 =	sshrl.u32 s13, $0x2;
	s9 =	smul.u32 $0xA000, s9;
	s8 =	sadd.s32 s8, s10  }
0xd: {  	s11 =	sadd.s32 s11, s7;
	s12 =	ssub.s32 s28, s12;
	s8 =	sshrl.u32 s8, $0x3  }
0xe: {  	s13 =	sadd.s32 s30, s2;
	s14 =	sadd.s32 s8, s7;
	s7 =	sadd.s32 $0x61A00, s11  }
0xf: {  	s8 =	sor.u32 $0x1C03, s31;
	s11 =	smax.u32 s12, $0x1;
	s12 =	sshrl.u32 s13, $0x3  }
0x10: {  	s13 =	simm.s32 $0x3;
	s10 =	sadd.s32 $0x101A00, s14;
	s14 =	simm.s32 $0x1000  }
.LBB2_1:
0x11: {  	[spmem:s12], [sflag:s8] =	dma.local [hbm:s7], $0x2800  }
0x12: {  	_ =	swait.ge [sflag:s13], $0x2800  }
0x13: {  	[sflag:s13] =	ssyncset.done $0x0  }
0x14: {  	[sflag:s13] =	ssyncadd.s32 $0xFFFFD800  }
0x15: {  	s21 =	simm.s32 $0x0;
	[bflag:$0x0] =	sbarrier.arrive $0xFFFF  }
.LBB2_2:
0x16: {  	s22 =	sshll.u32 s21, $0xC  }
0x17: {  	s22 =	sadd.s32 s9, s22  }
0x18: {  	s22 =	sshrl.u32 s22, $0x3  }
0x19: {  	s24 =	simm.s32 $0x0;
	s23 =	sadd.s32 s5, s22  }
0x1a: {  	[tilespmem:s24], [sflag:$0x3] =	stream.linear.gather [hbm4b:s23+s24], $0xC80, $0x38;
	[tilespmem:$0x18800] =	vst v63  }
0x1b: {  	_ =	swait.ge [sflag:s13], $0xC80  }
0x1c: {  	[sflag:s13] =	ssyncset.done $0x0  }
0x1d: {  	s22 =	sadd.s32 s6, s22;
	[sflag:s13] =	ssyncadd.s32 $0xFFFFF380  }
0x1e: {  	[tilespmem:s14], [sflag:$0x3] =	stream.linear.gather [hbm4b:s22+s24], $0xC80, $0x38;
	[tilespmem:$0x18800] =	vst v63  }
0x1f: {  	_ =	swait.ge [sflag:s13], $0xC80  }
0x20: {  	[sflag:s13] =	ssyncset.done $0x0  }
0x21: {  	[sflag:s13] =	ssyncadd.s32 $0xFFFFF380  }
0x22: {  	[tilespmem:s16], [sflag:$0x1] =	stream.indirect.gather [hbm4b:s4+s15], $0x80, s24, s15, $0xb8;
	[tilespmem:$0x18800] =	vst v63  }
0x23: {  	s28 =	simm.s32 $0x80  }
0x24: {  	[tilespmem:s17], [sflag:$0x2] =	stream.indirect.gather [hbm4b:s4+s15], $0x80, s28, s15, $0xb8;
	[tilespmem:$0x18800] =	vst v63  }
0x25: {  	_ =	swait.ge [sflag:s18], $0x1400  }
0x26: {  	[sflag:s18] =	ssyncset.done $0x0  }
0x27: {  	s29 =	simm.s32 $0x1000;
	[sflag:s18] =	ssyncadd.s32 $0xFFFFEC00  }
0x28: {  	[spmem:s2] =	stream.indirect.scatter.add.f32 [tilespmem:s16], [sflag:$0x3], $0x80, s29, s15, $0xb8;
	[tilespmem:$0x18800] =	vst v63  }
0x29: {  	_ =	swait.ge [sflag:s13], $0x1400  }
0x2a: {  	[sflag:s13] =	ssyncset.done $0x0  }
0x2b: {  	s30 =	simm.s32 $0x100;
	[sflag:s13] =	ssyncadd.s32 $0xFFFFEC00  }
0x2c: {  	[tilespmem:s16], [sflag:$0x1] =	stream.indirect.gather [hbm4b:s4+s15], $0x80, s30, s15, $0xb8;
	[tilespmem:$0x18800] =	vst v63  }
0x2d: {  	_ =	swait.ge [sflag:s19], $0x1400  }
0x2e: {  	[sflag:s19] =	ssyncset.done $0x0  }
0x2f: {  	s31 =	simm.s32 $0x1080;
	[sflag:s19] =	ssyncadd.s32 $0xFFFFEC00  }
0x30: {  	[spmem:s2] =	stream.indirect.scatter.add.f32 [tilespmem:s17], [sflag:$0x3], $0x80, s31, s15, $0xb8;
	[tilespmem:$0x18800] =	vst v63  }
0x31: {  	_ =	swait.ge [sflag:s13], $0x1400  }
0x32: {  	s23 =	simm.s32 $0x800;
	s22 =	simm.s32 $0x100;
	[sflag:s13] =	ssyncset.done $0x0  }
.LBB2_3:
0x33: {  	s24 =	sadd.s32 $0x80, s22  }
0x34: {  	[sflag:s13] =	ssyncadd.s32 $0xFFFFEC00;
	s25 =	smov.u32 s23;
	s26 =	sadd.s32 $0x400, s23  }
0x35: {  	[tilespmem:s17], [sflag:$0x2] =	stream.indirect.gather [hbm4b:s4+s15], $0x80, s24, s15, $0xb8;
	[tilespmem:$0x18800] =	vst v63  }
0x36: {  	p0 =	sne.s32 s23, $0x2C00;
	_ =	swait.ge [sflag:s18], $0x1400  }
0x37: {  	[sflag:s18] =	ssyncset.done $0x0  }
0x38: {  	s23 =	sadd.s32 $0x1000, s22;
	[sflag:s18] =	ssyncadd.s32 $0xFFFFEC00  }
0x39: {  	[spmem:s2] =	stream.indirect.scatter.add.f32 [tilespmem:s16], [sflag:$0x3], $0x80, s23, s15, $0xb8;
	[tilespmem:$0x18800] =	vst v63  }
0x3a: {  	_ =	swait.ge [sflag:s13], $0x1400  }
0x3b: {  	[sflag:s13] =	ssyncset.done $0x0  }
0x3c: {  	s23 =	sadd.s32 $0x100, s22;
	[sflag:s13] =	ssyncadd.s32 $0xFFFFEC00  }
0x3d: {  	[tilespmem:s16], [sflag:$0x1] =	stream.indirect.gather [hbm4b:s4+s15], $0x80, s23, s15, $0xb8;
	[tilespmem:$0x18800] =	vst v63  }
0x3e: {  	_ =	swait.ge [sflag:s19], $0x1400  }
.Ltmp0:
0x3f: {  	[sflag:s19] =	ssyncset.done $0x0;
	(pc) =	sbr.rel @p0 .LBB2_3-.Ltmp0, $4  }
0x40: {  	s22 =	sadd.s32 $0x1080, s22;
	[sflag:s19] =	ssyncadd.s32 $0xFFFFEC00  }
0x41: {  	[spmem:s2] =	stream.indirect.scatter.add.f32 [tilespmem:s17], [sflag:$0x3], $0x80, s22, s15, $0xb8;
	[tilespmem:$0x18800] =	vst v63  }
0x42: {  	_ =	swait.ge [sflag:s13], $0x1400  }
0x43: {  	s23 =	smov.u32 s26;
	s22 =	sshra.s32 s25, $0x2;
	[sflag:s13] =	ssyncset.done $0x0  }
0x44: {  	s23 =	sadd.s32 $0x80, s22;
	[sflag:s13] =	ssyncadd.s32 $0xFFFFEC00  }
0x45: {  	[tilespmem:s17], [sflag:$0x2] =	stream.indirect.gather [hbm4b:s4+s15], $0x80, s23, s15, $0xb8;
	[tilespmem:$0x18800] =	vst v63  }
0x46: {  	_ =	swait.ge [sflag:s18], $0x1400  }
0x47: {  	[sflag:s18] =	ssyncset.done $0x0  }
0x48: {  	s29 =	sadd.s32 $0x1000, s22;
	[sflag:s18] =	ssyncadd.s32 $0xFFFFEC00  }
0x49: {  	[spmem:s2] =	stream.indirect.scatter.add.f32 [tilespmem:s16], [sflag:$0x3], $0x80, s29, s15, $0xb8;
	[tilespmem:$0x18800] =	vst v63  }
0x4a: {  	_ =	swait.ge [sflag:s13], $0x1400  }
0x4b: {  	[sflag:s13] =	ssyncset.done $0x0  }
0x4c: {  	s30 =	sadd.s32 $0x100, s22;
	[sflag:s13] =	ssyncadd.s32 $0xFFFFEC00  }
0x4d: {  	[tilespmem:s16], [sflag:$0x1] =	stream.indirect.gather [hbm4b:s4+s15], $0x80, s30, s15, $0xb8;
	[tilespmem:$0x18800] =	vst v63  }
0x4e: {  	_ =	swait.ge [sflag:s19], $0x1400  }
0x4f: {  	[sflag:s19] =	ssyncset.done $0x0  }
0x50: {  	s31 =	sadd.s32 $0x1080, s22;
	[sflag:s19] =	ssyncadd.s32 $0xFFFFEC00  }
0x51: {  	[spmem:s2] =	stream.indirect.scatter.add.f32 [tilespmem:s17], [sflag:$0x3], $0x80, s31, s15, $0xb8;
	[tilespmem:$0x18800] =	vst v63  }
0x52: {  	_ =	swait.ge [sflag:s13], $0x1400  }
0x53: {  	[sflag:s13] =	ssyncset.done $0x0  }
0x54: {  	[sflag:s13] =	ssyncadd.s32 $0xFFFFEC00  }
0x55: {  	s21 =	sadd.s32 $0x1, s21;
	_ =	swait.ge [sflag:s18], $0x1400  }
0x56: {  	p0 =	sne.s32 s21, $0xA;
	[sflag:s18] =	ssyncset.done $0x0  }
.Ltmp1:
0x57: {  	[sflag:s18] =	ssyncadd.s32 $0xFFFFEC00;
	(pc) =	sbr.rel @p0 .LBB2_2-.Ltmp1, $4  }
0x58: {  	[spmem:s2] =	stream.indirect.scatter.add.f32 [tilespmem:s16], [sflag:$0x3], $0x80, s20, s15, $0xb8;
	[tilespmem:$0x18800] =	vst v63  }
0x59: {  	_ =	swait.ge [sflag:s13], $0x1400  }
0x5a: {  	[sflag:s13] =	ssyncset.done $0x0  }
0x5b: {  	[sflag:s13] =	ssyncadd.s32 $0xFFFFEC00  }
0x5c: {  	s3 =	sadd.s32 $0x1, s3  }
0x5d: {  	p0 =	sne.s32 s3, s11  }
.Ltmp2:
0x5e: {  	[bflag:$0x0] =	sbarrier.arrive $0xFFFF;
	(pc) =	sbr.rel @p0 .LBB2_1-.Ltmp2, $4  }
0x5f: {  	[hbm:s10], [sflag:s8] =	dma.local [spmem:s12], $0x2800  }
0x60: {  	_ =	swait.ge [sflag:s13], $0x2800  }
0x61: {  	[sflag:s13] =	ssyncset.done $0x0  }
0x62: {  	[sflag:s13] =	ssyncadd.s32 $0xFFFFD800  }
0x63: {  	_ =	sfence.sel $0x180000  }
0x64: {  	[bflag:$0x0] =	sbarrier.arrive $0xFFFF  }
0x65: {  	p0 =	sne.s32 s1, $0x0;
	_ =	strace $0x90000050  }
0x66: {  	s0 =	sadd.s32 @!p0 $0x100000, s0;
	[bflag:$0x2] =	sbarrier.arrive $0xFFFF  }
0x67: {  	[sflag:s0] =	ssyncadd.tile.s32 @!p0 $0x1;
	_ =	shalt  }
.Lfunc_end2:
_tile_overlayer_lowered:
.L_overlay_start_2:
0x68: {  	(tag) =	ssettag $0x2  }
0x69: {  	s0 =	rddreg [dreg:$0x0];
	s2 =	stileid.u32  }
0x6a: {  	s1 =	rddreg [dreg:$0x1];
	p0 =	sne.s32 s2, $0x0  }
0x6b: {  	s3 =	rddreg [dreg:$0x2];
	[bflag:$0x3] =	sbarrier.arrive $0xFFFF;
	s2 =	simm.s32 @!p0 $0x1C03  }
0x6c: {  	[timem:s3], [sflag:s2] =	dma.local @!p0 [hbm:s0], s1  }
0x6d: {  	s0 =	simm.s32 @!p0 $0x3  }
0x6e: {  	_ =	swait.ge @!p0 [sflag:s0], s1  }
0x6f: {  	s1 =	ssub.s32 @!p0 $0x0, s1;
	[sflag:s0] =	ssyncset.done @!p0 $0x0  }
0x70: {  	[sflag:s0] =	ssyncadd.s32 @!p0 s1  }
0x71: {  	[bflag:$0x3] =	sbarrier.arrive $0xFFFF  }
0x72: {  	_ =	shalt  }

</sc_bundles>
